<compile_context>
chip_gen: v7x
topology: tpu7x:2x2x1
jax: 0.10.2.dev20260603
libtpu: 0.0.44.dev20260713+nightly
codegen_flags: <defaults>
</compile_context>

<pallas_src>
import functools

import jax
import jax.numpy as jnp
from jax import lax
from jax.experimental import pallas as pl
from jax.experimental.pallas import tpu as pltpu
from jax.experimental.pallas import tpu_sc as plsc

BATCH = 16384
D = 128
NC = 2
NS = 16
NW = NC * NS
BPW = BATCH // NW
CH = 64
NCHUNK = BPW // CH


def _mf_body(u_hbm, i_hbm, eu_hbm, ei_hbm, out_hbm,
             idx_u, idx_i, rows_u3, rows_i3,
             out_v, stag,
             sem_iu, sem_ii, sem_u0, sem_i0, sem_u1, sem_i1, sem_u2, sem_i2):
    wid = lax.axis_index("s") * NC + lax.axis_index("c")
    base = wid * BPW

    cps = []
    for c in range(NCHUNK):
        cps.append(pltpu.async_copy(
            u_hbm.at[pl.ds(base + c * CH, CH)], idx_u.at[c], sem_iu))
        cps.append(pltpu.async_copy(
            i_hbm.at[pl.ds(base + c * CH, CH)], idx_i.at[c], sem_ii))
    for cp in cps:
        cp.wait()

    sems = ((sem_u0, sem_i0), (sem_u1, sem_i1), (sem_u2, sem_i2))

    def fire(c, p):
        su, si = sems[p]
        pltpu.async_copy(eu_hbm.at[idx_u.at[c]], rows_u3.at[p], su)
        pltpu.async_copy(ei_hbm.at[idx_i.at[c]], rows_i3.at[p], si)

    def drain(p):
        su, si = sems[p]
        pltpu.make_async_copy(eu_hbm.at[idx_u.at[0]], rows_u3.at[p], su).wait()
        pltpu.make_async_copy(ei_hbm.at[idx_i.at[0]], rows_i3.at[p], si).wait()

    col_base = lax.iota(jnp.int32, 16) * 17

    def dot_chunk(p, c):
        def g_body(g, _):
            for rr in range(16):
                r = g * 16 + rr
                acc = rows_u3[p, r, pl.ds(0, 16)] * rows_i3[p, r, pl.ds(0, 16)]
                for k in range(1, D // 16):
                    acc = acc + (rows_u3[p, r, pl.ds(16 * k, 16)]
                                 * rows_i3[p, r, pl.ds(16 * k, 16)])
                stag[pl.ds(rr * 17, 16)] = acc
            cols = [plsc.load_gather(stag, [col_base + j]) for j in range(16)]
            while len(cols) > 1:
                cols = [cols[i] + cols[i + 1] for i in range(0, len(cols), 2)]
            out_v[pl.ds(c * CH + g * 16, 16)] = cols[0]
            return 0

        lax.fori_loop(0, CH // 16, g_body, 0)

    fire(0, 0)
    fire(1, 1)
    fire(2, 2)

    def c_body(c, _):
        p = lax.rem(c, 3)

        for q in range(3):
            @pl.when(p == q)
            def _(q=q):
                drain(q)

        dot_chunk(p, c)

        for q in range(3):
            @pl.when(jnp.logical_and(c + 3 < NCHUNK, p == q))
            def _(q=q):
                fire(c + 3, q)

        return 0

    lax.fori_loop(0, NCHUNK, c_body, 0)

    pltpu.sync_copy(out_v, out_hbm.at[pl.ds(base, BPW)])


@jax.jit
def _mf(u, i, emb_u, emb_i):
    run = pl.kernel(
        _mf_body,
        out_type=jax.ShapeDtypeStruct((BATCH,), jnp.float32),
        mesh=plsc.VectorSubcoreMesh(core_axis_name="c", subcore_axis_name="s"),
        compiler_params=pltpu.CompilerParams(needs_layout_passes=False),
        scratch_types=[
            pltpu.VMEM((NCHUNK, CH), jnp.int32),
            pltpu.VMEM((NCHUNK, CH), jnp.int32),
            pltpu.VMEM((3, CH, D), jnp.float32),
            pltpu.VMEM((3, CH, D), jnp.float32),
            pltpu.VMEM((BPW,), jnp.float32),
            pltpu.VMEM((16 * 17,), jnp.float32),
            pltpu.SemaphoreType.DMA,
            pltpu.SemaphoreType.DMA,
            pltpu.SemaphoreType.DMA,
            pltpu.SemaphoreType.DMA,
            pltpu.SemaphoreType.DMA,
            pltpu.SemaphoreType.DMA,
            pltpu.SemaphoreType.DMA,
            pltpu.SemaphoreType.DMA,
        ],
    )
    return run(u, i, emb_u, emb_i)


def kernel(u, i, emb_u, emb_i):
    return _mf(u.astype(jnp.int32), i.astype(jnp.int32), emb_u, emb_i)

# --- scband reference (transcript-rebuilt; emitter-appended) ---
"""Pipeline reference for scband-mfbaseline-15831249453269 (READ-ONLY COPY).

The authoritative reference and input builder live on the scoring server;
editing this copy changes nothing except your own understanding.
"""

import jax, jax.numpy as jnp
import numpy as np

N_USERS = 100000
N_ITEMS = 100000
N_LATENT = 128
BATCH = 16384


def _orthogonal_init(key, shape, dtype=jnp.float32):
    # mimic nn.init.orthogonal_ for a (rows, cols) matrix
    rows, cols = shape
    n = max(rows, cols)
    a = jax.random.normal(key, (n, min(rows, cols)), dtype=jnp.float32)
    q, r = jnp.linalg.qr(a)
    d = jnp.sign(jnp.diagonal(r))
    q = q * d[None, :]
    if rows < cols:
        q = q.T
    return q[:rows, :cols].astype(dtype)


def setup_inputs(seed: int = 0) -> dict:
    key = jax.random.key(seed)
    k_u, k_i, k_eu, k_ei = jax.random.split(key, 4)
    u = jax.random.randint(k_u, (BATCH,), 0, N_USERS, dtype=jnp.int64 if jax.config.jax_enable_x64 else jnp.int32)
    i = jax.random.randint(k_i, (BATCH,), 0, N_ITEMS, dtype=jnp.int64 if jax.config.jax_enable_x64 else jnp.int32)
    # Orthogonal init is expensive at this size; use scaled normal as a faithful stand-in
    # for the learned embedding tables (same shapes/dtypes as nn.Embedding weights).
    emb_u = jax.random.normal(k_eu, (N_USERS, N_LATENT), dtype=jnp.float32) * (1.0 / np.sqrt(N_LATENT))
    emb_i = jax.random.normal(k_ei, (N_ITEMS, N_LATENT), dtype=jnp.float32) * (1.0 / np.sqrt(N_LATENT))
    return {"u": u, "i": i, "emb_u": emb_u, "emb_i": emb_i}


def reference(u, i, emb_u, emb_i):
    # forward: e_u = emb_u(u); e_i = emb_i(i); return (e_u * e_i).sum(1)
    e_u = jnp.take(emb_u, u, axis=0)
    e_i = jnp.take(emb_i, i, axis=0)
    return (e_u * e_i).sum(axis=1)

if __name__ == "__main__":
    import jax
    _d = setup_inputs()
    print(jax.jit(kernel)(*tuple(_d.values())))

</pallas_src>

<mosaic_0001>
#map = affine_map<(d0, d1) -> (0)>
#map1 = affine_map<(d0, d1) -> (0, 0)>
module attributes {stable_mosaic.version = 14 : i64} {
  func.func @_mf_body(%arg0: i32, %arg1: i32, %arg2: memref<16384xi32, #tpu.memory_space<hbm>>, %arg3: memref<16384xi32, #tpu.memory_space<hbm>>, %arg4: memref<100000x128xf32, #tpu.memory_space<hbm>>, %arg5: memref<100000x128xf32, #tpu.memory_space<hbm>>, %arg6: memref<16384xf32, #tpu.memory_space<hbm>>, %arg7: memref<8x64xi32, #tpu.memory_space<vmem>>, %arg8: memref<8x64xi32, #tpu.memory_space<vmem>>, %arg9: memref<3x64x128xf32, #tpu.memory_space<vmem>>, %arg10: memref<3x64x128xf32, #tpu.memory_space<vmem>>, %arg11: memref<512xf32, #tpu.memory_space<vmem>>, %arg12: memref<272xf32, #tpu.memory_space<vmem>>, %arg13: memref<!tpu.dma_semaphore, #tpu.memory_space<semaphore_mem>>, %arg14: memref<!tpu.dma_semaphore, #tpu.memory_space<semaphore_mem>>, %arg15: memref<!tpu.dma_semaphore, #tpu.memory_space<semaphore_mem>>, %arg16: memref<!tpu.dma_semaphore, #tpu.memory_space<semaphore_mem>>, %arg17: memref<!tpu.dma_semaphore, #tpu.memory_space<semaphore_mem>>, %arg18: memref<!tpu.dma_semaphore, #tpu.memory_space<semaphore_mem>>, %arg19: memref<!tpu.dma_semaphore, #tpu.memory_space<semaphore_mem>>, %arg20: memref<!tpu.dma_semaphore, #tpu.memory_space<semaphore_mem>>) attributes {dimension_semantics = [#tpu.dimension_semantics<core_parallel>, #tpu.dimension_semantics<subcore_parallel>], iteration_bounds = array<i64: 2, 16>, scalar_prefetch = 0 : i64, scratch_operands = 14 : i64, tpu.core_type = #tpu.core_type<sc_vector_subcore>, window_params = [{transform_indices = #map}, {transform_indices = #map}, {transform_indices = #map1}, {transform_indices = #map1}, {transform_indices = #map}]} {
    %mul3A = arith.constant 2 : i32
    %mul3A_0 = arith.muli %arg1, %mul3A : i32
    %add3A = arith.addi %mul3A_0, %arg0 : i32
    %mul3A_1 = arith.constant 512 : i32
    %mul3A_2 = arith.muli %add3A, %mul3A_1 : i32
    %add3A_3 = arith.constant 0 : i32
    %add3A_4 = arith.addi %mul3A_2, %add3A_3 : i32
    %dma_start3A = arith.constant 0 : i32
    %dma_start3A_5 = arith.constant 0 : i32
    %dma_start3A_6 = tpu.memref_slice %arg7[%dma_start3A, %dma_start3A_5] : memref<8x64xi32, #tpu.memory_space<vmem>> -> memref<1x64xi32, #tpu.memory_space<vmem>>
    %dma_start3A_7 = tpu.memref_squeeze %dma_start3A_6 : memref<1x64xi32, #tpu.memory_space<vmem>> -> memref<64xi32, #tpu.memory_space<vmem>>
    %dma_start3A_8 = tpu.memref_slice %arg2[%add3A_4] : memref<16384xi32, #tpu.memory_space<hbm>> -> memref<64xi32, #tpu.memory_space<hbm>>
    %dma_start3A_9 = arith.constant 0 : i32
    %dma_start3A_10 = tpu.memref_slice %arg7[%dma_start3A, %dma_start3A_9] : memref<8x64xi32, #tpu.memory_space<vmem>> -> memref<1x64xi32, #tpu.memory_space<vmem>>
    %dma_start3A_11 = tpu.memref_squeeze %dma_start3A_10 : memref<1x64xi32, #tpu.memory_space<vmem>> -> memref<64xi32, #tpu.memory_space<vmem>>
    %dma_start3A_12 = tpu.memref_slice %arg2[%add3A_4] : memref<16384xi32, #tpu.memory_space<hbm>> -> memref<64xi32, #tpu.memory_space<hbm>>
    tpu.enqueue_dma source(%dma_start3A_12 : memref<64xi32, #tpu.memory_space<hbm>>) target(%dma_start3A_11 : memref<64xi32, #tpu.memory_space<vmem>>) target_semaphore(%arg13 : memref<!tpu.dma_semaphore, #tpu.memory_space<semaphore_mem>>)
    %add3A_13 = arith.constant 0 : i32
    %add3A_14 = arith.addi %mul3A_2, %add3A_13 : i32
    %dma_start3A_15 = arith.constant 0 : i32
    %dma_start3A_16 = arith.constant 0 : i32
    %dma_start3A_17 = tpu.memref_slice %arg8[%dma_start3A_15, %dma_start3A_16] : memref<8x64xi32, #tpu.memory_space<vmem>> -> memref<1x64xi32, #tpu.memory_space<vmem>>
    %dma_start3A_18 = tpu.memref_squeeze %dma_start3A_17 : memref<1x64xi32, #tpu.memory_space<vmem>> -> memref<64xi32, #tpu.memory_space<vmem>>
    %dma_start3A_19 = tpu.memref_slice %arg3[%add3A_14] : memref<16384xi32, #tpu.memory_space<hbm>> -> memref<64xi32, #tpu.memory_space<hbm>>
    %dma_start3A_20 = arith.constant 0 : i32
    %dma_start3A_21 = tpu.memref_slice %arg8[%dma_start3A_15, %dma_start3A_20] : memref<8x64xi32, #tpu.memory_space<vmem>> -> memref<1x64xi32, #tpu.memory_space<vmem>>
    %dma_start3A_22 = tpu.memref_squeeze %dma_start3A_21 : memref<1x64xi32, #tpu.memory_space<vmem>> -> memref<64xi32, #tpu.memory_space<vmem>>
    %dma_start3A_23 = tpu.memref_slice %arg3[%add3A_14] : memref<16384xi32, #tpu.memory_space<hbm>> -> memref<64xi32, #tpu.memory_space<hbm>>
    tpu.enqueue_dma source(%dma_start3A_23 : memref<64xi32, #tpu.memory_space<hbm>>) target(%dma_start3A_22 : memref<64xi32, #tpu.memory_space<vmem>>) target_semaphore(%arg14 : memref<!tpu.dma_semaphore, #tpu.memory_space<semaphore_mem>>)
    %add3A_24 = arith.constant 64 : i32
    %add3A_25 = arith.addi %mul3A_2, %add3A_24 : i32
    %dma_start3A_26 = arith.constant 1 : i32
    %dma_start3A_27 = arith.constant 0 : i32
    %dma_start3A_28 = tpu.memref_slice %arg7[%dma_start3A_26, %dma_start3A_27] : memref<8x64xi32, #tpu.memory_space<vmem>> -> memref<1x64xi32, #tpu.memory_space<vmem>>
    %dma_start3A_29 = tpu.memref_squeeze %dma_start3A_28 : memref<1x64xi32, #tpu.memory_space<vmem>> -> memref<64xi32, #tpu.memory_space<vmem>>
    %dma_start3A_30 = tpu.memref_slice %arg2[%add3A_25] : memref<16384xi32, #tpu.memory_space<hbm>> -> memref<64xi32, #tpu.memory_space<hbm>>
    %dma_start3A_31 = arith.constant 0 : i32
    %dma_start3A_32 = tpu.memref_slice %arg7[%dma_start3A_26, %dma_start3A_31] : memref<8x64xi32, #tpu.memory_space<vmem>> -> memref<1x64xi32, #tpu.memory_space<vmem>>
    %dma_start3A_33 = tpu.memref_squeeze %dma_start3A_32 : memref<1x64xi32, #tpu.memory_space<vmem>> -> memref<64xi32, #tpu.memory_space<vmem>>
    %dma_start3A_34 = tpu.memref_slice %arg2[%add3A_25] : memref<16384xi32, #tpu.memory_space<hbm>> -> memref<64xi32, #tpu.memory_space<hbm>>
    tpu.enqueue_dma source(%dma_start3A_34 : memref<64xi32, #tpu.memory_space<hbm>>) target(%dma_start3A_33 : memref<64xi32, #tpu.memory_space<vmem>>) target_semaphore(%arg13 : memref<!tpu.dma_semaphore, #tpu.memory_space<semaphore_mem>>)
    %add3A_35 = arith.constant 64 : i32
    %add3A_36 = arith.addi %mul3A_2, %add3A_35 : i32
    %dma_start3A_37 = arith.constant 1 : i32
    %dma_start3A_38 = arith.constant 0 : i32
    %dma_start3A_39 = tpu.memref_slice %arg8[%dma_start3A_37, %dma_start3A_38] : memref<8x64xi32, #tpu.memory_space<vmem>> -> memref<1x64xi32, #tpu.memory_space<vmem>>
    %dma_start3A_40 = tpu.memref_squeeze %dma_start3A_39 : memref<1x64xi32, #tpu.memory_space<vmem>> -> memref<64xi32, #tpu.memory_space<vmem>>
    %dma_start3A_41 = tpu.memref_slice %arg3[%add3A_36] : memref<16384xi32, #tpu.memory_space<hbm>> -> memref<64xi32, #tpu.memory_space<hbm>>
    %dma_start3A_42 = arith.constant 0 : i32
    %dma_start3A_43 = tpu.memref_slice %arg8[%dma_start3A_37, %dma_start3A_42] : memref<8x64xi32, #tpu.memory_space<vmem>> -> memref<1x64xi32, #tpu.memory_space<vmem>>
    %dma_start3A_44 = tpu.memref_squeeze %dma_start3A_43 : memref<1x64xi32, #tpu.memory_space<vmem>> -> memref<64xi32, #tpu.memory_space<vmem>>
    %dma_start3A_45 = tpu.memref_slice %arg3[%add3A_36] : memref<16384xi32, #tpu.memory_space<hbm>> -> memref<64xi32, #tpu.memory_space<hbm>>
    tpu.enqueue_dma source(%dma_start3A_45 : memref<64xi32, #tpu.memory_space<hbm>>) target(%dma_start3A_44 : memref<64xi32, #tpu.memory_space<vmem>>) target_semaphore(%arg14 : memref<!tpu.dma_semaphore, #tpu.memory_space<semaphore_mem>>)
    %add3A_46 = arith.constant 128 : i32
    %add3A_47 = arith.addi %mul3A_2, %add3A_46 : i32
    %dma_start3A_48 = arith.constant 2 : i32
    %dma_start3A_49 = arith.constant 0 : i32
    %dma_start3A_50 = tpu.memref_slice %arg7[%dma_start3A_48, %dma_start3A_49] : memref<8x64xi32, #tpu.memory_space<vmem>> -> memref<1x64xi32, #tpu.memory_space<vmem>>
    %dma_start3A_51 = tpu.memref_squeeze %dma_start3A_50 : memref<1x64xi32, #tpu.memory_space<vmem>> -> memref<64xi32, #tpu.memory_space<vmem>>
    %dma_start3A_52 = tpu.memref_slice %arg2[%add3A_47] : memref<16384xi32, #tpu.memory_space<hbm>> -> memref<64xi32, #tpu.memory_space<hbm>>
    %dma_start3A_53 = arith.constant 0 : i32
    %dma_start3A_54 = tpu.memref_slice %arg7[%dma_start3A_48, %dma_start3A_53] : memref<8x64xi32, #tpu.memory_space<vmem>> -> memref<1x64xi32, #tpu.memory_space<vmem>>
    %dma_start3A_55 = tpu.memref_squeeze %dma_start3A_54 : memref<1x64xi32, #tpu.memory_space<vmem>> -> memref<64xi32, #tpu.memory_space<vmem>>
    %dma_start3A_56 = tpu.memref_slice %arg2[%add3A_47] : memref<16384xi32, #tpu.memory_space<hbm>> -> memref<64xi32, #tpu.memory_space<hbm>>
    tpu.enqueue_dma source(%dma_start3A_56 : memref<64xi32, #tpu.memory_space<hbm>>) target(%dma_start3A_55 : memref<64xi32, #tpu.memory_space<vmem>>) target_semaphore(%arg13 : memref<!tpu.dma_semaphore, #tpu.memory_space<semaphore_mem>>)
    %add3A_57 = arith.constant 128 : i32
    %add3A_58 = arith.addi %mul3A_2, %add3A_57 : i32
    %dma_start3A_59 = arith.constant 2 : i32
    %dma_start3A_60 = arith.constant 0 : i32
    %dma_start3A_61 = tpu.memref_slice %arg8[%dma_start3A_59, %dma_start3A_60] : memref<8x64xi32, #tpu.memory_space<vmem>> -> memref<1x64xi32, #tpu.memory_space<vmem>>
    %dma_start3A_62 = tpu.memref_squeeze %dma_start3A_61 : memref<1x64xi32, #tpu.memory_space<vmem>> -> memref<64xi32, #tpu.memory_space<vmem>>
    %dma_start3A_63 = tpu.memref_slice %arg3[%add3A_58] : memref<16384xi32, #tpu.memory_space<hbm>> -> memref<64xi32, #tpu.memory_space<hbm>>
    %dma_start3A_64 = arith.constant 0 : i32
    %dma_start3A_65 = tpu.memref_slice %arg8[%dma_start3A_59, %dma_start3A_64] : memref<8x64xi32, #tpu.memory_space<vmem>> -> memref<1x64xi32, #tpu.memory_space<vmem>>
    %dma_start3A_66 = tpu.memref_squeeze %dma_start3A_65 : memref<1x64xi32, #tpu.memory_space<vmem>> -> memref<64xi32, #tpu.memory_space<vmem>>
    %dma_start3A_67 = tpu.memref_slice %arg3[%add3A_58] : memref<16384xi32, #tpu.memory_space<hbm>> -> memref<64xi32, #tpu.memory_space<hbm>>
    tpu.enqueue_dma source(%dma_start3A_67 : memref<64xi32, #tpu.memory_space<hbm>>) target(%dma_start3A_66 : memref<64xi32, #tpu.memory_space<vmem>>) target_semaphore(%arg14 : memref<!tpu.dma_semaphore, #tpu.memory_space<semaphore_mem>>)
    %add3A_68 = arith.constant 192 : i32
    %add3A_69 = arith.addi %mul3A_2, %add3A_68 : i32
    %dma_start3A_70 = arith.constant 3 : i32
    %dma_start3A_71 = arith.constant 0 : i32
    %dma_start3A_72 = tpu.memref_slice %arg7[%dma_start3A_70, %dma_start3A_71] : memref<8x64xi32, #tpu.memory_space<vmem>> -> memref<1x64xi32, #tpu.memory_space<vmem>>
    %dma_start3A_73 = tpu.memref_squeeze %dma_start3A_72 : memref<1x64xi32, #tpu.memory_space<vmem>> -> memref<64xi32, #tpu.memory_space<vmem>>
    %dma_start3A_74 = tpu.memref_slice %arg2[%add3A_69] : memref<16384xi32, #tpu.memory_space<hbm>> -> memref<64xi32, #tpu.memory_space<hbm>>
    %dma_start3A_75 = arith.constant 0 : i32
    %dma_start3A_76 = tpu.memref_slice %arg7[%dma_start3A_70, %dma_start3A_75] : memref<8x64xi32, #tpu.memory_space<vmem>> -> memref<1x64xi32, #tpu.memory_space<vmem>>
    %dma_start3A_77 = tpu.memref_squeeze %dma_start3A_76 : memref<1x64xi32, #tpu.memory_space<vmem>> -> memref<64xi32, #tpu.memory_space<vmem>>
    %dma_start3A_78 = tpu.memref_slice %arg2[%add3A_69] : memref<16384xi32, #tpu.memory_space<hbm>> -> memref<64xi32, #tpu.memory_space<hbm>>
    tpu.enqueue_dma source(%dma_start3A_78 : memref<64xi32, #tpu.memory_space<hbm>>) target(%dma_start3A_77 : memref<64xi32, #tpu.memory_space<vmem>>) target_semaphore(%arg13 : memref<!tpu.dma_semaphore, #tpu.memory_space<semaphore_mem>>)
    %add3A_79 = arith.constant 192 : i32
    %add3A_80 = arith.addi %mul3A_2, %add3A_79 : i32
    %dma_start3A_81 = arith.constant 3 : i32
    %dma_start3A_82 = arith.constant 0 : i32
    %dma_start3A_83 = tpu.memref_slice %arg8[%dma_start3A_81, %dma_start3A_82] : memref<8x64xi32, #tpu.memory_space<vmem>> -> memref<1x64xi32, #tpu.memory_space<vmem>>
    %dma_start3A_84 = tpu.memref_squeeze %dma_start3A_83 : memref<1x64xi32, #tpu.memory_space<vmem>> -> memref<64xi32, #tpu.memory_space<vmem>>
    %dma_start3A_85 = tpu.memref_slice %arg3[%add3A_80] : memref<16384xi32, #tpu.memory_space<hbm>> -> memref<64xi32, #tpu.memory_space<hbm>>
    %dma_start3A_86 = arith.constant 0 : i32
    %dma_start3A_87 = tpu.memref_slice %arg8[%dma_start3A_81, %dma_start3A_86] : memref<8x64xi32, #tpu.memory_space<vmem>> -> memref<1x64xi32, #tpu.memory_space<vmem>>
    %dma_start3A_88 = tpu.memref_squeeze %dma_start3A_87 : memref<1x64xi32, #tpu.memory_space<vmem>> -> memref<64xi32, #tpu.memory_space<vmem>>
    %dma_start3A_89 = tpu.memref_slice %arg3[%add3A_80] : memref<16384xi32, #tpu.memory_space<hbm>> -> memref<64xi32, #tpu.memory_space<hbm>>
    tpu.enqueue_dma source(%dma_start3A_89 : memref<64xi32, #tpu.memory_space<hbm>>) target(%dma_start3A_88 : memref<64xi32, #tpu.memory_space<vmem>>) target_semaphore(%arg14 : memref<!tpu.dma_semaphore, #tpu.memory_space<semaphore_mem>>)
    %add3A_90 = arith.constant 256 : i32
    %add3A_91 = arith.addi %mul3A_2, %add3A_90 : i32
    %dma_start3A_92 = arith.constant 4 : i32
    %dma_start3A_93 = arith.constant 0 : i32
    %dma_start3A_94 = tpu.memref_slice %arg7[%dma_start3A_92, %dma_start3A_93] : memref<8x64xi32, #tpu.memory_space<vmem>> -> memref<1x64xi32, #tpu.memory_space<vmem>>
    %dma_start3A_95 = tpu.memref_squeeze %dma_start3A_94 : memref<1x64xi32, #tpu.memory_space<vmem>> -> memref<64xi32, #tpu.memory_space<vmem>>
    %dma_start3A_96 = tpu.memref_slice %arg2[%add3A_91] : memref<16384xi32, #tpu.memory_space<hbm>> -> memref<64xi32, #tpu.memory_space<hbm>>
    %dma_start3A_97 = arith.constant 0 : i32
    %dma_start3A_98 = tpu.memref_slice %arg7[%dma_start3A_92, %dma_start3A_97] : memref<8x64xi32, #tpu.memory_space<vmem>> -> memref<1x64xi32, #tpu.memory_space<vmem>>
    %dma_start3A_99 = tpu.memref_squeeze %dma_start3A_98 : memref<1x64xi32, #tpu.memory_space<vmem>> -> memref<64xi32, #tpu.memory_space<vmem>>
    %dma_start3A_100 = tpu.memref_slice %arg2[%add3A_91] : memref<16384xi32, #tpu.memory_space<hbm>> -> memref<64xi32, #tpu.memory_space<hbm>>
    tpu.enqueue_dma source(%dma_start3A_100 : memref<64xi32, #tpu.memory_space<hbm>>) target(%dma_start3A_99 : memref<64xi32, #tpu.memory_space<vmem>>) target_semaphore(%arg13 : memref<!tpu.dma_semaphore, #tpu.memory_space<semaphore_mem>>)
    %add3A_101 = arith.constant 256 : i32
    %add3A_102 = arith.addi %mul3A_2, %add3A_101 : i32
    %dma_start3A_103 = arith.constant 4 : i32
    %dma_start3A_104 = arith.constant 0 : i32
    %dma_start3A_105 = tpu.memref_slice %arg8[%dma_start3A_103, %dma_start3A_104] : memref<8x64xi32, #tpu.memory_space<vmem>> -> memref<1x64xi32, #tpu.memory_space<vmem>>
    %dma_start3A_106 = tpu.memref_squeeze %dma_start3A_105 : memref<1x64xi32, #tpu.memory_space<vmem>> -> memref<64xi32, #tpu.memory_space<vmem>>
    %dma_start3A_107 = tpu.memref_slice %arg3[%add3A_102] : memref<16384xi32, #tpu.memory_space<hbm>> -> memref<64xi32, #tpu.memory_space<hbm>>
    %dma_start3A_108 = arith.constant 0 : i32
    %dma_start3A_109 = tpu.memref_slice %arg8[%dma_start3A_103, %dma_start3A_108] : memref<8x64xi32, #tpu.memory_space<vmem>> -> memref<1x64xi32, #tpu.memory_space<vmem>>
    %dma_start3A_110 = tpu.memref_squeeze %dma_start3A_109 : memref<1x64xi32, #tpu.memory_space<vmem>> -> memref<64xi32, #tpu.memory_space<vmem>>
    %dma_start3A_111 = tpu.memref_slice %arg3[%add3A_102] : memref<16384xi32, #tpu.memory_space<hbm>> -> memref<64xi32, #tpu.memory_space<hbm>>
    tpu.enqueue_dma source(%dma_start3A_111 : memref<64xi32, #tpu.memory_space<hbm>>) target(%dma_start3A_110 : memref<64xi32, #tpu.memory_space<vmem>>) target_semaphore(%arg14 : memref<!tpu.dma_semaphore, #tpu.memory_space<semaphore_mem>>)
    %add3A_112 = arith.constant 320 : i32
    %add3A_113 = arith.addi %mul3A_2, %add3A_112 : i32
    %dma_start3A_114 = arith.constant 5 : i32
    %dma_start3A_115 = arith.constant 0 : i32
    %dma_start3A_116 = tpu.memref_slice %arg7[%dma_start3A_114, %dma_start3A_115] : memref<8x64xi32, #tpu.memory_space<vmem>> -> memref<1x64xi32, #tpu.memory_space<vmem>>
    %dma_start3A_117 = tpu.memref_squeeze %dma_start3A_116 : memref<1x64xi32, #tpu.memory_space<vmem>> -> memref<64xi32, #tpu.memory_space<vmem>>
    %dma_start3A_118 = tpu.memref_slice %arg2[%add3A_113] : memref<16384xi32, #tpu.memory_space<hbm>> -> memref<64xi32, #tpu.memory_space<hbm>>
    %dma_start3A_119 = arith.constant 0 : i32
    %dma_start3A_120 = tpu.memref_slice %arg7[%dma_start3A_114, %dma_start3A_119] : memref<8x64xi32, #tpu.memory_space<vmem>> -> memref<1x64xi32, #tpu.memory_space<vmem>>
    %dma_start3A_121 = tpu.memref_squeeze %dma_start3A_120 : memref<1x64xi32, #tpu.memory_space<vmem>> -> memref<64xi32, #tpu.memory_space<vmem>>
    %dma_start3A_122 = tpu.memref_slice %arg2[%add3A_113] : memref<16384xi32, #tpu.memory_space<hbm>> -> memref<64xi32, #tpu.memory_space<hbm>>
    tpu.enqueue_dma source(%dma_start3A_122 : memref<64xi32, #tpu.memory_space<hbm>>) target(%dma_start3A_121 : memref<64xi32, #tpu.memory_space<vmem>>) target_semaphore(%arg13 : memref<!tpu.dma_semaphore, #tpu.memory_space<semaphore_mem>>)
    %add3A_123 = arith.constant 320 : i32
    %add3A_124 = arith.addi %mul3A_2, %add3A_123 : i32
    %dma_start3A_125 = arith.constant 5 : i32
    %dma_start3A_126 = arith.constant 0 : i32
    %dma_start3A_127 = tpu.memref_slice %arg8[%dma_start3A_125, %dma_start3A_126] : memref<8x64xi32, #tpu.memory_space<vmem>> -> memref<1x64xi32, #tpu.memory_space<vmem>>
    %dma_start3A_128 = tpu.memref_squeeze %dma_start3A_127 : memref<1x64xi32, #tpu.memory_space<vmem>> -> memref<64xi32, #tpu.memory_space<vmem>>
    %dma_start3A_129 = tpu.memref_slice %arg3[%add3A_124] : memref<16384xi32, #tpu.memory_space<hbm>> -> memref<64xi32, #tpu.memory_space<hbm>>
    %dma_start3A_130 = arith.constant 0 : i32
    %dma_start3A_131 = tpu.memref_slice %arg8[%dma_start3A_125, %dma_start3A_130] : memref<8x64xi32, #tpu.memory_space<vmem>> -> memref<1x64xi32, #tpu.memory_space<vmem>>
    %dma_start3A_132 = tpu.memref_squeeze %dma_start3A_131 : memref<1x64xi32, #tpu.memory_space<vmem>> -> memref<64xi32, #tpu.memory_space<vmem>>
    %dma_start3A_133 = tpu.memref_slice %arg3[%add3A_124] : memref<16384xi32, #tpu.memory_space<hbm>> -> memref<64xi32, #tpu.memory_space<hbm>>
    tpu.enqueue_dma source(%dma_start3A_133 : memref<64xi32, #tpu.memory_space<hbm>>) target(%dma_start3A_132 : memref<64xi32, #tpu.memory_space<vmem>>) target_semaphore(%arg14 : memref<!tpu.dma_semaphore, #tpu.memory_space<semaphore_mem>>)
    %add3A_134 = arith.constant 384 : i32
    %add3A_135 = arith.addi %mul3A_2, %add3A_134 : i32
    %dma_start3A_136 = arith.constant 6 : i32
    %dma_start3A_137 = arith.constant 0 : i32
    %dma_start3A_138 = tpu.memref_slice %arg7[%dma_start3A_136, %dma_start3A_137] : memref<8x64xi32, #tpu.memory_space<vmem>> -> memref<1x64xi32, #tpu.memory_space<vmem>>
    %dma_start3A_139 = tpu.memref_squeeze %dma_start3A_138 : memref<1x64xi32, #tpu.memory_space<vmem>> -> memref<64xi32, #tpu.memory_space<vmem>>
    %dma_start3A_140 = tpu.memref_slice %arg2[%add3A_135] : memref<16384xi32, #tpu.memory_space<hbm>> -> memref<64xi32, #tpu.memory_space<hbm>>
    %dma_start3A_141 = arith.constant 0 : i32
    %dma_start3A_142 = tpu.memref_slice %arg7[%dma_start3A_136, %dma_start3A_141] : memref<8x64xi32, #tpu.memory_space<vmem>> -> memref<1x64xi32, #tpu.memory_space<vmem>>
    %dma_start3A_143 = tpu.memref_squeeze %dma_start3A_142 : memref<1x64xi32, #tpu.memory_space<vmem>> -> memref<64xi32, #tpu.memory_space<vmem>>
    %dma_start3A_144 = tpu.memref_slice %arg2[%add3A_135] : memref<16384xi32, #tpu.memory_space<hbm>> -> memref<64xi32, #tpu.memory_space<hbm>>
    tpu.enqueue_dma source(%dma_start3A_144 : memref<64xi32, #tpu.memory_space<hbm>>) target(%dma_start3A_143 : memref<64xi32, #tpu.memory_space<vmem>>) target_semaphore(%arg13 : memref<!tpu.dma_semaphore, #tpu.memory_space<semaphore_mem>>)
    %add3A_145 = arith.constant 384 : i32
    %add3A_146 = arith.addi %mul3A_2, %add3A_145 : i32
    %dma_start3A_147 = arith.constant 6 : i32
    %dma_start3A_148 = arith.constant 0 : i32
    %dma_start3A_149 = tpu.memref_slice %arg8[%dma_start3A_147, %dma_start3A_148] : memref<8x64xi32, #tpu.memory_space<vmem>> -> memref<1x64xi32, #tpu.memory_space<vmem>>
    %dma_start3A_150 = tpu.memref_squeeze %dma_start3A_149 : memref<1x64xi32, #tpu.memory_space<vmem>> -> memref<64xi32, #tpu.memory_space<vmem>>
    %dma_start3A_151 = tpu.memref_slice %arg3[%add3A_146] : memref<16384xi32, #tpu.memory_space<hbm>> -> memref<64xi32, #tpu.memory_space<hbm>>
    %dma_start3A_152 = arith.constant 0 : i32
    %dma_start3A_153 = tpu.memref_slice %arg8[%dma_start3A_147, %dma_start3A_152] : memref<8x64xi32, #tpu.memory_space<vmem>> -> memref<1x64xi32, #tpu.memory_space<vmem>>
    %dma_start3A_154 = tpu.memref_squeeze %dma_start3A_153 : memref<1x64xi32, #tpu.memory_space<vmem>> -> memref<64xi32, #tpu.memory_space<vmem>>
    %dma_start3A_155 = tpu.memref_slice %arg3[%add3A_146] : memref<16384xi32, #tpu.memory_space<hbm>> -> memref<64xi32, #tpu.memory_space<hbm>>
    tpu.enqueue_dma source(%dma_start3A_155 : memref<64xi32, #tpu.memory_space<hbm>>) target(%dma_start3A_154 : memref<64xi32, #tpu.memory_space<vmem>>) target_semaphore(%arg14 : memref<!tpu.dma_semaphore, #tpu.memory_space<semaphore_mem>>)
    %add3A_156 = arith.constant 448 : i32
    %add3A_157 = arith.addi %mul3A_2, %add3A_156 : i32
    %dma_start3A_158 = arith.constant 7 : i32
    %dma_start3A_159 = arith.constant 0 : i32
    %dma_start3A_160 = tpu.memref_slice %arg7[%dma_start3A_158, %dma_start3A_159] : memref<8x64xi32, #tpu.memory_space<vmem>> -> memref<1x64xi32, #tpu.memory_space<vmem>>
    %dma_start3A_161 = tpu.memref_squeeze %dma_start3A_160 : memref<1x64xi32, #tpu.memory_space<vmem>> -> memref<64xi32, #tpu.memory_space<vmem>>
    %dma_start3A_162 = tpu.memref_slice %arg2[%add3A_157] : memref<16384xi32, #tpu.memory_space<hbm>> -> memref<64xi32, #tpu.memory_space<hbm>>
    %dma_start3A_163 = arith.constant 0 : i32
    %dma_start3A_164 = tpu.memref_slice %arg7[%dma_start3A_158, %dma_start3A_163] : memref<8x64xi32, #tpu.memory_space<vmem>> -> memref<1x64xi32, #tpu.memory_space<vmem>>
    %dma_start3A_165 = tpu.memref_squeeze %dma_start3A_164 : memref<1x64xi32, #tpu.memory_space<vmem>> -> memref<64xi32, #tpu.memory_space<vmem>>
    %dma_start3A_166 = tpu.memref_slice %arg2[%add3A_157] : memref<16384xi32, #tpu.memory_space<hbm>> -> memref<64xi32, #tpu.memory_space<hbm>>
    tpu.enqueue_dma source(%dma_start3A_166 : memref<64xi32, #tpu.memory_space<hbm>>) target(%dma_start3A_165 : memref<64xi32, #tpu.memory_space<vmem>>) target_semaphore(%arg13 : memref<!tpu.dma_semaphore, #tpu.memory_space<semaphore_mem>>)
    %add3A_167 = arith.constant 448 : i32
    %add3A_168 = arith.addi %mul3A_2, %add3A_167 : i32
    %dma_start3A_169 = arith.constant 7 : i32
    %dma_start3A_170 = arith.constant 0 : i32
    %dma_start3A_171 = tpu.memref_slice %arg8[%dma_start3A_169, %dma_start3A_170] : memref<8x64xi32, #tpu.memory_space<vmem>> -> memref<1x64xi32, #tpu.memory_space<vmem>>
    %dma_start3A_172 = tpu.memref_squeeze %dma_start3A_171 : memref<1x64xi32, #tpu.memory_space<vmem>> -> memref<64xi32, #tpu.memory_space<vmem>>
    %dma_start3A_173 = tpu.memref_slice %arg3[%add3A_168] : memref<16384xi32, #tpu.memory_space<hbm>> -> memref<64xi32, #tpu.memory_space<hbm>>
    %dma_start3A_174 = arith.constant 0 : i32
    %dma_start3A_175 = tpu.memref_slice %arg8[%dma_start3A_169, %dma_start3A_174] : memref<8x64xi32, #tpu.memory_space<vmem>> -> memref<1x64xi32, #tpu.memory_space<vmem>>
    %dma_start3A_176 = tpu.memref_squeeze %dma_start3A_175 : memref<1x64xi32, #tpu.memory_space<vmem>> -> memref<64xi32, #tpu.memory_space<vmem>>
    %dma_start3A_177 = tpu.memref_slice %arg3[%add3A_168] : memref<16384xi32, #tpu.memory_space<hbm>> -> memref<64xi32, #tpu.memory_space<hbm>>
    tpu.enqueue_dma source(%dma_start3A_177 : memref<64xi32, #tpu.memory_space<hbm>>) target(%dma_start3A_176 : memref<64xi32, #tpu.memory_space<vmem>>) target_semaphore(%arg14 : memref<!tpu.dma_semaphore, #tpu.memory_space<semaphore_mem>>)
    %dma_wait3A = arith.constant 0 : i32
    %dma_wait3A_178 = arith.constant 0 : i32
    %dma_wait3A_179 = tpu.memref_slice %arg7[%dma_wait3A, %dma_wait3A_178] : memref<8x64xi32, #tpu.memory_space<vmem>> -> memref<1x64xi32, #tpu.memory_space<vmem>>
    %dma_wait3A_180 = tpu.memref_squeeze %dma_wait3A_179 : memref<1x64xi32, #tpu.memory_space<vmem>> -> memref<64xi32, #tpu.memory_space<vmem>>
    %dma_wait3A_181 = tpu.memref_slice %arg2[%add3A_4] : memref<16384xi32, #tpu.memory_space<hbm>> -> memref<64xi32, #tpu.memory_space<hbm>>
    %dma_wait3A_182 = arith.constant 0 : i32
    %dma_wait3A_183 = tpu.memref_slice %arg7[%dma_wait3A, %dma_wait3A_182] : memref<8x64xi32, #tpu.memory_space<vmem>> -> memref<1x64xi32, #tpu.memory_space<vmem>>
    %dma_wait3A_184 = tpu.memref_squeeze %dma_wait3A_183 : memref<1x64xi32, #tpu.memory_space<vmem>> -> memref<64xi32, #tpu.memory_space<vmem>>
    %dma_wait3A_185 = tpu.memref_slice %arg2[%add3A_4] : memref<16384xi32, #tpu.memory_space<hbm>> -> memref<64xi32, #tpu.memory_space<hbm>>
    tpu.wait_dma2 semaphore(%arg13 : memref<!tpu.dma_semaphore, #tpu.memory_space<semaphore_mem>>) src(%dma_wait3A_185 : memref<64xi32, #tpu.memory_space<hbm>>) dst(%dma_wait3A_184 : memref<64xi32, #tpu.memory_space<vmem>>)
    %dma_wait3A_186 = arith.constant 0 : i32
    %dma_wait3A_187 = arith.constant 0 : i32
    %dma_wait3A_188 = tpu.memref_slice %arg8[%dma_wait3A_186, %dma_wait3A_187] : memref<8x64xi32, #tpu.memory_space<vmem>> -> memref<1x64xi32, #tpu.memory_space<vmem>>
    %dma_wait3A_189 = tpu.memref_squeeze %dma_wait3A_188 : memref<1x64xi32, #tpu.memory_space<vmem>> -> memref<64xi32, #tpu.memory_space<vmem>>
    %dma_wait3A_190 = tpu.memref_slice %arg3[%add3A_14] : memref<16384xi32, #tpu.memory_space<hbm>> -> memref<64xi32, #tpu.memory_space<hbm>>
    %dma_wait3A_191 = arith.constant 0 : i32
    %dma_wait3A_192 = tpu.memref_slice %arg8[%dma_wait3A_186, %dma_wait3A_191] : memref<8x64xi32, #tpu.memory_space<vmem>> -> memref<1x64xi32, #tpu.memory_space<vmem>>
    %dma_wait3A_193 = tpu.memref_squeeze %dma_wait3A_192 : memref<1x64xi32, #tpu.memory_space<vmem>> -> memref<64xi32, #tpu.memory_space<vmem>>
    %dma_wait3A_194 = tpu.memref_slice %arg3[%add3A_14] : memref<16384xi32, #tpu.memory_space<hbm>> -> memref<64xi32, #tpu.memory_space<hbm>>
    tpu.wait_dma2 semaphore(%arg14 : memref<!tpu.dma_semaphore, #tpu.memory_space<semaphore_mem>>) src(%dma_wait3A_194 : memref<64xi32, #tpu.memory_space<hbm>>) dst(%dma_wait3A_193 : memref<64xi32, #tpu.memory_space<vmem>>)
    %dma_wait3A_195 = arith.constant 1 : i32
    %dma_wait3A_196 = arith.constant 0 : i32
    %dma_wait3A_197 = tpu.memref_slice %arg7[%dma_wait3A_195, %dma_wait3A_196] : memref<8x64xi32, #tpu.memory_space<vmem>> -> memref<1x64xi32, #tpu.memory_space<vmem>>
    %dma_wait3A_198 = tpu.memref_squeeze %dma_wait3A_197 : memref<1x64xi32, #tpu.memory_space<vmem>> -> memref<64xi32, #tpu.memory_space<vmem>>
    %dma_wait3A_199 = tpu.memref_slice %arg2[%add3A_25] : memref<16384xi32, #tpu.memory_space<hbm>> -> memref<64xi32, #tpu.memory_space<hbm>>
    %dma_wait3A_200 = arith.constant 0 : i32
    %dma_wait3A_201 = tpu.memref_slice %arg7[%dma_wait3A_195, %dma_wait3A_200] : memref<8x64xi32, #tpu.memory_space<vmem>> -> memref<1x64xi32, #tpu.memory_space<vmem>>
    %dma_wait3A_202 = tpu.memref_squeeze %dma_wait3A_201 : memref<1x64xi32, #tpu.memory_space<vmem>> -> memref<64xi32, #tpu.memory_space<vmem>>
    %dma_wait3A_203 = tpu.memref_slice %arg2[%add3A_25] : memref<16384xi32, #tpu.memory_space<hbm>> -> memref<64xi32, #tpu.memory_space<hbm>>
    tpu.wait_dma2 semaphore(%arg13 : memref<!tpu.dma_semaphore, #tpu.memory_space<semaphore_mem>>) src(%dma_wait3A_203 : memref<64xi32, #tpu.memory_space<hbm>>) dst(%dma_wait3A_202 : memref<64xi32, #tpu.memory_space<vmem>>)
    %dma_wait3A_204 = arith.constant 1 : i32
    %dma_wait3A_205 = arith.constant 0 : i32
    %dma_wait3A_206 = tpu.memref_slice %arg8[%dma_wait3A_204, %dma_wait3A_205] : memref<8x64xi32, #tpu.memory_space<vmem>> -> memref<1x64xi32, #tpu.memory_space<vmem>>
    %dma_wait3A_207 = tpu.memref_squeeze %dma_wait3A_206 : memref<1x64xi32, #tpu.memory_space<vmem>> -> memref<64xi32, #tpu.memory_space<vmem>>
    %dma_wait3A_208 = tpu.memref_slice %arg3[%add3A_36] : memref<16384xi32, #tpu.memory_space<hbm>> -> memref<64xi32, #tpu.memory_space<hbm>>
    %dma_wait3A_209 = arith.constant 0 : i32
    %dma_wait3A_210 = tpu.memref_slice %arg8[%dma_wait3A_204, %dma_wait3A_209] : memref<8x64xi32, #tpu.memory_space<vmem>> -> memref<1x64xi32, #tpu.memory_space<vmem>>
    %dma_wait3A_211 = tpu.memref_squeeze %dma_wait3A_210 : memref<1x64xi32, #tpu.memory_space<vmem>> -> memref<64xi32, #tpu.memory_space<vmem>>
    %dma_wait3A_212 = tpu.memref_slice %arg3[%add3A_36] : memref<16384xi32, #tpu.memory_space<hbm>> -> memref<64xi32, #tpu.memory_space<hbm>>
    tpu.wait_dma2 semaphore(%arg14 : memref<!tpu.dma_semaphore, #tpu.memory_space<semaphore_mem>>) src(%dma_wait3A_212 : memref<64xi32, #tpu.memory_space<hbm>>) dst(%dma_wait3A_211 : memref<64xi32, #tpu.memory_space<vmem>>)
    %dma_wait3A_213 = arith.constant 2 : i32
    %dma_wait3A_214 = arith.constant 0 : i32
    %dma_wait3A_215 = tpu.memref_slice %arg7[%dma_wait3A_213, %dma_wait3A_214] : memref<8x64xi32, #tpu.memory_space<vmem>> -> memref<1x64xi32, #tpu.memory_space<vmem>>
    %dma_wait3A_216 = tpu.memref_squeeze %dma_wait3A_215 : memref<1x64xi32, #tpu.memory_space<vmem>> -> memref<64xi32, #tpu.memory_space<vmem>>
    %dma_wait3A_217 = tpu.memref_slice %arg2[%add3A_47] : memref<16384xi32, #tpu.memory_space<hbm>> -> memref<64xi32, #tpu.memory_space<hbm>>
    %dma_wait3A_218 = arith.constant 0 : i32
    %dma_wait3A_219 = tpu.memref_slice %arg7[%dma_wait3A_213, %dma_wait3A_218] : memref<8x64xi32, #tpu.memory_space<vmem>> -> memref<1x64xi32, #tpu.memory_space<vmem>>
    %dma_wait3A_220 = tpu.memref_squeeze %dma_wait3A_219 : memref<1x64xi32, #tpu.memory_space<vmem>> -> memref<64xi32, #tpu.memory_space<vmem>>
    %dma_wait3A_221 = tpu.memref_slice %arg2[%add3A_47] : memref<16384xi32, #tpu.memory_space<hbm>> -> memref<64xi32, #tpu.memory_space<hbm>>
    tpu.wait_dma2 semaphore(%arg13 : memref<!tpu.dma_semaphore, #tpu.memory_space<semaphore_mem>>) src(%dma_wait3A_221 : memref<64xi32, #tpu.memory_space<hbm>>) dst(%dma_wait3A_220 : memref<64xi32, #tpu.memory_space<vmem>>)
    %dma_wait3A_222 = arith.constant 2 : i32
    %dma_wait3A_223 = arith.constant 0 : i32
    %dma_wait3A_224 = tpu.memref_slice %arg8[%dma_wait3A_222, %dma_wait3A_223] : memref<8x64xi32, #tpu.memory_space<vmem>> -> memref<1x64xi32, #tpu.memory_space<vmem>>
    %dma_wait3A_225 = tpu.memref_squeeze %dma_wait3A_224 : memref<1x64xi32, #tpu.memory_space<vmem>> -> memref<64xi32, #tpu.memory_space<vmem>>
    %dma_wait3A_226 = tpu.memref_slice %arg3[%add3A_58] : memref<16384xi32, #tpu.memory_space<hbm>> -> memref<64xi32, #tpu.memory_space<hbm>>
    %dma_wait3A_227 = arith.constant 0 : i32
    %dma_wait3A_228 = tpu.memref_slice %arg8[%dma_wait3A_222, %dma_wait3A_227] : memref<8x64xi32, #tpu.memory_space<vmem>> -> memref<1x64xi32, #tpu.memory_space<vmem>>
    %dma_wait3A_229 = tpu.memref_squeeze %dma_wait3A_228 : memref<1x64xi32, #tpu.memory_space<vmem>> -> memref<64xi32, #tpu.memory_space<vmem>>
    %dma_wait3A_230 = tpu.memref_slice %arg3[%add3A_58] : memref<16384xi32, #tpu.memory_space<hbm>> -> memref<64xi32, #tpu.memory_space<hbm>>
    tpu.wait_dma2 semaphore(%arg14 : memref<!tpu.dma_semaphore, #tpu.memory_space<semaphore_mem>>) src(%dma_wait3A_230 : memref<64xi32, #tpu.memory_space<hbm>>) dst(%dma_wait3A_229 : memref<64xi32, #tpu.memory_space<vmem>>)
    %dma_wait3A_231 = arith.constant 3 : i32
    %dma_wait3A_232 = arith.constant 0 : i32
    %dma_wait3A_233 = tpu.memref_slice %arg7[%dma_wait3A_231, %dma_wait3A_232] : memref<8x64xi32, #tpu.memory_space<vmem>> -> memref<1x64xi32, #tpu.memory_space<vmem>>
    %dma_wait3A_234 = tpu.memref_squeeze %dma_wait3A_233 : memref<1x64xi32, #tpu.memory_space<vmem>> -> memref<64xi32, #tpu.memory_space<vmem>>
    %dma_wait3A_235 = tpu.memref_slice %arg2[%add3A_69] : memref<16384xi32, #tpu.memory_space<hbm>> -> memref<64xi32, #tpu.memory_space<hbm>>
    %dma_wait3A_236 = arith.constant 0 : i32
    %dma_wait3A_237 = tpu.memref_slice %arg7[%dma_wait3A_231, %dma_wait3A_236] : memref<8x64xi32, #tpu.memory_space<vmem>> -> memref<1x64xi32, #tpu.memory_space<vmem>>
    %dma_wait3A_238 = tpu.memref_squeeze %dma_wait3A_237 : memref<1x64xi32, #tpu.memory_space<vmem>> -> memref<64xi32, #tpu.memory_space<vmem>>
    %dma_wait3A_239 = tpu.memref_slice %arg2[%add3A_69] : memref<16384xi32, #tpu.memory_space<hbm>> -> memref<64xi32, #tpu.memory_space<hbm>>
    tpu.wait_dma2 semaphore(%arg13 : memref<!tpu.dma_semaphore, #tpu.memory_space<semaphore_mem>>) src(%dma_wait3A_239 : memref<64xi32, #tpu.memory_space<hbm>>) dst(%dma_wait3A_238 : memref<64xi32, #tpu.memory_space<vmem>>)
    %dma_wait3A_240 = arith.constant 3 : i32
    %dma_wait3A_241 = arith.constant 0 : i32
    %dma_wait3A_242 = tpu.memref_slice %arg8[%dma_wait3A_240, %dma_wait3A_241] : memref<8x64xi32, #tpu.memory_space<vmem>> -> memref<1x64xi32, #tpu.memory_space<vmem>>
    %dma_wait3A_243 = tpu.memref_squeeze %dma_wait3A_242 : memref<1x64xi32, #tpu.memory_space<vmem>> -> memref<64xi32, #tpu.memory_space<vmem>>
    %dma_wait3A_244 = tpu.memref_slice %arg3[%add3A_80] : memref<16384xi32, #tpu.memory_space<hbm>> -> memref<64xi32, #tpu.memory_space<hbm>>
    %dma_wait3A_245 = arith.constant 0 : i32
    %dma_wait3A_246 = tpu.memref_slice %arg8[%dma_wait3A_240, %dma_wait3A_245] : memref<8x64xi32, #tpu.memory_space<vmem>> -> memref<1x64xi32, #tpu.memory_space<vmem>>
    %dma_wait3A_247 = tpu.memref_squeeze %dma_wait3A_246 : memref<1x64xi32, #tpu.memory_space<vmem>> -> memref<64xi32, #tpu.memory_space<vmem>>
    %dma_wait3A_248 = tpu.memref_slice %arg3[%add3A_80] : memref<16384xi32, #tpu.memory_space<hbm>> -> memref<64xi32, #tpu.memory_space<hbm>>
    tpu.wait_dma2 semaphore(%arg14 : memref<!tpu.dma_semaphore, #tpu.memory_space<semaphore_mem>>) src(%dma_wait3A_248 : memref<64xi32, #tpu.memory_space<hbm>>) dst(%dma_wait3A_247 : memref<64xi32, #tpu.memory_space<vmem>>)
    %dma_wait3A_249 = arith.constant 4 : i32
    %dma_wait3A_250 = arith.constant 0 : i32
    %dma_wait3A_251 = tpu.memref_slice %arg7[%dma_wait3A_249, %dma_wait3A_250] : memref<8x64xi32, #tpu.memory_space<vmem>> -> memref<1x64xi32, #tpu.memory_space<vmem>>
    %dma_wait3A_252 = tpu.memref_squeeze %dma_wait3A_251 : memref<1x64xi32, #tpu.memory_space<vmem>> -> memref<64xi32, #tpu.memory_space<vmem>>
    %dma_wait3A_253 = tpu.memref_slice %arg2[%add3A_91] : memref<16384xi32, #tpu.memory_space<hbm>> -> memref<64xi32, #tpu.memory_space<hbm>>
    %dma_wait3A_254 = arith.constant 0 : i32
    %dma_wait3A_255 = tpu.memref_slice %arg7[%dma_wait3A_249, %dma_wait3A_254] : memref<8x64xi32, #tpu.memory_space<vmem>> -> memref<1x64xi32, #tpu.memory_space<vmem>>
    %dma_wait3A_256 = tpu.memref_squeeze %dma_wait3A_255 : memref<1x64xi32, #tpu.memory_space<vmem>> -> memref<64xi32, #tpu.memory_space<vmem>>
    %dma_wait3A_257 = tpu.memref_slice %arg2[%add3A_91] : memref<16384xi32, #tpu.memory_space<hbm>> -> memref<64xi32, #tpu.memory_space<hbm>>
    tpu.wait_dma2 semaphore(%arg13 : memref<!tpu.dma_semaphore, #tpu.memory_space<semaphore_mem>>) src(%dma_wait3A_257 : memref<64xi32, #tpu.memory_space<hbm>>) dst(%dma_wait3A_256 : memref<64xi32, #tpu.memory_space<vmem>>)
    %dma_wait3A_258 = arith.constant 4 : i32
    %dma_wait3A_259 = arith.constant 0 : i32
    %dma_wait3A_260 = tpu.memref_slice %arg8[%dma_wait3A_258, %dma_wait3A_259] : memref<8x64xi32, #tpu.memory_space<vmem>> -> memref<1x64xi32, #tpu.memory_space<vmem>>
    %dma_wait3A_261 = tpu.memref_squeeze %dma_wait3A_260 : memref<1x64xi32, #tpu.memory_space<vmem>> -> memref<64xi32, #tpu.memory_space<vmem>>
    %dma_wait3A_262 = tpu.memref_slice %arg3[%add3A_102] : memref<16384xi32, #tpu.memory_space<hbm>> -> memref<64xi32, #tpu.memory_space<hbm>>
    %dma_wait3A_263 = arith.constant 0 : i32
    %dma_wait3A_264 = tpu.memref_slice %arg8[%dma_wait3A_258, %dma_wait3A_263] : memref<8x64xi32, #tpu.memory_space<vmem>> -> memref<1x64xi32, #tpu.memory_space<vmem>>
    %dma_wait3A_265 = tpu.memref_squeeze %dma_wait3A_264 : memref<1x64xi32, #tpu.memory_space<vmem>> -> memref<64xi32, #tpu.memory_space<vmem>>
    %dma_wait3A_266 = tpu.memref_slice %arg3[%add3A_102] : memref<16384xi32, #tpu.memory_space<hbm>> -> memref<64xi32, #tpu.memory_space<hbm>>
    tpu.wait_dma2 semaphore(%arg14 : memref<!tpu.dma_semaphore, #tpu.memory_space<semaphore_mem>>) src(%dma_wait3A_266 : memref<64xi32, #tpu.memory_space<hbm>>) dst(%dma_wait3A_265 : memref<64xi32, #tpu.memory_space<vmem>>)
    %dma_wait3A_267 = arith.constant 5 : i32
    %dma_wait3A_268 = arith.constant 0 : i32
    %dma_wait3A_269 = tpu.memref_slice %arg7[%dma_wait3A_267, %dma_wait3A_268] : memref<8x64xi32, #tpu.memory_space<vmem>> -> memref<1x64xi32, #tpu.memory_space<vmem>>
    %dma_wait3A_270 = tpu.memref_squeeze %dma_wait3A_269 : memref<1x64xi32, #tpu.memory_space<vmem>> -> memref<64xi32, #tpu.memory_space<vmem>>
    %dma_wait3A_271 = tpu.memref_slice %arg2[%add3A_113] : memref<16384xi32, #tpu.memory_space<hbm>> -> memref<64xi32, #tpu.memory_space<hbm>>
    %dma_wait3A_272 = arith.constant 0 : i32
    %dma_wait3A_273 = tpu.memref_slice %arg7[%dma_wait3A_267, %dma_wait3A_272] : memref<8x64xi32, #tpu.memory_space<vmem>> -> memref<1x64xi32, #tpu.memory_space<vmem>>
    %dma_wait3A_274 = tpu.memref_squeeze %dma_wait3A_273 : memref<1x64xi32, #tpu.memory_space<vmem>> -> memref<64xi32, #tpu.memory_space<vmem>>
    %dma_wait3A_275 = tpu.memref_slice %arg2[%add3A_113] : memref<16384xi32, #tpu.memory_space<hbm>> -> memref<64xi32, #tpu.memory_space<hbm>>
    tpu.wait_dma2 semaphore(%arg13 : memref<!tpu.dma_semaphore, #tpu.memory_space<semaphore_mem>>) src(%dma_wait3A_275 : memref<64xi32, #tpu.memory_space<hbm>>) dst(%dma_wait3A_274 : memref<64xi32, #tpu.memory_space<vmem>>)
    %dma_wait3A_276 = arith.constant 5 : i32
    %dma_wait3A_277 = arith.constant 0 : i32
    %dma_wait3A_278 = tpu.memref_slice %arg8[%dma_wait3A_276, %dma_wait3A_277] : memref<8x64xi32, #tpu.memory_space<vmem>> -> memref<1x64xi32, #tpu.memory_space<vmem>>
    %dma_wait3A_279 = tpu.memref_squeeze %dma_wait3A_278 : memref<1x64xi32, #tpu.memory_space<vmem>> -> memref<64xi32, #tpu.memory_space<vmem>>
    %dma_wait3A_280 = tpu.memref_slice %arg3[%add3A_124] : memref<16384xi32, #tpu.memory_space<hbm>> -> memref<64xi32, #tpu.memory_space<hbm>>
    %dma_wait3A_281 = arith.constant 0 : i32
    %dma_wait3A_282 = tpu.memref_slice %arg8[%dma_wait3A_276, %dma_wait3A_281] : memref<8x64xi32, #tpu.memory_space<vmem>> -> memref<1x64xi32, #tpu.memory_space<vmem>>
    %dma_wait3A_283 = tpu.memref_squeeze %dma_wait3A_282 : memref<1x64xi32, #tpu.memory_space<vmem>> -> memref<64xi32, #tpu.memory_space<vmem>>
    %dma_wait3A_284 = tpu.memref_slice %arg3[%add3A_124] : memref<16384xi32, #tpu.memory_space<hbm>> -> memref<64xi32, #tpu.memory_space<hbm>>
    tpu.wait_dma2 semaphore(%arg14 : memref<!tpu.dma_semaphore, #tpu.memory_space<semaphore_mem>>) src(%dma_wait3A_284 : memref<64xi32, #tpu.memory_space<hbm>>) dst(%dma_wait3A_283 : memref<64xi32, #tpu.memory_space<vmem>>)
    %dma_wait3A_285 = arith.constant 6 : i32
    %dma_wait3A_286 = arith.constant 0 : i32
    %dma_wait3A_287 = tpu.memref_slice %arg7[%dma_wait3A_285, %dma_wait3A_286] : memref<8x64xi32, #tpu.memory_space<vmem>> -> memref<1x64xi32, #tpu.memory_space<vmem>>
    %dma_wait3A_288 = tpu.memref_squeeze %dma_wait3A_287 : memref<1x64xi32, #tpu.memory_space<vmem>> -> memref<64xi32, #tpu.memory_space<vmem>>
    %dma_wait3A_289 = tpu.memref_slice %arg2[%add3A_135] : memref<16384xi32, #tpu.memory_space<hbm>> -> memref<64xi32, #tpu.memory_space<hbm>>
    %dma_wait3A_290 = arith.constant 0 : i32
    %dma_wait3A_291 = tpu.memref_slice %arg7[%dma_wait3A_285, %dma_wait3A_290] : memref<8x64xi32, #tpu.memory_space<vmem>> -> memref<1x64xi32, #tpu.memory_space<vmem>>
    %dma_wait3A_292 = tpu.memref_squeeze %dma_wait3A_291 : memref<1x64xi32, #tpu.memory_space<vmem>> -> memref<64xi32, #tpu.memory_space<vmem>>
    %dma_wait3A_293 = tpu.memref_slice %arg2[%add3A_135] : memref<16384xi32, #tpu.memory_space<hbm>> -> memref<64xi32, #tpu.memory_space<hbm>>
    tpu.wait_dma2 semaphore(%arg13 : memref<!tpu.dma_semaphore, #tpu.memory_space<semaphore_mem>>) src(%dma_wait3A_293 : memref<64xi32, #tpu.memory_space<hbm>>) dst(%dma_wait3A_292 : memref<64xi32, #tpu.memory_space<vmem>>)
    %dma_wait3A_294 = arith.constant 6 : i32
    %dma_wait3A_295 = arith.constant 0 : i32
    %dma_wait3A_296 = tpu.memref_slice %arg8[%dma_wait3A_294, %dma_wait3A_295] : memref<8x64xi32, #tpu.memory_space<vmem>> -> memref<1x64xi32, #tpu.memory_space<vmem>>
    %dma_wait3A_297 = tpu.memref_squeeze %dma_wait3A_296 : memref<1x64xi32, #tpu.memory_space<vmem>> -> memref<64xi32, #tpu.memory_space<vmem>>
    %dma_wait3A_298 = tpu.memref_slice %arg3[%add3A_146] : memref<16384xi32, #tpu.memory_space<hbm>> -> memref<64xi32, #tpu.memory_space<hbm>>
    %dma_wait3A_299 = arith.constant 0 : i32
    %dma_wait3A_300 = tpu.memref_slice %arg8[%dma_wait3A_294, %dma_wait3A_299] : memref<8x64xi32, #tpu.memory_space<vmem>> -> memref<1x64xi32, #tpu.memory_space<vmem>>
    %dma_wait3A_301 = tpu.memref_squeeze %dma_wait3A_300 : memref<1x64xi32, #tpu.memory_space<vmem>> -> memref<64xi32, #tpu.memory_space<vmem>>
    %dma_wait3A_302 = tpu.memref_slice %arg3[%add3A_146] : memref<16384xi32, #tpu.memory_space<hbm>> -> memref<64xi32, #tpu.memory_space<hbm>>
    tpu.wait_dma2 semaphore(%arg14 : memref<!tpu.dma_semaphore, #tpu.memory_space<semaphore_mem>>) src(%dma_wait3A_302 : memref<64xi32, #tpu.memory_space<hbm>>) dst(%dma_wait3A_301 : memref<64xi32, #tpu.memory_space<vmem>>)
    %dma_wait3A_303 = arith.constant 7 : i32
    %dma_wait3A_304 = arith.constant 0 : i32
    %dma_wait3A_305 = tpu.memref_slice %arg7[%dma_wait3A_303, %dma_wait3A_304] : memref<8x64xi32, #tpu.memory_space<vmem>> -> memref<1x64xi32, #tpu.memory_space<vmem>>
    %dma_wait3A_306 = tpu.memref_squeeze %dma_wait3A_305 : memref<1x64xi32, #tpu.memory_space<vmem>> -> memref<64xi32, #tpu.memory_space<vmem>>
    %dma_wait3A_307 = tpu.memref_slice %arg2[%add3A_157] : memref<16384xi32, #tpu.memory_space<hbm>> -> memref<64xi32, #tpu.memory_space<hbm>>
    %dma_wait3A_308 = arith.constant 0 : i32
    %dma_wait3A_309 = tpu.memref_slice %arg7[%dma_wait3A_303, %dma_wait3A_308] : memref<8x64xi32, #tpu.memory_space<vmem>> -> memref<1x64xi32, #tpu.memory_space<vmem>>
    %dma_wait3A_310 = tpu.memref_squeeze %dma_wait3A_309 : memref<1x64xi32, #tpu.memory_space<vmem>> -> memref<64xi32, #tpu.memory_space<vmem>>
    %dma_wait3A_311 = tpu.memref_slice %arg2[%add3A_157] : memref<16384xi32, #tpu.memory_space<hbm>> -> memref<64xi32, #tpu.memory_space<hbm>>
    tpu.wait_dma2 semaphore(%arg13 : memref<!tpu.dma_semaphore, #tpu.memory_space<semaphore_mem>>) src(%dma_wait3A_311 : memref<64xi32, #tpu.memory_space<hbm>>) dst(%dma_wait3A_310 : memref<64xi32, #tpu.memory_space<vmem>>)
    %dma_wait3A_312 = arith.constant 7 : i32
    %dma_wait3A_313 = arith.constant 0 : i32
    %dma_wait3A_314 = tpu.memref_slice %arg8[%dma_wait3A_312, %dma_wait3A_313] : memref<8x64xi32, #tpu.memory_space<vmem>> -> memref<1x64xi32, #tpu.memory_space<vmem>>
    %dma_wait3A_315 = tpu.memref_squeeze %dma_wait3A_314 : memref<1x64xi32, #tpu.memory_space<vmem>> -> memref<64xi32, #tpu.memory_space<vmem>>
    %dma_wait3A_316 = tpu.memref_slice %arg3[%add3A_168] : memref<16384xi32, #tpu.memory_space<hbm>> -> memref<64xi32, #tpu.memory_space<hbm>>
    %dma_wait3A_317 = arith.constant 0 : i32
    %dma_wait3A_318 = tpu.memref_slice %arg8[%dma_wait3A_312, %dma_wait3A_317] : memref<8x64xi32, #tpu.memory_space<vmem>> -> memref<1x64xi32, #tpu.memory_space<vmem>>
    %dma_wait3A_319 = tpu.memref_squeeze %dma_wait3A_318 : memref<1x64xi32, #tpu.memory_space<vmem>> -> memref<64xi32, #tpu.memory_space<vmem>>
    %dma_wait3A_320 = tpu.memref_slice %arg3[%add3A_168] : memref<16384xi32, #tpu.memory_space<hbm>> -> memref<64xi32, #tpu.memory_space<hbm>>
    tpu.wait_dma2 semaphore(%arg14 : memref<!tpu.dma_semaphore, #tpu.memory_space<semaphore_mem>>) src(%dma_wait3A_320 : memref<64xi32, #tpu.memory_space<hbm>>) dst(%dma_wait3A_319 : memref<64xi32, #tpu.memory_space<vmem>>)
    %iota3A = tpu.iota {dimensions = array<i32: 0>} : vector<16xi32>
    %mul3A_321 = arith.constant 17 : i32
    %mul3A_322 = vector.broadcast %mul3A_321 : i32 to vector<16xi32>
    %mul3A_323 = arith.muli %iota3A, %mul3A_322 : vector<16xi32>
    %dma_start3A_324 = arith.constant 0 : i32
    %dma_start3A_325 = arith.constant 0 : i32
    %dma_start3A_326 = arith.constant 0 : i32
    %dma_start3A_327 = arith.constant 0 : i32
    %dma_start3A_328 = tpu.memref_slice %arg9[%dma_start3A_325, %dma_start3A_326, %dma_start3A_327] : memref<3x64x128xf32, #tpu.memory_space<vmem>> -> memref<1x64x128xf32, #tpu.memory_space<vmem>>
    %dma_start3A_329 = tpu.memref_squeeze %dma_start3A_328 : memref<1x64x128xf32, #tpu.memory_space<vmem>> -> memref<64x128xf32, #tpu.memory_space<vmem>>
    %dma_start3A_330 = arith.constant 0 : i32
    %dma_start3A_331 = tpu.memref_slice %arg7[%dma_start3A_324, %dma_start3A_330] : memref<8x64xi32, #tpu.memory_space<vmem>> -> memref<1x64xi32, #tpu.memory_space<vmem>>
    %dma_start3A_332 = tpu.memref_squeeze %dma_start3A_331 : memref<1x64xi32, #tpu.memory_space<vmem>> -> memref<64xi32, #tpu.memory_space<vmem>>
    %dma_start3A_333 = arith.constant 0 : i32
    %dma_start3A_334 = arith.constant 0 : i32
    %dma_start3A_335 = tpu.memref_slice %arg4[%dma_start3A_333, %dma_start3A_334] : memref<100000x128xf32, #tpu.memory_space<hbm>> -> memref<100000x128xf32, #tpu.memory_space<hbm>>
    tpu.enqueue_indirect_dma source(%dma_start3A_335 : memref<100000x128xf32, #tpu.memory_space<hbm>>) target(%dma_start3A_329 : memref<64x128xf32, #tpu.memory_space<vmem>>) offsets(%dma_start3A_332 : memref<64xi32, #tpu.memory_space<vmem>>) semaphore(%arg15 : memref<!tpu.dma_semaphore, #tpu.memory_space<semaphore_mem>>)
    %dma_start3A_336 = arith.constant 0 : i32
    %dma_start3A_337 = arith.constant 0 : i32
    %dma_start3A_338 = arith.constant 0 : i32
    %dma_start3A_339 = arith.constant 0 : i32
    %dma_start3A_340 = tpu.memref_slice %arg10[%dma_start3A_337, %dma_start3A_338, %dma_start3A_339] : memref<3x64x128xf32, #tpu.memory_space<vmem>> -> memref<1x64x128xf32, #tpu.memory_space<vmem>>
    %dma_start3A_341 = tpu.memref_squeeze %dma_start3A_340 : memref<1x64x128xf32, #tpu.memory_space<vmem>> -> memref<64x128xf32, #tpu.memory_space<vmem>>
    %dma_start3A_342 = arith.constant 0 : i32
    %dma_start3A_343 = tpu.memref_slice %arg8[%dma_start3A_336, %dma_start3A_342] : memref<8x64xi32, #tpu.memory_space<vmem>> -> memref<1x64xi32, #tpu.memory_space<vmem>>
    %dma_start3A_344 = tpu.memref_squeeze %dma_start3A_343 : memref<1x64xi32, #tpu.memory_space<vmem>> -> memref<64xi32, #tpu.memory_space<vmem>>
    %dma_start3A_345 = arith.constant 0 : i32
    %dma_start3A_346 = arith.constant 0 : i32
    %dma_start3A_347 = tpu.memref_slice %arg5[%dma_start3A_345, %dma_start3A_346] : memref<100000x128xf32, #tpu.memory_space<hbm>> -> memref<100000x128xf32, #tpu.memory_space<hbm>>
    tpu.enqueue_indirect_dma source(%dma_start3A_347 : memref<100000x128xf32, #tpu.memory_space<hbm>>) target(%dma_start3A_341 : memref<64x128xf32, #tpu.memory_space<vmem>>) offsets(%dma_start3A_344 : memref<64xi32, #tpu.memory_space<vmem>>) semaphore(%arg16 : memref<!tpu.dma_semaphore, #tpu.memory_space<semaphore_mem>>)
    %dma_start3A_348 = arith.constant 1 : i32
    %dma_start3A_349 = arith.constant 1 : i32
    %dma_start3A_350 = arith.constant 0 : i32
    %dma_start3A_351 = arith.constant 0 : i32
    %dma_start3A_352 = tpu.memref_slice %arg9[%dma_start3A_349, %dma_start3A_350, %dma_start3A_351] : memref<3x64x128xf32, #tpu.memory_space<vmem>> -> memref<1x64x128xf32, #tpu.memory_space<vmem>>
    %dma_start3A_353 = tpu.memref_squeeze %dma_start3A_352 : memref<1x64x128xf32, #tpu.memory_space<vmem>> -> memref<64x128xf32, #tpu.memory_space<vmem>>
    %dma_start3A_354 = arith.constant 0 : i32
    %dma_start3A_355 = tpu.memref_slice %arg7[%dma_start3A_348, %dma_start3A_354] : memref<8x64xi32, #tpu.memory_space<vmem>> -> memref<1x64xi32, #tpu.memory_space<vmem>>
    %dma_start3A_356 = tpu.memref_squeeze %dma_start3A_355 : memref<1x64xi32, #tpu.memory_space<vmem>> -> memref<64xi32, #tpu.memory_space<vmem>>
    %dma_start3A_357 = arith.constant 0 : i32
    %dma_start3A_358 = arith.constant 0 : i32
    %dma_start3A_359 = tpu.memref_slice %arg4[%dma_start3A_357, %dma_start3A_358] : memref<100000x128xf32, #tpu.memory_space<hbm>> -> memref<100000x128xf32, #tpu.memory_space<hbm>>
    tpu.enqueue_indirect_dma source(%dma_start3A_359 : memref<100000x128xf32, #tpu.memory_space<hbm>>) target(%dma_start3A_353 : memref<64x128xf32, #tpu.memory_space<vmem>>) offsets(%dma_start3A_356 : memref<64xi32, #tpu.memory_space<vmem>>) semaphore(%arg17 : memref<!tpu.dma_semaphore, #tpu.memory_space<semaphore_mem>>)
    %dma_start3A_360 = arith.constant 1 : i32
    %dma_start3A_361 = arith.constant 1 : i32
    %dma_start3A_362 = arith.constant 0 : i32
    %dma_start3A_363 = arith.constant 0 : i32
    %dma_start3A_364 = tpu.memref_slice %arg10[%dma_start3A_361, %dma_start3A_362, %dma_start3A_363] : memref<3x64x128xf32, #tpu.memory_space<vmem>> -> memref<1x64x128xf32, #tpu.memory_space<vmem>>
    %dma_start3A_365 = tpu.memref_squeeze %dma_start3A_364 : memref<1x64x128xf32, #tpu.memory_space<vmem>> -> memref<64x128xf32, #tpu.memory_space<vmem>>
    %dma_start3A_366 = arith.constant 0 : i32
    %dma_start3A_367 = tpu.memref_slice %arg8[%dma_start3A_360, %dma_start3A_366] : memref<8x64xi32, #tpu.memory_space<vmem>> -> memref<1x64xi32, #tpu.memory_space<vmem>>
    %dma_start3A_368 = tpu.memref_squeeze %dma_start3A_367 : memref<1x64xi32, #tpu.memory_space<vmem>> -> memref<64xi32, #tpu.memory_space<vmem>>
    %dma_start3A_369 = arith.constant 0 : i32
    %dma_start3A_370 = arith.constant 0 : i32
    %dma_start3A_371 = tpu.memref_slice %arg5[%dma_start3A_369, %dma_start3A_370] : memref<100000x128xf32, #tpu.memory_space<hbm>> -> memref<100000x128xf32, #tpu.memory_space<hbm>>
    tpu.enqueue_indirect_dma source(%dma_start3A_371 : memref<100000x128xf32, #tpu.memory_space<hbm>>) target(%dma_start3A_365 : memref<64x128xf32, #tpu.memory_space<vmem>>) offsets(%dma_start3A_368 : memref<64xi32, #tpu.memory_space<vmem>>) semaphore(%arg18 : memref<!tpu.dma_semaphore, #tpu.memory_space<semaphore_mem>>)
    %dma_start3A_372 = arith.constant 2 : i32
    %dma_start3A_373 = arith.constant 2 : i32
    %dma_start3A_374 = arith.constant 0 : i32
    %dma_start3A_375 = arith.constant 0 : i32
    %dma_start3A_376 = tpu.memref_slice %arg9[%dma_start3A_373, %dma_start3A_374, %dma_start3A_375] : memref<3x64x128xf32, #tpu.memory_space<vmem>> -> memref<1x64x128xf32, #tpu.memory_space<vmem>>
    %dma_start3A_377 = tpu.memref_squeeze %dma_start3A_376 : memref<1x64x128xf32, #tpu.memory_space<vmem>> -> memref<64x128xf32, #tpu.memory_space<vmem>>
    %dma_start3A_378 = arith.constant 0 : i32
    %dma_start3A_379 = tpu.memref_slice %arg7[%dma_start3A_372, %dma_start3A_378] : memref<8x64xi32, #tpu.memory_space<vmem>> -> memref<1x64xi32, #tpu.memory_space<vmem>>
    %dma_start3A_380 = tpu.memref_squeeze %dma_start3A_379 : memref<1x64xi32, #tpu.memory_space<vmem>> -> memref<64xi32, #tpu.memory_space<vmem>>
    %dma_start3A_381 = arith.constant 0 : i32
    %dma_start3A_382 = arith.constant 0 : i32
    %dma_start3A_383 = tpu.memref_slice %arg4[%dma_start3A_381, %dma_start3A_382] : memref<100000x128xf32, #tpu.memory_space<hbm>> -> memref<100000x128xf32, #tpu.memory_space<hbm>>
    tpu.enqueue_indirect_dma source(%dma_start3A_383 : memref<100000x128xf32, #tpu.memory_space<hbm>>) target(%dma_start3A_377 : memref<64x128xf32, #tpu.memory_space<vmem>>) offsets(%dma_start3A_380 : memref<64xi32, #tpu.memory_space<vmem>>) semaphore(%arg19 : memref<!tpu.dma_semaphore, #tpu.memory_space<semaphore_mem>>)
    %dma_start3A_384 = arith.constant 2 : i32
    %dma_start3A_385 = arith.constant 2 : i32
    %dma_start3A_386 = arith.constant 0 : i32
    %dma_start3A_387 = arith.constant 0 : i32
    %dma_start3A_388 = tpu.memref_slice %arg10[%dma_start3A_385, %dma_start3A_386, %dma_start3A_387] : memref<3x64x128xf32, #tpu.memory_space<vmem>> -> memref<1x64x128xf32, #tpu.memory_space<vmem>>
    %dma_start3A_389 = tpu.memref_squeeze %dma_start3A_388 : memref<1x64x128xf32, #tpu.memory_space<vmem>> -> memref<64x128xf32, #tpu.memory_space<vmem>>
    %dma_start3A_390 = arith.constant 0 : i32
    %dma_start3A_391 = tpu.memref_slice %arg8[%dma_start3A_384, %dma_start3A_390] : memref<8x64xi32, #tpu.memory_space<vmem>> -> memref<1x64xi32, #tpu.memory_space<vmem>>
    %dma_start3A_392 = tpu.memref_squeeze %dma_start3A_391 : memref<1x64xi32, #tpu.memory_space<vmem>> -> memref<64xi32, #tpu.memory_space<vmem>>
    %dma_start3A_393 = arith.constant 0 : i32
    %dma_start3A_394 = arith.constant 0 : i32
    %dma_start3A_395 = tpu.memref_slice %arg5[%dma_start3A_393, %dma_start3A_394] : memref<100000x128xf32, #tpu.memory_space<hbm>> -> memref<100000x128xf32, #tpu.memory_space<hbm>>
    tpu.enqueue_indirect_dma source(%dma_start3A_395 : memref<100000x128xf32, #tpu.memory_space<hbm>>) target(%dma_start3A_389 : memref<64x128xf32, #tpu.memory_space<vmem>>) offsets(%dma_start3A_392 : memref<64xi32, #tpu.memory_space<vmem>>) semaphore(%arg20 : memref<!tpu.dma_semaphore, #tpu.memory_space<semaphore_mem>>)
    %scan3A = arith.constant 0 : i32
    %scan3A_396 = arith.constant 0 : i32
    %scan3A_397 = arith.constant 8 : i32
    %scan3A_398 = arith.addi %scan3A_396, %scan3A_397 : i32
    %scan3A_399 = arith.constant 1 : i32
    %scan3A_400 = scf.for %scan3A_402 = %scan3A_396 to %scan3A_398 step %scan3A_399 iter_args(%scan3A_403 = %scan3A) -> (i32)  : i32 {
      %rem3A = arith.constant 3 : i32
      %rem3A_404 = arith.remsi %scan3A_402, %rem3A : i32
      %eq3A = arith.constant 0 : i32
      %eq3A_405 = arith.cmpi eq, %rem3A_404, %eq3A : i32
      %convert_element_type3A = arith.extui %eq3A_405 : i1 to i32
      %cond3A = arith.constant 0 : i32
      %cond3A_406 = arith.cmpi ne, %convert_element_type3A, %cond3A : i32
      scf.if %cond3A_406 {
        %dma_wait3A_453 = arith.constant 0 : i32
        %dma_wait3A_454 = arith.constant 0 : i32
        %dma_wait3A_455 = arith.constant 0 : i32
        %dma_wait3A_456 = arith.constant 0 : i32
        %dma_wait3A_457 = tpu.memref_slice %arg9[%dma_wait3A_454, %dma_wait3A_455, %dma_wait3A_456] : memref<3x64x128xf32, #tpu.memory_space<vmem>> -> memref<1x64x128xf32, #tpu.memory_space<vmem>>
        %dma_wait3A_458 = tpu.memref_squeeze %dma_wait3A_457 : memref<1x64x128xf32, #tpu.memory_space<vmem>> -> memref<64x128xf32, #tpu.memory_space<vmem>>
        %dma_wait3A_459 = arith.constant 0 : i32
        %dma_wait3A_460 = tpu.memref_slice %arg7[%dma_wait3A_453, %dma_wait3A_459] : memref<8x64xi32, #tpu.memory_space<vmem>> -> memref<1x64xi32, #tpu.memory_space<vmem>>
        %dma_wait3A_461 = tpu.memref_squeeze %dma_wait3A_460 : memref<1x64xi32, #tpu.memory_space<vmem>> -> memref<64xi32, #tpu.memory_space<vmem>>
        %dma_wait3A_462 = arith.constant 0 : i32
        %dma_wait3A_463 = arith.constant 0 : i32
        %dma_wait3A_464 = tpu.memref_slice %arg4[%dma_wait3A_462, %dma_wait3A_463] : memref<100000x128xf32, #tpu.memory_space<hbm>> -> memref<100000x128xf32, #tpu.memory_space<hbm>>
        tpu.wait_indirect_dma semaphore(%arg15 : memref<!tpu.dma_semaphore, #tpu.memory_space<semaphore_mem>>) src(%dma_wait3A_464 : memref<100000x128xf32, #tpu.memory_space<hbm>>) dst(%dma_wait3A_458 : memref<64x128xf32, #tpu.memory_space<vmem>>)
        %dma_wait3A_465 = arith.constant 0 : i32
        %dma_wait3A_466 = arith.constant 0 : i32
        %dma_wait3A_467 = arith.constant 0 : i32
        %dma_wait3A_468 = arith.constant 0 : i32
        %dma_wait3A_469 = tpu.memref_slice %arg10[%dma_wait3A_466, %dma_wait3A_467, %dma_wait3A_468] : memref<3x64x128xf32, #tpu.memory_space<vmem>> -> memref<1x64x128xf32, #tpu.memory_space<vmem>>
        %dma_wait3A_470 = tpu.memref_squeeze %dma_wait3A_469 : memref<1x64x128xf32, #tpu.memory_space<vmem>> -> memref<64x128xf32, #tpu.memory_space<vmem>>
        %dma_wait3A_471 = arith.constant 0 : i32
        %dma_wait3A_472 = tpu.memref_slice %arg8[%dma_wait3A_465, %dma_wait3A_471] : memref<8x64xi32, #tpu.memory_space<vmem>> -> memref<1x64xi32, #tpu.memory_space<vmem>>
        %dma_wait3A_473 = tpu.memref_squeeze %dma_wait3A_472 : memref<1x64xi32, #tpu.memory_space<vmem>> -> memref<64xi32, #tpu.memory_space<vmem>>
        %dma_wait3A_474 = arith.constant 0 : i32
        %dma_wait3A_475 = arith.constant 0 : i32
        %dma_wait3A_476 = tpu.memref_slice %arg5[%dma_wait3A_474, %dma_wait3A_475] : memref<100000x128xf32, #tpu.memory_space<hbm>> -> memref<100000x128xf32, #tpu.memory_space<hbm>>
        tpu.wait_indirect_dma semaphore(%arg16 : memref<!tpu.dma_semaphore, #tpu.memory_space<semaphore_mem>>) src(%dma_wait3A_476 : memref<100000x128xf32, #tpu.memory_space<hbm>>) dst(%dma_wait3A_470 : memref<64x128xf32, #tpu.memory_space<vmem>>)
      } else {
      }
      %eq3A_407 = arith.constant 1 : i32
      %eq3A_408 = arith.cmpi eq, %rem3A_404, %eq3A_407 : i32
      %convert_element_type3A_409 = arith.extui %eq3A_408 : i1 to i32
      %cond3A_410 = arith.constant 0 : i32
      %cond3A_411 = arith.cmpi ne, %convert_element_type3A_409, %cond3A_410 : i32
      scf.if %cond3A_411 {
        %dma_wait3A_453 = arith.constant 0 : i32
        %dma_wait3A_454 = arith.constant 1 : i32
        %dma_wait3A_455 = arith.constant 0 : i32
        %dma_wait3A_456 = arith.constant 0 : i32
        %dma_wait3A_457 = tpu.memref_slice %arg9[%dma_wait3A_454, %dma_wait3A_455, %dma_wait3A_456] : memref<3x64x128xf32, #tpu.memory_space<vmem>> -> memref<1x64x128xf32, #tpu.memory_space<vmem>>
        %dma_wait3A_458 = tpu.memref_squeeze %dma_wait3A_457 : memref<1x64x128xf32, #tpu.memory_space<vmem>> -> memref<64x128xf32, #tpu.memory_space<vmem>>
        %dma_wait3A_459 = arith.constant 0 : i32
        %dma_wait3A_460 = tpu.memref_slice %arg7[%dma_wait3A_453, %dma_wait3A_459] : memref<8x64xi32, #tpu.memory_space<vmem>> -> memref<1x64xi32, #tpu.memory_space<vmem>>
        %dma_wait3A_461 = tpu.memref_squeeze %dma_wait3A_460 : memref<1x64xi32, #tpu.memory_space<vmem>> -> memref<64xi32, #tpu.memory_space<vmem>>
        %dma_wait3A_462 = arith.constant 0 : i32
        %dma_wait3A_463 = arith.constant 0 : i32
        %dma_wait3A_464 = tpu.memref_slice %arg4[%dma_wait3A_462, %dma_wait3A_463] : memref<100000x128xf32, #tpu.memory_space<hbm>> -> memref<100000x128xf32, #tpu.memory_space<hbm>>
        tpu.wait_indirect_dma semaphore(%arg17 : memref<!tpu.dma_semaphore, #tpu.memory_space<semaphore_mem>>) src(%dma_wait3A_464 : memref<100000x128xf32, #tpu.memory_space<hbm>>) dst(%dma_wait3A_458 : memref<64x128xf32, #tpu.memory_space<vmem>>)
        %dma_wait3A_465 = arith.constant 0 : i32
        %dma_wait3A_466 = arith.constant 1 : i32
        %dma_wait3A_467 = arith.constant 0 : i32
        %dma_wait3A_468 = arith.constant 0 : i32
        %dma_wait3A_469 = tpu.memref_slice %arg10[%dma_wait3A_466, %dma_wait3A_467, %dma_wait3A_468] : memref<3x64x128xf32, #tpu.memory_space<vmem>> -> memref<1x64x128xf32, #tpu.memory_space<vmem>>
        %dma_wait3A_470 = tpu.memref_squeeze %dma_wait3A_469 : memref<1x64x128xf32, #tpu.memory_space<vmem>> -> memref<64x128xf32, #tpu.memory_space<vmem>>
        %dma_wait3A_471 = arith.constant 0 : i32
        %dma_wait3A_472 = tpu.memref_slice %arg8[%dma_wait3A_465, %dma_wait3A_471] : memref<8x64xi32, #tpu.memory_space<vmem>> -> memref<1x64xi32, #tpu.memory_space<vmem>>
        %dma_wait3A_473 = tpu.memref_squeeze %dma_wait3A_472 : memref<1x64xi32, #tpu.memory_space<vmem>> -> memref<64xi32, #tpu.memory_space<vmem>>
        %dma_wait3A_474 = arith.constant 0 : i32
        %dma_wait3A_475 = arith.constant 0 : i32
        %dma_wait3A_476 = tpu.memref_slice %arg5[%dma_wait3A_474, %dma_wait3A_475] : memref<100000x128xf32, #tpu.memory_space<hbm>> -> memref<100000x128xf32, #tpu.memory_space<hbm>>
        tpu.wait_indirect_dma semaphore(%arg18 : memref<!tpu.dma_semaphore, #tpu.memory_space<semaphore_mem>>) src(%dma_wait3A_476 : memref<100000x128xf32, #tpu.memory_space<hbm>>) dst(%dma_wait3A_470 : memref<64x128xf32, #tpu.memory_space<vmem>>)
      } else {
      }
      %eq3A_412 = arith.constant 2 : i32
      %eq3A_413 = arith.cmpi eq, %rem3A_404, %eq3A_412 : i32
      %convert_element_type3A_414 = arith.extui %eq3A_413 : i1 to i32
      %cond3A_415 = arith.constant 0 : i32
      %cond3A_416 = arith.cmpi ne, %convert_element_type3A_414, %cond3A_415 : i32
      scf.if %cond3A_416 {
        %dma_wait3A_453 = arith.constant 0 : i32
        %dma_wait3A_454 = arith.constant 2 : i32
        %dma_wait3A_455 = arith.constant 0 : i32
        %dma_wait3A_456 = arith.constant 0 : i32
        %dma_wait3A_457 = tpu.memref_slice %arg9[%dma_wait3A_454, %dma_wait3A_455, %dma_wait3A_456] : memref<3x64x128xf32, #tpu.memory_space<vmem>> -> memref<1x64x128xf32, #tpu.memory_space<vmem>>
        %dma_wait3A_458 = tpu.memref_squeeze %dma_wait3A_457 : memref<1x64x128xf32, #tpu.memory_space<vmem>> -> memref<64x128xf32, #tpu.memory_space<vmem>>
        %dma_wait3A_459 = arith.constant 0 : i32
        %dma_wait3A_460 = tpu.memref_slice %arg7[%dma_wait3A_453, %dma_wait3A_459] : memref<8x64xi32, #tpu.memory_space<vmem>> -> memref<1x64xi32, #tpu.memory_space<vmem>>
        %dma_wait3A_461 = tpu.memref_squeeze %dma_wait3A_460 : memref<1x64xi32, #tpu.memory_space<vmem>> -> memref<64xi32, #tpu.memory_space<vmem>>
        %dma_wait3A_462 = arith.constant 0 : i32
        %dma_wait3A_463 = arith.constant 0 : i32
        %dma_wait3A_464 = tpu.memref_slice %arg4[%dma_wait3A_462, %dma_wait3A_463] : memref<100000x128xf32, #tpu.memory_space<hbm>> -> memref<100000x128xf32, #tpu.memory_space<hbm>>
        tpu.wait_indirect_dma semaphore(%arg19 : memref<!tpu.dma_semaphore, #tpu.memory_space<semaphore_mem>>) src(%dma_wait3A_464 : memref<100000x128xf32, #tpu.memory_space<hbm>>) dst(%dma_wait3A_458 : memref<64x128xf32, #tpu.memory_space<vmem>>)
        %dma_wait3A_465 = arith.constant 0 : i32
        %dma_wait3A_466 = arith.constant 2 : i32
        %dma_wait3A_467 = arith.constant 0 : i32
        %dma_wait3A_468 = arith.constant 0 : i32
        %dma_wait3A_469 = tpu.memref_slice %arg10[%dma_wait3A_466, %dma_wait3A_467, %dma_wait3A_468] : memref<3x64x128xf32, #tpu.memory_space<vmem>> -> memref<1x64x128xf32, #tpu.memory_space<vmem>>
        %dma_wait3A_470 = tpu.memref_squeeze %dma_wait3A_469 : memref<1x64x128xf32, #tpu.memory_space<vmem>> -> memref<64x128xf32, #tpu.memory_space<vmem>>
        %dma_wait3A_471 = arith.constant 0 : i32
        %dma_wait3A_472 = tpu.memref_slice %arg8[%dma_wait3A_465, %dma_wait3A_471] : memref<8x64xi32, #tpu.memory_space<vmem>> -> memref<1x64xi32, #tpu.memory_space<vmem>>
        %dma_wait3A_473 = tpu.memref_squeeze %dma_wait3A_472 : memref<1x64xi32, #tpu.memory_space<vmem>> -> memref<64xi32, #tpu.memory_space<vmem>>
        %dma_wait3A_474 = arith.constant 0 : i32
        %dma_wait3A_475 = arith.constant 0 : i32
        %dma_wait3A_476 = tpu.memref_slice %arg5[%dma_wait3A_474, %dma_wait3A_475] : memref<100000x128xf32, #tpu.memory_space<hbm>> -> memref<100000x128xf32, #tpu.memory_space<hbm>>
        tpu.wait_indirect_dma semaphore(%arg20 : memref<!tpu.dma_semaphore, #tpu.memory_space<semaphore_mem>>) src(%dma_wait3A_476 : memref<100000x128xf32, #tpu.memory_space<hbm>>) dst(%dma_wait3A_470 : memref<64x128xf32, #tpu.memory_space<vmem>>)
      } else {
      }
      %scan3A_417 = arith.constant 0 : i32
      %scan3A_418 = arith.constant 0 : i32
      %scan3A_419 = arith.constant 4 : i32
      %scan3A_420 = arith.addi %scan3A_418, %scan3A_419 : i32
      %scan3A_421 = arith.constant 1 : i32
      %scan3A_422 = scf.for %scan3A_453 = %scan3A_418 to %scan3A_420 step %scan3A_421 iter_args(%scan3A_454 = %scan3A_417) -> (i32)  : i32 {
        %mul3A_455 = arith.constant 16 : i32
        %mul3A_456 = arith.muli %scan3A_453, %mul3A_455 : i32
        %add3A_457 = arith.constant 0 : i32
        %add3A_458 = arith.addi %mul3A_456, %add3A_457 : i32
        %get3A = arith.index_cast %rem3A_404 : i32 to index
        %get3A_459 = arith.index_cast %add3A_458 : i32 to index
        %get3A_460 = arith.constant 0 : index
        %get3A_461 = tpu.vector_load %arg9[%get3A, %get3A_459, %get3A_460] {strides = array<i32>} : memref<3x64x128xf32, #tpu.memory_space<vmem>>, vector<16xf32>,
        %get3A_462 = arith.index_cast %rem3A_404 : i32 to index
        %get3A_463 = arith.index_cast %add3A_458 : i32 to index
        %get3A_464 = arith.constant 0 : index
        %get3A_465 = tpu.vector_load %arg10[%get3A_462, %get3A_463, %get3A_464] {strides = array<i32>} : memref<3x64x128xf32, #tpu.memory_space<vmem>>, vector<16xf32>,
        %mul3A_466 = arith.mulf %get3A_461, %get3A_465 : vector<16xf32>
        %get3A_467 = arith.index_cast %rem3A_404 : i32 to index
        %get3A_468 = arith.index_cast %add3A_458 : i32 to index
        %get3A_469 = arith.constant 16 : index
        %get3A_470 = tpu.vector_load %arg9[%get3A_467, %get3A_468, %get3A_469] {strides = array<i32>} : memref<3x64x128xf32, #tpu.memory_space<vmem>>, vector<16xf32>,
        %get3A_471 = arith.index_cast %rem3A_404 : i32 to index
        %get3A_472 = arith.index_cast %add3A_458 : i32 to index
        %get3A_473 = arith.constant 16 : index
        %get3A_474 = tpu.vector_load %arg10[%get3A_471, %get3A_472, %get3A_473] {strides = array<i32>} : memref<3x64x128xf32, #tpu.memory_space<vmem>>, vector<16xf32>,
        %mul3A_475 = arith.mulf %get3A_470, %get3A_474 : vector<16xf32>
        %add3A_476 = arith.addf %mul3A_466, %mul3A_475 : vector<16xf32>
        %get3A_477 = arith.index_cast %rem3A_404 : i32 to index
        %get3A_478 = arith.index_cast %add3A_458 : i32 to index
        %get3A_479 = arith.constant 32 : index
        %get3A_480 = tpu.vector_load %arg9[%get3A_477, %get3A_478, %get3A_479] {strides = array<i32>} : memref<3x64x128xf32, #tpu.memory_space<vmem>>, vector<16xf32>,
        %get3A_481 = arith.index_cast %rem3A_404 : i32 to index
        %get3A_482 = arith.index_cast %add3A_458 : i32 to index
        %get3A_483 = arith.constant 32 : index
        %get3A_484 = tpu.vector_load %arg10[%get3A_481, %get3A_482, %get3A_483] {strides = array<i32>} : memref<3x64x128xf32, #tpu.memory_space<vmem>>, vector<16xf32>,
        %mul3A_485 = arith.mulf %get3A_480, %get3A_484 : vector<16xf32>
        %add3A_486 = arith.addf %add3A_476, %mul3A_485 : vector<16xf32>
        %get3A_487 = arith.index_cast %rem3A_404 : i32 to index
        %get3A_488 = arith.index_cast %add3A_458 : i32 to index
        %get3A_489 = arith.constant 48 : index
        %get3A_490 = tpu.vector_load %arg9[%get3A_487, %get3A_488, %get3A_489] {strides = array<i32>} : memref<3x64x128xf32, #tpu.memory_space<vmem>>, vector<16xf32>,
        %get3A_491 = arith.index_cast %rem3A_404 : i32 to index
        %get3A_492 = arith.index_cast %add3A_458 : i32 to index
        %get3A_493 = arith.constant 48 : index
        %get3A_494 = tpu.vector_load %arg10[%get3A_491, %get3A_492, %get3A_493] {strides = array<i32>} : memref<3x64x128xf32, #tpu.memory_space<vmem>>, vector<16xf32>,
        %mul3A_495 = arith.mulf %get3A_490, %get3A_494 : vector<16xf32>
        %add3A_496 = arith.addf %add3A_486, %mul3A_495 : vector<16xf32>
        %get3A_497 = arith.index_cast %rem3A_404 : i32 to index
        %get3A_498 = arith.index_cast %add3A_458 : i32 to index
        %get3A_499 = arith.constant 64 : index
        %get3A_500 = tpu.vector_load %arg9[%get3A_497, %get3A_498, %get3A_499] {strides = array<i32>} : memref<3x64x128xf32, #tpu.memory_space<vmem>>, vector<16xf32>,
        %get3A_501 = arith.index_cast %rem3A_404 : i32 to index
        %get3A_502 = arith.index_cast %add3A_458 : i32 to index
        %get3A_503 = arith.constant 64 : index
        %get3A_504 = tpu.vector_load %arg10[%get3A_501, %get3A_502, %get3A_503] {strides = array<i32>} : memref<3x64x128xf32, #tpu.memory_space<vmem>>, vector<16xf32>,
        %mul3A_505 = arith.mulf %get3A_500, %get3A_504 : vector<16xf32>
        %add3A_506 = arith.addf %add3A_496, %mul3A_505 : vector<16xf32>
        %get3A_507 = arith.index_cast %rem3A_404 : i32 to index
        %get3A_508 = arith.index_cast %add3A_458 : i32 to index
        %get3A_509 = arith.constant 80 : index
        %get3A_510 = tpu.vector_load %arg9[%get3A_507, %get3A_508, %get3A_509] {strides = array<i32>} : memref<3x64x128xf32, #tpu.memory_space<vmem>>, vector<16xf32>,
        %get3A_511 = arith.index_cast %rem3A_404 : i32 to index
        %get3A_512 = arith.index_cast %add3A_458 : i32 to index
        %get3A_513 = arith.constant 80 : index
        %get3A_514 = tpu.vector_load %arg10[%get3A_511, %get3A_512, %get3A_513] {strides = array<i32>} : memref<3x64x128xf32, #tpu.memory_space<vmem>>, vector<16xf32>,
        %mul3A_515 = arith.mulf %get3A_510, %get3A_514 : vector<16xf32>
        %add3A_516 = arith.addf %add3A_506, %mul3A_515 : vector<16xf32>
        %get3A_517 = arith.index_cast %rem3A_404 : i32 to index
        %get3A_518 = arith.index_cast %add3A_458 : i32 to index
        %get3A_519 = arith.constant 96 : index
        %get3A_520 = tpu.vector_load %arg9[%get3A_517, %get3A_518, %get3A_519] {strides = array<i32>} : memref<3x64x128xf32, #tpu.memory_space<vmem>>, vector<16xf32>,
        %get3A_521 = arith.index_cast %rem3A_404 : i32 to index
        %get3A_522 = arith.index_cast %add3A_458 : i32 to index
        %get3A_523 = arith.constant 96 : index
        %get3A_524 = tpu.vector_load %arg10[%get3A_521, %get3A_522, %get3A_523] {strides = array<i32>} : memref<3x64x128xf32, #tpu.memory_space<vmem>>, vector<16xf32>,
        %mul3A_525 = arith.mulf %get3A_520, %get3A_524 : vector<16xf32>
        %add3A_526 = arith.addf %add3A_516, %mul3A_525 : vector<16xf32>
        %get3A_527 = arith.index_cast %rem3A_404 : i32 to index
        %get3A_528 = arith.index_cast %add3A_458 : i32 to index
        %get3A_529 = arith.constant 112 : index
        %get3A_530 = tpu.vector_load %arg9[%get3A_527, %get3A_528, %get3A_529] {strides = array<i32>} : memref<3x64x128xf32, #tpu.memory_space<vmem>>, vector<16xf32>,
        %get3A_531 = arith.index_cast %rem3A_404 : i32 to index
        %get3A_532 = arith.index_cast %add3A_458 : i32 to index
        %get3A_533 = arith.constant 112 : index
        %get3A_534 = tpu.vector_load %arg10[%get3A_531, %get3A_532, %get3A_533] {strides = array<i32>} : memref<3x64x128xf32, #tpu.memory_space<vmem>>, vector<16xf32>,
        %mul3A_535 = arith.mulf %get3A_530, %get3A_534 : vector<16xf32>
        %add3A_536 = arith.addf %add3A_526, %mul3A_535 : vector<16xf32>
        %swap3A = arith.constant 0 : index
        %swap3A_537 = tpu.vector_load %arg12[%swap3A] {strides = array<i32>} : memref<272xf32, #tpu.memory_space<vmem>>, vector<16xf32>,
        tpu.vector_store %arg12[%swap3A], %add3A_536 {strides = array<i32>} : memref<272xf32, #tpu.memory_space<vmem>>, vector<16xf32>,
        %mul3A_538 = arith.constant 16 : i32
        %mul3A_539 = arith.muli %scan3A_453, %mul3A_538 : i32
        %add3A_540 = arith.constant 1 : i32
        %add3A_541 = arith.addi %mul3A_539, %add3A_540 : i32
        %get3A_542 = arith.index_cast %rem3A_404 : i32 to index
        %get3A_543 = arith.index_cast %add3A_541 : i32 to index
        %get3A_544 = arith.constant 0 : index
        %get3A_545 = tpu.vector_load %arg9[%get3A_542, %get3A_543, %get3A_544] {strides = array<i32>} : memref<3x64x128xf32, #tpu.memory_space<vmem>>, vector<16xf32>,
        %get3A_546 = arith.index_cast %rem3A_404 : i32 to index
        %get3A_547 = arith.index_cast %add3A_541 : i32 to index
        %get3A_548 = arith.constant 0 : index
        %get3A_549 = tpu.vector_load %arg10[%get3A_546, %get3A_547, %get3A_548] {strides = array<i32>} : memref<3x64x128xf32, #tpu.memory_space<vmem>>, vector<16xf32>,
        %mul3A_550 = arith.mulf %get3A_545, %get3A_549 : vector<16xf32>
        %get3A_551 = arith.index_cast %rem3A_404 : i32 to index
        %get3A_552 = arith.index_cast %add3A_541 : i32 to index
        %get3A_553 = arith.constant 16 : index
        %get3A_554 = tpu.vector_load %arg9[%get3A_551, %get3A_552, %get3A_553] {strides = array<i32>} : memref<3x64x128xf32, #tpu.memory_space<vmem>>, vector<16xf32>,
        %get3A_555 = arith.index_cast %rem3A_404 : i32 to index
        %get3A_556 = arith.index_cast %add3A_541 : i32 to index
        %get3A_557 = arith.constant 16 : index
        %get3A_558 = tpu.vector_load %arg10[%get3A_555, %get3A_556, %get3A_557] {strides = array<i32>} : memref<3x64x128xf32, #tpu.memory_space<vmem>>, vector<16xf32>,
        %mul3A_559 = arith.mulf %get3A_554, %get3A_558 : vector<16xf32>
        %add3A_560 = arith.addf %mul3A_550, %mul3A_559 : vector<16xf32>
        %get3A_561 = arith.index_cast %rem3A_404 : i32 to index
        %get3A_562 = arith.index_cast %add3A_541 : i32 to index
        %get3A_563 = arith.constant 32 : index
        %get3A_564 = tpu.vector_load %arg9[%get3A_561, %get3A_562, %get3A_563] {strides = array<i32>} : memref<3x64x128xf32, #tpu.memory_space<vmem>>, vector<16xf32>,
        %get3A_565 = arith.index_cast %rem3A_404 : i32 to index
        %get3A_566 = arith.index_cast %add3A_541 : i32 to index
        %get3A_567 = arith.constant 32 : index
        %get3A_568 = tpu.vector_load %arg10[%get3A_565, %get3A_566, %get3A_567] {strides = array<i32>} : memref<3x64x128xf32, #tpu.memory_space<vmem>>, vector<16xf32>,
        %mul3A_569 = arith.mulf %get3A_564, %get3A_568 : vector<16xf32>
        %add3A_570 = arith.addf %add3A_560, %mul3A_569 : vector<16xf32>
        %get3A_571 = arith.index_cast %rem3A_404 : i32 to index
        %get3A_572 = arith.index_cast %add3A_541 : i32 to index
        %get3A_573 = arith.constant 48 : index
        %get3A_574 = tpu.vector_load %arg9[%get3A_571, %get3A_572, %get3A_573] {strides = array<i32>} : memref<3x64x128xf32, #tpu.memory_space<vmem>>, vector<16xf32>,
        %get3A_575 = arith.index_cast %rem3A_404 : i32 to index
        %get3A_576 = arith.index_cast %add3A_541 : i32 to index
        %get3A_577 = arith.constant 48 : index
        %get3A_578 = tpu.vector_load %arg10[%get3A_575, %get3A_576, %get3A_577] {strides = array<i32>} : memref<3x64x128xf32, #tpu.memory_space<vmem>>, vector<16xf32>,
        %mul3A_579 = arith.mulf %get3A_574, %get3A_578 : vector<16xf32>
        %add3A_580 = arith.addf %add3A_570, %mul3A_579 : vector<16xf32>
        %get3A_581 = arith.index_cast %rem3A_404 : i32 to index
        %get3A_582 = arith.index_cast %add3A_541 : i32 to index
        %get3A_583 = arith.constant 64 : index
        %get3A_584 = tpu.vector_load %arg9[%get3A_581, %get3A_582, %get3A_583] {strides = array<i32>} : memref<3x64x128xf32, #tpu.memory_space<vmem>>, vector<16xf32>,
        %get3A_585 = arith.index_cast %rem3A_404 : i32 to index
        %get3A_586 = arith.index_cast %add3A_541 : i32 to index
        %get3A_587 = arith.constant 64 : index
        %get3A_588 = tpu.vector_load %arg10[%get3A_585, %get3A_586, %get3A_587] {strides = array<i32>} : memref<3x64x128xf32, #tpu.memory_space<vmem>>, vector<16xf32>,
        %mul3A_589 = arith.mulf %get3A_584, %get3A_588 : vector<16xf32>
        %add3A_590 = arith.addf %add3A_580, %mul3A_589 : vector<16xf32>
        %get3A_591 = arith.index_cast %rem3A_404 : i32 to index
        %get3A_592 = arith.index_cast %add3A_541 : i32 to index
        %get3A_593 = arith.constant 80 : index
        %get3A_594 = tpu.vector_load %arg9[%get3A_591, %get3A_592, %get3A_593] {strides = array<i32>} : memref<3x64x128xf32, #tpu.memory_space<vmem>>, vector<16xf32>,
        %get3A_595 = arith.index_cast %rem3A_404 : i32 to index
        %get3A_596 = arith.index_cast %add3A_541 : i32 to index
        %get3A_597 = arith.constant 80 : index
        %get3A_598 = tpu.vector_load %arg10[%get3A_595, %get3A_596, %get3A_597] {strides = array<i32>} : memref<3x64x128xf32, #tpu.memory_space<vmem>>, vector<16xf32>,
        %mul3A_599 = arith.mulf %get3A_594, %get3A_598 : vector<16xf32>
        %add3A_600 = arith.addf %add3A_590, %mul3A_599 : vector<16xf32>
        %get3A_601 = arith.index_cast %rem3A_404 : i32 to index
        %get3A_602 = arith.index_cast %add3A_541 : i32 to index
        %get3A_603 = arith.constant 96 : index
        %get3A_604 = tpu.vector_load %arg9[%get3A_601, %get3A_602, %get3A_603] {strides = array<i32>} : memref<3x64x128xf32, #tpu.memory_space<vmem>>, vector<16xf32>,
        %get3A_605 = arith.index_cast %rem3A_404 : i32 to index
        %get3A_606 = arith.index_cast %add3A_541 : i32 to index
        %get3A_607 = arith.constant 96 : index
        %get3A_608 = tpu.vector_load %arg10[%get3A_605, %get3A_606, %get3A_607] {strides = array<i32>} : memref<3x64x128xf32, #tpu.memory_space<vmem>>, vector<16xf32>,
        %mul3A_609 = arith.mulf %get3A_604, %get3A_608 : vector<16xf32>
        %add3A_610 = arith.addf %add3A_600, %mul3A_609 : vector<16xf32>
        %get3A_611 = arith.index_cast %rem3A_404 : i32 to index
        %get3A_612 = arith.index_cast %add3A_541 : i32 to index
        %get3A_613 = arith.constant 112 : index
        %get3A_614 = tpu.vector_load %arg9[%get3A_611, %get3A_612, %get3A_613] {strides = array<i32>} : memref<3x64x128xf32, #tpu.memory_space<vmem>>, vector<16xf32>,
        %get3A_615 = arith.index_cast %rem3A_404 : i32 to index
        %get3A_616 = arith.index_cast %add3A_541 : i32 to index
        %get3A_617 = arith.constant 112 : index
        %get3A_618 = tpu.vector_load %arg10[%get3A_615, %get3A_616, %get3A_617] {strides = array<i32>} : memref<3x64x128xf32, #tpu.memory_space<vmem>>, vector<16xf32>,
        %mul3A_619 = arith.mulf %get3A_614, %get3A_618 : vector<16xf32>
        %add3A_620 = arith.addf %add3A_610, %mul3A_619 : vector<16xf32>
        %swap3A_621 = arith.constant 17 : index
        %swap3A_622 = tpu.vector_load %arg12[%swap3A_621] {strides = array<i32>} : memref<272xf32, #tpu.memory_space<vmem>>, vector<16xf32>,
        tpu.vector_store %arg12[%swap3A_621], %add3A_620 {strides = array<i32>} : memref<272xf32, #tpu.memory_space<vmem>>, vector<16xf32>,
        %mul3A_623 = arith.constant 16 : i32
        %mul3A_624 = arith.muli %scan3A_453, %mul3A_623 : i32
        %add3A_625 = arith.constant 2 : i32
        %add3A_626 = arith.addi %mul3A_624, %add3A_625 : i32
        %get3A_627 = arith.index_cast %rem3A_404 : i32 to index
        %get3A_628 = arith.index_cast %add3A_626 : i32 to index
        %get3A_629 = arith.constant 0 : index
        %get3A_630 = tpu.vector_load %arg9[%get3A_627, %get3A_628, %get3A_629] {strides = array<i32>} : memref<3x64x128xf32, #tpu.memory_space<vmem>>, vector<16xf32>,
        %get3A_631 = arith.index_cast %rem3A_404 : i32 to index
        %get3A_632 = arith.index_cast %add3A_626 : i32 to index
        %get3A_633 = arith.constant 0 : index
        %get3A_634 = tpu.vector_load %arg10[%get3A_631, %get3A_632, %get3A_633] {strides = array<i32>} : memref<3x64x128xf32, #tpu.memory_space<vmem>>, vector<16xf32>,
        %mul3A_635 = arith.mulf %get3A_630, %get3A_634 : vector<16xf32>
        %get3A_636 = arith.index_cast %rem3A_404 : i32 to index
        %get3A_637 = arith.index_cast %add3A_626 : i32 to index
        %get3A_638 = arith.constant 16 : index
        %get3A_639 = tpu.vector_load %arg9[%get3A_636, %get3A_637, %get3A_638] {strides = array<i32>} : memref<3x64x128xf32, #tpu.memory_space<vmem>>, vector<16xf32>,
        %get3A_640 = arith.index_cast %rem3A_404 : i32 to index
        %get3A_641 = arith.index_cast %add3A_626 : i32 to index
        %get3A_642 = arith.constant 16 : index
        %get3A_643 = tpu.vector_load %arg10[%get3A_640, %get3A_641, %get3A_642] {strides = array<i32>} : memref<3x64x128xf32, #tpu.memory_space<vmem>>, vector<16xf32>,
        %mul3A_644 = arith.mulf %get3A_639, %get3A_643 : vector<16xf32>
        %add3A_645 = arith.addf %mul3A_635, %mul3A_644 : vector<16xf32>
        %get3A_646 = arith.index_cast %rem3A_404 : i32 to index
        %get3A_647 = arith.index_cast %add3A_626 : i32 to index
        %get3A_648 = arith.constant 32 : index
        %get3A_649 = tpu.vector_load %arg9[%get3A_646, %get3A_647, %get3A_648] {strides = array<i32>} : memref<3x64x128xf32, #tpu.memory_space<vmem>>, vector<16xf32>,
        %get3A_650 = arith.index_cast %rem3A_404 : i32 to index
        %get3A_651 = arith.index_cast %add3A_626 : i32 to index
        %get3A_652 = arith.constant 32 : index
        %get3A_653 = tpu.vector_load %arg10[%get3A_650, %get3A_651, %get3A_652] {strides = array<i32>} : memref<3x64x128xf32, #tpu.memory_space<vmem>>, vector<16xf32>,
        %mul3A_654 = arith.mulf %get3A_649, %get3A_653 : vector<16xf32>
        %add3A_655 = arith.addf %add3A_645, %mul3A_654 : vector<16xf32>
        %get3A_656 = arith.index_cast %rem3A_404 : i32 to index
        %get3A_657 = arith.index_cast %add3A_626 : i32 to index
        %get3A_658 = arith.constant 48 : index
        %get3A_659 = tpu.vector_load %arg9[%get3A_656, %get3A_657, %get3A_658] {strides = array<i32>} : memref<3x64x128xf32, #tpu.memory_space<vmem>>, vector<16xf32>,
        %get3A_660 = arith.index_cast %rem3A_404 : i32 to index
        %get3A_661 = arith.index_cast %add3A_626 : i32 to index
        %get3A_662 = arith.constant 48 : index
        %get3A_663 = tpu.vector_load %arg10[%get3A_660, %get3A_661, %get3A_662] {strides = array<i32>} : memref<3x64x128xf32, #tpu.memory_space<vmem>>, vector<16xf32>,
        %mul3A_664 = arith.mulf %get3A_659, %get3A_663 : vector<16xf32>
        %add3A_665 = arith.addf %add3A_655, %mul3A_664 : vector<16xf32>
        %get3A_666 = arith.index_cast %rem3A_404 : i32 to index
        %get3A_667 = arith.index_cast %add3A_626 : i32 to index
        %get3A_668 = arith.constant 64 : index
        %get3A_669 = tpu.vector_load %arg9[%get3A_666, %get3A_667, %get3A_668] {strides = array<i32>} : memref<3x64x128xf32, #tpu.memory_space<vmem>>, vector<16xf32>,
        %get3A_670 = arith.index_cast %rem3A_404 : i32 to index
        %get3A_671 = arith.index_cast %add3A_626 : i32 to index
        %get3A_672 = arith.constant 64 : index
        %get3A_673 = tpu.vector_load %arg10[%get3A_670, %get3A_671, %get3A_672] {strides = array<i32>} : memref<3x64x128xf32, #tpu.memory_space<vmem>>, vector<16xf32>,
        %mul3A_674 = arith.mulf %get3A_669, %get3A_673 : vector<16xf32>
        %add3A_675 = arith.addf %add3A_665, %mul3A_674 : vector<16xf32>
        %get3A_676 = arith.index_cast %rem3A_404 : i32 to index
        %get3A_677 = arith.index_cast %add3A_626 : i32 to index
        %get3A_678 = arith.constant 80 : index
        %get3A_679 = tpu.vector_load %arg9[%get3A_676, %get3A_677, %get3A_678] {strides = array<i32>} : memref<3x64x128xf32, #tpu.memory_space<vmem>>, vector<16xf32>,
        %get3A_680 = arith.index_cast %rem3A_404 : i32 to index
        %get3A_681 = arith.index_cast %add3A_626 : i32 to index
        %get3A_682 = arith.constant 80 : index
        %get3A_683 = tpu.vector_load %arg10[%get3A_680, %get3A_681, %get3A_682] {strides = array<i32>} : memref<3x64x128xf32, #tpu.memory_space<vmem>>, vector<16xf32>,
        %mul3A_684 = arith.mulf %get3A_679, %get3A_683 : vector<16xf32>
        %add3A_685 = arith.addf %add3A_675, %mul3A_684 : vector<16xf32>
        %get3A_686 = arith.index_cast %rem3A_404 : i32 to index
        %get3A_687 = arith.index_cast %add3A_626 : i32 to index
        %get3A_688 = arith.constant 96 : index
        %get3A_689 = tpu.vector_load %arg9[%get3A_686, %get3A_687, %get3A_688] {strides = array<i32>} : memref<3x64x128xf32, #tpu.memory_space<vmem>>, vector<16xf32>,
        %get3A_690 = arith.index_cast %rem3A_404 : i32 to index
        %get3A_691 = arith.index_cast %add3A_626 : i32 to index
        %get3A_692 = arith.constant 96 : index
        %get3A_693 = tpu.vector_load %arg10[%get3A_690, %get3A_691, %get3A_692] {strides = array<i32>} : memref<3x64x128xf32, #tpu.memory_space<vmem>>, vector<16xf32>,
        %mul3A_694 = arith.mulf %get3A_689, %get3A_693 : vector<16xf32>
        %add3A_695 = arith.addf %add3A_685, %mul3A_694 : vector<16xf32>
        %get3A_696 = arith.index_cast %rem3A_404 : i32 to index
        %get3A_697 = arith.index_cast %add3A_626 : i32 to index
        %get3A_698 = arith.constant 112 : index
        %get3A_699 = tpu.vector_load %arg9[%get3A_696, %get3A_697, %get3A_698] {strides = array<i32>} : memref<3x64x128xf32, #tpu.memory_space<vmem>>, vector<16xf32>,
        %get3A_700 = arith.index_cast %rem3A_404 : i32 to index
        %get3A_701 = arith.index_cast %add3A_626 : i32 to index
        %get3A_702 = arith.constant 112 : index
        %get3A_703 = tpu.vector_load %arg10[%get3A_700, %get3A_701, %get3A_702] {strides = array<i32>} : memref<3x64x128xf32, #tpu.memory_space<vmem>>, vector<16xf32>,
        %mul3A_704 = arith.mulf %get3A_699, %get3A_703 : vector<16xf32>
        %add3A_705 = arith.addf %add3A_695, %mul3A_704 : vector<16xf32>
        %swap3A_706 = arith.constant 34 : index
        %swap3A_707 = tpu.vector_load %arg12[%swap3A_706] {strides = array<i32>} : memref<272xf32, #tpu.memory_space<vmem>>, vector<16xf32>,
        tpu.vector_store %arg12[%swap3A_706], %add3A_705 {strides = array<i32>} : memref<272xf32, #tpu.memory_space<vmem>>, vector<16xf32>,
        %mul3A_708 = arith.constant 16 : i32
        %mul3A_709 = arith.muli %scan3A_453, %mul3A_708 : i32
        %add3A_710 = arith.constant 3 : i32
        %add3A_711 = arith.addi %mul3A_709, %add3A_710 : i32
        %get3A_712 = arith.index_cast %rem3A_404 : i32 to index
        %get3A_713 = arith.index_cast %add3A_711 : i32 to index
        %get3A_714 = arith.constant 0 : index
        %get3A_715 = tpu.vector_load %arg9[%get3A_712, %get3A_713, %get3A_714] {strides = array<i32>} : memref<3x64x128xf32, #tpu.memory_space<vmem>>, vector<16xf32>,
        %get3A_716 = arith.index_cast %rem3A_404 : i32 to index
        %get3A_717 = arith.index_cast %add3A_711 : i32 to index
        %get3A_718 = arith.constant 0 : index
        %get3A_719 = tpu.vector_load %arg10[%get3A_716, %get3A_717, %get3A_718] {strides = array<i32>} : memref<3x64x128xf32, #tpu.memory_space<vmem>>, vector<16xf32>,
        %mul3A_720 = arith.mulf %get3A_715, %get3A_719 : vector<16xf32>
        %get3A_721 = arith.index_cast %rem3A_404 : i32 to index
        %get3A_722 = arith.index_cast %add3A_711 : i32 to index
        %get3A_723 = arith.constant 16 : index
        %get3A_724 = tpu.vector_load %arg9[%get3A_721, %get3A_722, %get3A_723] {strides = array<i32>} : memref<3x64x128xf32, #tpu.memory_space<vmem>>, vector<16xf32>,
        %get3A_725 = arith.index_cast %rem3A_404 : i32 to index
        %get3A_726 = arith.index_cast %add3A_711 : i32 to index
        %get3A_727 = arith.constant 16 : index
        %get3A_728 = tpu.vector_load %arg10[%get3A_725, %get3A_726, %get3A_727] {strides = array<i32>} : memref<3x64x128xf32, #tpu.memory_space<vmem>>, vector<16xf32>,
        %mul3A_729 = arith.mulf %get3A_724, %get3A_728 : vector<16xf32>
        %add3A_730 = arith.addf %mul3A_720, %mul3A_729 : vector<16xf32>
        %get3A_731 = arith.index_cast %rem3A_404 : i32 to index
        %get3A_732 = arith.index_cast %add3A_711 : i32 to index
        %get3A_733 = arith.constant 32 : index
        %get3A_734 = tpu.vector_load %arg9[%get3A_731, %get3A_732, %get3A_733] {strides = array<i32>} : memref<3x64x128xf32, #tpu.memory_space<vmem>>, vector<16xf32>,
        %get3A_735 = arith.index_cast %rem3A_404 : i32 to index
        %get3A_736 = arith.index_cast %add3A_711 : i32 to index
        %get3A_737 = arith.constant 32 : index
        %get3A_738 = tpu.vector_load %arg10[%get3A_735, %get3A_736, %get3A_737] {strides = array<i32>} : memref<3x64x128xf32, #tpu.memory_space<vmem>>, vector<16xf32>,
        %mul3A_739 = arith.mulf %get3A_734, %get3A_738 : vector<16xf32>
        %add3A_740 = arith.addf %add3A_730, %mul3A_739 : vector<16xf32>
        %get3A_741 = arith.index_cast %rem3A_404 : i32 to index
        %get3A_742 = arith.index_cast %add3A_711 : i32 to index
        %get3A_743 = arith.constant 48 : index
        %get3A_744 = tpu.vector_load %arg9[%get3A_741, %get3A_742, %get3A_743] {strides = array<i32>} : memref<3x64x128xf32, #tpu.memory_space<vmem>>, vector<16xf32>,
        %get3A_745 = arith.index_cast %rem3A_404 : i32 to index
        %get3A_746 = arith.index_cast %add3A_711 : i32 to index
        %get3A_747 = arith.constant 48 : index
        %get3A_748 = tpu.vector_load %arg10[%get3A_745, %get3A_746, %get3A_747] {strides = array<i32>} : memref<3x64x128xf32, #tpu.memory_space<vmem>>, vector<16xf32>,
        %mul3A_749 = arith.mulf %get3A_744, %get3A_748 : vector<16xf32>
        %add3A_750 = arith.addf %add3A_740, %mul3A_749 : vector<16xf32>
        %get3A_751 = arith.index_cast %rem3A_404 : i32 to index
        %get3A_752 = arith.index_cast %add3A_711 : i32 to index
        %get3A_753 = arith.constant 64 : index
        %get3A_754 = tpu.vector_load %arg9[%get3A_751, %get3A_752, %get3A_753] {strides = array<i32>} : memref<3x64x128xf32, #tpu.memory_space<vmem>>, vector<16xf32>,
        %get3A_755 = arith.index_cast %rem3A_404 : i32 to index
        %get3A_756 = arith.index_cast %add3A_711 : i32 to index
        %get3A_757 = arith.constant 64 : index
        %get3A_758 = tpu.vector_load %arg10[%get3A_755, %get3A_756, %get3A_757] {strides = array<i32>} : memref<3x64x128xf32, #tpu.memory_space<vmem>>, vector<16xf32>,
        %mul3A_759 = arith.mulf %get3A_754, %get3A_758 : vector<16xf32>
        %add3A_760 = arith.addf %add3A_750, %mul3A_759 : vector<16xf32>
        %get3A_761 = arith.index_cast %rem3A_404 : i32 to index
        %get3A_762 = arith.index_cast %add3A_711 : i32 to index
        %get3A_763 = arith.constant 80 : index
        %get3A_764 = tpu.vector_load %arg9[%get3A_761, %get3A_762, %get3A_763] {strides = array<i32>} : memref<3x64x128xf32, #tpu.memory_space<vmem>>, vector<16xf32>,
        %get3A_765 = arith.index_cast %rem3A_404 : i32 to index
        %get3A_766 = arith.index_cast %add3A_711 : i32 to index
        %get3A_767 = arith.constant 80 : index
        %get3A_768 = tpu.vector_load %arg10[%get3A_765, %get3A_766, %get3A_767] {strides = array<i32>} : memref<3x64x128xf32, #tpu.memory_space<vmem>>, vector<16xf32>,
        %mul3A_769 = arith.mulf %get3A_764, %get3A_768 : vector<16xf32>
        %add3A_770 = arith.addf %add3A_760, %mul3A_769 : vector<16xf32>
        %get3A_771 = arith.index_cast %rem3A_404 : i32 to index
        %get3A_772 = arith.index_cast %add3A_711 : i32 to index
        %get3A_773 = arith.constant 96 : index
        %get3A_774 = tpu.vector_load %arg9[%get3A_771, %get3A_772, %get3A_773] {strides = array<i32>} : memref<3x64x128xf32, #tpu.memory_space<vmem>>, vector<16xf32>,
        %get3A_775 = arith.index_cast %rem3A_404 : i32 to index
        %get3A_776 = arith.index_cast %add3A_711 : i32 to index
        %get3A_777 = arith.constant 96 : index
        %get3A_778 = tpu.vector_load %arg10[%get3A_775, %get3A_776, %get3A_777] {strides = array<i32>} : memref<3x64x128xf32, #tpu.memory_space<vmem>>, vector<16xf32>,
        %mul3A_779 = arith.mulf %get3A_774, %get3A_778 : vector<16xf32>
        %add3A_780 = arith.addf %add3A_770, %mul3A_779 : vector<16xf32>
        %get3A_781 = arith.index_cast %rem3A_404 : i32 to index
        %get3A_782 = arith.index_cast %add3A_711 : i32 to index
        %get3A_783 = arith.constant 112 : index
        %get3A_784 = tpu.vector_load %arg9[%get3A_781, %get3A_782, %get3A_783] {strides = array<i32>} : memref<3x64x128xf32, #tpu.memory_space<vmem>>, vector<16xf32>,
        %get3A_785 = arith.index_cast %rem3A_404 : i32 to index
        %get3A_786 = arith.index_cast %add3A_711 : i32 to index
        %get3A_787 = arith.constant 112 : index
        %get3A_788 = tpu.vector_load %arg10[%get3A_785, %get3A_786, %get3A_787] {strides = array<i32>} : memref<3x64x128xf32, #tpu.memory_space<vmem>>, vector<16xf32>,
        %mul3A_789 = arith.mulf %get3A_784, %get3A_788 : vector<16xf32>
        %add3A_790 = arith.addf %add3A_780, %mul3A_789 : vector<16xf32>
        %swap3A_791 = arith.constant 51 : index
        %swap3A_792 = tpu.vector_load %arg12[%swap3A_791] {strides = array<i32>} : memref<272xf32, #tpu.memory_space<vmem>>, vector<16xf32>,
        tpu.vector_store %arg12[%swap3A_791], %add3A_790 {strides = array<i32>} : memref<272xf32, #tpu.memory_space<vmem>>, vector<16xf32>,
        %mul3A_793 = arith.constant 16 : i32
        %mul3A_794 = arith.muli %scan3A_453, %mul3A_793 : i32
        %add3A_795 = arith.constant 4 : i32
        %add3A_796 = arith.addi %mul3A_794, %add3A_795 : i32
        %get3A_797 = arith.index_cast %rem3A_404 : i32 to index
        %get3A_798 = arith.index_cast %add3A_796 : i32 to index
        %get3A_799 = arith.constant 0 : index
        %get3A_800 = tpu.vector_load %arg9[%get3A_797, %get3A_798, %get3A_799] {strides = array<i32>} : memref<3x64x128xf32, #tpu.memory_space<vmem>>, vector<16xf32>,
        %get3A_801 = arith.index_cast %rem3A_404 : i32 to index
        %get3A_802 = arith.index_cast %add3A_796 : i32 to index
        %get3A_803 = arith.constant 0 : index
        %get3A_804 = tpu.vector_load %arg10[%get3A_801, %get3A_802, %get3A_803] {strides = array<i32>} : memref<3x64x128xf32, #tpu.memory_space<vmem>>, vector<16xf32>,
        %mul3A_805 = arith.mulf %get3A_800, %get3A_804 : vector<16xf32>
        %get3A_806 = arith.index_cast %rem3A_404 : i32 to index
        %get3A_807 = arith.index_cast %add3A_796 : i32 to index
        %get3A_808 = arith.constant 16 : index
        %get3A_809 = tpu.vector_load %arg9[%get3A_806, %get3A_807, %get3A_808] {strides = array<i32>} : memref<3x64x128xf32, #tpu.memory_space<vmem>>, vector<16xf32>,
        %get3A_810 = arith.index_cast %rem3A_404 : i32 to index
        %get3A_811 = arith.index_cast %add3A_796 : i32 to index
        %get3A_812 = arith.constant 16 : index
        %get3A_813 = tpu.vector_load %arg10[%get3A_810, %get3A_811, %get3A_812] {strides = array<i32>} : memref<3x64x128xf32, #tpu.memory_space<vmem>>, vector<16xf32>,
        %mul3A_814 = arith.mulf %get3A_809, %get3A_813 : vector<16xf32>
        %add3A_815 = arith.addf %mul3A_805, %mul3A_814 : vector<16xf32>
        %get3A_816 = arith.index_cast %rem3A_404 : i32 to index
        %get3A_817 = arith.index_cast %add3A_796 : i32 to index
        %get3A_818 = arith.constant 32 : index
        %get3A_819 = tpu.vector_load %arg9[%get3A_816, %get3A_817, %get3A_818] {strides = array<i32>} : memref<3x64x128xf32, #tpu.memory_space<vmem>>, vector<16xf32>,
        %get3A_820 = arith.index_cast %rem3A_404 : i32 to index
        %get3A_821 = arith.index_cast %add3A_796 : i32 to index
        %get3A_822 = arith.constant 32 : index
        %get3A_823 = tpu.vector_load %arg10[%get3A_820, %get3A_821, %get3A_822] {strides = array<i32>} : memref<3x64x128xf32, #tpu.memory_space<vmem>>, vector<16xf32>,
        %mul3A_824 = arith.mulf %get3A_819, %get3A_823 : vector<16xf32>
        %add3A_825 = arith.addf %add3A_815, %mul3A_824 : vector<16xf32>
        %get3A_826 = arith.index_cast %rem3A_404 : i32 to index
        %get3A_827 = arith.index_cast %add3A_796 : i32 to index
        %get3A_828 = arith.constant 48 : index
        %get3A_829 = tpu.vector_load %arg9[%get3A_826, %get3A_827, %get3A_828] {strides = array<i32>} : memref<3x64x128xf32, #tpu.memory_space<vmem>>, vector<16xf32>,
        %get3A_830 = arith.index_cast %rem3A_404 : i32 to index
        %get3A_831 = arith.index_cast %add3A_796 : i32 to index
        %get3A_832 = arith.constant 48 : index
        %get3A_833 = tpu.vector_load %arg10[%get3A_830, %get3A_831, %get3A_832] {strides = array<i32>} : memref<3x64x128xf32, #tpu.memory_space<vmem>>, vector<16xf32>,
        %mul3A_834 = arith.mulf %get3A_829, %get3A_833 : vector<16xf32>
        %add3A_835 = arith.addf %add3A_825, %mul3A_834 : vector<16xf32>
        %get3A_836 = arith.index_cast %rem3A_404 : i32 to index
        %get3A_837 = arith.index_cast %add3A_796 : i32 to index
        %get3A_838 = arith.constant 64 : index
        %get3A_839 = tpu.vector_load %arg9[%get3A_836, %get3A_837, %get3A_838] {strides = array<i32>} : memref<3x64x128xf32, #tpu.memory_space<vmem>>, vector<16xf32>,
        %get3A_840 = arith.index_cast %rem3A_404 : i32 to index
        %get3A_841 = arith.index_cast %add3A_796 : i32 to index
        %get3A_842 = arith.constant 64 : index
        %get3A_843 = tpu.vector_load %arg10[%get3A_840, %get3A_841, %get3A_842] {strides = array<i32>} : memref<3x64x128xf32, #tpu.memory_space<vmem>>, vector<16xf32>,
        %mul3A_844 = arith.mulf %get3A_839, %get3A_843 : vector<16xf32>
        %add3A_845 = arith.addf %add3A_835, %mul3A_844 : vector<16xf32>
        %get3A_846 = arith.index_cast %rem3A_404 : i32 to index
        %get3A_847 = arith.index_cast %add3A_796 : i32 to index
        %get3A_848 = arith.constant 80 : index
        %get3A_849 = tpu.vector_load %arg9[%get3A_846, %get3A_847, %get3A_848] {strides = array<i32>} : memref<3x64x128xf32, #tpu.memory_space<vmem>>, vector<16xf32>,
        %get3A_850 = arith.index_cast %rem3A_404 : i32 to index
        %get3A_851 = arith.index_cast %add3A_796 : i32 to index
        %get3A_852 = arith.constant 80 : index
        %get3A_853 = tpu.vector_load %arg10[%get3A_850, %get3A_851, %get3A_852] {strides = array<i32>} : memref<3x64x128xf32, #tpu.memory_space<vmem>>, vector<16xf32>,
        %mul3A_854 = arith.mulf %get3A_849, %get3A_853 : vector<16xf32>
        %add3A_855 = arith.addf %add3A_845, %mul3A_854 : vector<16xf32>
        %get3A_856 = arith.index_cast %rem3A_404 : i32 to index
        %get3A_857 = arith.index_cast %add3A_796 : i32 to index
        %get3A_858 = arith.constant 96 : index
        %get3A_859 = tpu.vector_load %arg9[%get3A_856, %get3A_857, %get3A_858] {strides = array<i32>} : memref<3x64x128xf32, #tpu.memory_space<vmem>>, vector<16xf32>,
        %get3A_860 = arith.index_cast %rem3A_404 : i32 to index
        %get3A_861 = arith.index_cast %add3A_796 : i32 to index
        %get3A_862 = arith.constant 96 : index
        %get3A_863 = tpu.vector_load %arg10[%get3A_860, %get3A_861, %get3A_862] {strides = array<i32>} : memref<3x64x128xf32, #tpu.memory_space<vmem>>, vector<16xf32>,
        %mul3A_864 = arith.mulf %get3A_859, %get3A_863 : vector<16xf32>
        %add3A_865 = arith.addf %add3A_855, %mul3A_864 : vector<16xf32>
        %get3A_866 = arith.index_cast %rem3A_404 : i32 to index
        %get3A_867 = arith.index_cast %add3A_796 : i32 to index
        %get3A_868 = arith.constant 112 : index
        %get3A_869 = tpu.vector_load %arg9[%get3A_866, %get3A_867, %get3A_868] {strides = array<i32>} : memref<3x64x128xf32, #tpu.memory_space<vmem>>, vector<16xf32>,
        %get3A_870 = arith.index_cast %rem3A_404 : i32 to index
        %get3A_871 = arith.index_cast %add3A_796 : i32 to index
        %get3A_872 = arith.constant 112 : index
        %get3A_873 = tpu.vector_load %arg10[%get3A_870, %get3A_871, %get3A_872] {strides = array<i32>} : memref<3x64x128xf32, #tpu.memory_space<vmem>>, vector<16xf32>,
        %mul3A_874 = arith.mulf %get3A_869, %get3A_873 : vector<16xf32>
        %add3A_875 = arith.addf %add3A_865, %mul3A_874 : vector<16xf32>
        %swap3A_876 = arith.constant 68 : index
        %swap3A_877 = tpu.vector_load %arg12[%swap3A_876] {strides = array<i32>} : memref<272xf32, #tpu.memory_space<vmem>>, vector<16xf32>,
        tpu.vector_store %arg12[%swap3A_876], %add3A_875 {strides = array<i32>} : memref<272xf32, #tpu.memory_space<vmem>>, vector<16xf32>,
        %mul3A_878 = arith.constant 16 : i32
        %mul3A_879 = arith.muli %scan3A_453, %mul3A_878 : i32
        %add3A_880 = arith.constant 5 : i32
        %add3A_881 = arith.addi %mul3A_879, %add3A_880 : i32
        %get3A_882 = arith.index_cast %rem3A_404 : i32 to index
        %get3A_883 = arith.index_cast %add3A_881 : i32 to index
        %get3A_884 = arith.constant 0 : index
        %get3A_885 = tpu.vector_load %arg9[%get3A_882, %get3A_883, %get3A_884] {strides = array<i32>} : memref<3x64x128xf32, #tpu.memory_space<vmem>>, vector<16xf32>,
        %get3A_886 = arith.index_cast %rem3A_404 : i32 to index
        %get3A_887 = arith.index_cast %add3A_881 : i32 to index
        %get3A_888 = arith.constant 0 : index
        %get3A_889 = tpu.vector_load %arg10[%get3A_886, %get3A_887, %get3A_888] {strides = array<i32>} : memref<3x64x128xf32, #tpu.memory_space<vmem>>, vector<16xf32>,
        %mul3A_890 = arith.mulf %get3A_885, %get3A_889 : vector<16xf32>
        %get3A_891 = arith.index_cast %rem3A_404 : i32 to index
        %get3A_892 = arith.index_cast %add3A_881 : i32 to index
        %get3A_893 = arith.constant 16 : index
        %get3A_894 = tpu.vector_load %arg9[%get3A_891, %get3A_892, %get3A_893] {strides = array<i32>} : memref<3x64x128xf32, #tpu.memory_space<vmem>>, vector<16xf32>,
        %get3A_895 = arith.index_cast %rem3A_404 : i32 to index
        %get3A_896 = arith.index_cast %add3A_881 : i32 to index
        %get3A_897 = arith.constant 16 : index
        %get3A_898 = tpu.vector_load %arg10[%get3A_895, %get3A_896, %get3A_897] {strides = array<i32>} : memref<3x64x128xf32, #tpu.memory_space<vmem>>, vector<16xf32>,
        %mul3A_899 = arith.mulf %get3A_894, %get3A_898 : vector<16xf32>
        %add3A_900 = arith.addf %mul3A_890, %mul3A_899 : vector<16xf32>
        %get3A_901 = arith.index_cast %rem3A_404 : i32 to index
        %get3A_902 = arith.index_cast %add3A_881 : i32 to index
        %get3A_903 = arith.constant 32 : index
        %get3A_904 = tpu.vector_load %arg9[%get3A_901, %get3A_902, %get3A_903] {strides = array<i32>} : memref<3x64x128xf32, #tpu.memory_space<vmem>>, vector<16xf32>,
        %get3A_905 = arith.index_cast %rem3A_404 : i32 to index
        %get3A_906 = arith.index_cast %add3A_881 : i32 to index
        %get3A_907 = arith.constant 32 : index
        %get3A_908 = tpu.vector_load %arg10[%get3A_905, %get3A_906, %get3A_907] {strides = array<i32>} : memref<3x64x128xf32, #tpu.memory_space<vmem>>, vector<16xf32>,
        %mul3A_909 = arith.mulf %get3A_904, %get3A_908 : vector<16xf32>
        %add3A_910 = arith.addf %add3A_900, %mul3A_909 : vector<16xf32>
        %get3A_911 = arith.index_cast %rem3A_404 : i32 to index
        %get3A_912 = arith.index_cast %add3A_881 : i32 to index
        %get3A_913 = arith.constant 48 : index
        %get3A_914 = tpu.vector_load %arg9[%get3A_911, %get3A_912, %get3A_913] {strides = array<i32>} : memref<3x64x128xf32, #tpu.memory_space<vmem>>, vector<16xf32>,
        %get3A_915 = arith.index_cast %rem3A_404 : i32 to index
        %get3A_916 = arith.index_cast %add3A_881 : i32 to index
        %get3A_917 = arith.constant 48 : index
        %get3A_918 = tpu.vector_load %arg10[%get3A_915, %get3A_916, %get3A_917] {strides = array<i32>} : memref<3x64x128xf32, #tpu.memory_space<vmem>>, vector<16xf32>,
        %mul3A_919 = arith.mulf %get3A_914, %get3A_918 : vector<16xf32>
        %add3A_920 = arith.addf %add3A_910, %mul3A_919 : vector<16xf32>
        %get3A_921 = arith.index_cast %rem3A_404 : i32 to index
        %get3A_922 = arith.index_cast %add3A_881 : i32 to index
        %get3A_923 = arith.constant 64 : index
        %get3A_924 = tpu.vector_load %arg9[%get3A_921, %get3A_922, %get3A_923] {strides = array<i32>} : memref<3x64x128xf32, #tpu.memory_space<vmem>>, vector<16xf32>,
        %get3A_925 = arith.index_cast %rem3A_404 : i32 to index
        %get3A_926 = arith.index_cast %add3A_881 : i32 to index
        %get3A_927 = arith.constant 64 : index
        %get3A_928 = tpu.vector_load %arg10[%get3A_925, %get3A_926, %get3A_927] {strides = array<i32>} : memref<3x64x128xf32, #tpu.memory_space<vmem>>, vector<16xf32>,
        %mul3A_929 = arith.mulf %get3A_924, %get3A_928 : vector<16xf32>
        %add3A_930 = arith.addf %add3A_920, %mul3A_929 : vector<16xf32>
        %get3A_931 = arith.index_cast %rem3A_404 : i32 to index
        %get3A_932 = arith.index_cast %add3A_881 : i32 to index
        %get3A_933 = arith.constant 80 : index
        %get3A_934 = tpu.vector_load %arg9[%get3A_931, %get3A_932, %get3A_933] {strides = array<i32>} : memref<3x64x128xf32, #tpu.memory_space<vmem>>, vector<16xf32>,
        %get3A_935 = arith.index_cast %rem3A_404 : i32 to index
        %get3A_936 = arith.index_cast %add3A_881 : i32 to index
        %get3A_937 = arith.constant 80 : index
        %get3A_938 = tpu.vector_load %arg10[%get3A_935, %get3A_936, %get3A_937] {strides = array<i32>} : memref<3x64x128xf32, #tpu.memory_space<vmem>>, vector<16xf32>,
        %mul3A_939 = arith.mulf %get3A_934, %get3A_938 : vector<16xf32>
        %add3A_940 = arith.addf %add3A_930, %mul3A_939 : vector<16xf32>
        %get3A_941 = arith.index_cast %rem3A_404 : i32 to index
        %get3A_942 = arith.index_cast %add3A_881 : i32 to index
        %get3A_943 = arith.constant 96 : index
        %get3A_944 = tpu.vector_load %arg9[%get3A_941, %get3A_942, %get3A_943] {strides = array<i32>} : memref<3x64x128xf32, #tpu.memory_space<vmem>>, vector<16xf32>,
        %get3A_945 = arith.index_cast %rem3A_404 : i32 to index
        %get3A_946 = arith.index_cast %add3A_881 : i32 to index
        %get3A_947 = arith.constant 96 : index
        %get3A_948 = tpu.vector_load %arg10[%get3A_945, %get3A_946, %get3A_947] {strides = array<i32>} : memref<3x64x128xf32, #tpu.memory_space<vmem>>, vector<16xf32>,
        %mul3A_949 = arith.mulf %get3A_944, %get3A_948 : vector<16xf32>
        %add3A_950 = arith.addf %add3A_940, %mul3A_949 : vector<16xf32>
        %get3A_951 = arith.index_cast %rem3A_404 : i32 to index
        %get3A_952 = arith.index_cast %add3A_881 : i32 to index
        %get3A_953 = arith.constant 112 : index
        %get3A_954 = tpu.vector_load %arg9[%get3A_951, %get3A_952, %get3A_953] {strides = array<i32>} : memref<3x64x128xf32, #tpu.memory_space<vmem>>, vector<16xf32>,
        %get3A_955 = arith.index_cast %rem3A_404 : i32 to index
        %get3A_956 = arith.index_cast %add3A_881 : i32 to index
        %get3A_957 = arith.constant 112 : index
        %get3A_958 = tpu.vector_load %arg10[%get3A_955, %get3A_956, %get3A_957] {strides = array<i32>} : memref<3x64x128xf32, #tpu.memory_space<vmem>>, vector<16xf32>,
        %mul3A_959 = arith.mulf %get3A_954, %get3A_958 : vector<16xf32>
        %add3A_960 = arith.addf %add3A_950, %mul3A_959 : vector<16xf32>
        %swap3A_961 = arith.constant 85 : index
        %swap3A_962 = tpu.vector_load %arg12[%swap3A_961] {strides = array<i32>} : memref<272xf32, #tpu.memory_space<vmem>>, vector<16xf32>,
        tpu.vector_store %arg12[%swap3A_961], %add3A_960 {strides = array<i32>} : memref<272xf32, #tpu.memory_space<vmem>>, vector<16xf32>,
        %mul3A_963 = arith.constant 16 : i32
        %mul3A_964 = arith.muli %scan3A_453, %mul3A_963 : i32
        %add3A_965 = arith.constant 6 : i32
        %add3A_966 = arith.addi %mul3A_964, %add3A_965 : i32
        %get3A_967 = arith.index_cast %rem3A_404 : i32 to index
        %get3A_968 = arith.index_cast %add3A_966 : i32 to index
        %get3A_969 = arith.constant 0 : index
        %get3A_970 = tpu.vector_load %arg9[%get3A_967, %get3A_968, %get3A_969] {strides = array<i32>} : memref<3x64x128xf32, #tpu.memory_space<vmem>>, vector<16xf32>,
        %get3A_971 = arith.index_cast %rem3A_404 : i32 to index
        %get3A_972 = arith.index_cast %add3A_966 : i32 to index
        %get3A_973 = arith.constant 0 : index
        %get3A_974 = tpu.vector_load %arg10[%get3A_971, %get3A_972, %get3A_973] {strides = array<i32>} : memref<3x64x128xf32, #tpu.memory_space<vmem>>, vector<16xf32>,
        %mul3A_975 = arith.mulf %get3A_970, %get3A_974 : vector<16xf32>
        %get3A_976 = arith.index_cast %rem3A_404 : i32 to index
        %get3A_977 = arith.index_cast %add3A_966 : i32 to index
        %get3A_978 = arith.constant 16 : index
        %get3A_979 = tpu.vector_load %arg9[%get3A_976, %get3A_977, %get3A_978] {strides = array<i32>} : memref<3x64x128xf32, #tpu.memory_space<vmem>>, vector<16xf32>,
        %get3A_980 = arith.index_cast %rem3A_404 : i32 to index
        %get3A_981 = arith.index_cast %add3A_966 : i32 to index
        %get3A_982 = arith.constant 16 : index
        %get3A_983 = tpu.vector_load %arg10[%get3A_980, %get3A_981, %get3A_982] {strides = array<i32>} : memref<3x64x128xf32, #tpu.memory_space<vmem>>, vector<16xf32>,
        %mul3A_984 = arith.mulf %get3A_979, %get3A_983 : vector<16xf32>
        %add3A_985 = arith.addf %mul3A_975, %mul3A_984 : vector<16xf32>
        %get3A_986 = arith.index_cast %rem3A_404 : i32 to index
        %get3A_987 = arith.index_cast %add3A_966 : i32 to index
        %get3A_988 = arith.constant 32 : index
        %get3A_989 = tpu.vector_load %arg9[%get3A_986, %get3A_987, %get3A_988] {strides = array<i32>} : memref<3x64x128xf32, #tpu.memory_space<vmem>>, vector<16xf32>,
        %get3A_990 = arith.index_cast %rem3A_404 : i32 to index
        %get3A_991 = arith.index_cast %add3A_966 : i32 to index
        %get3A_992 = arith.constant 32 : index
        %get3A_993 = tpu.vector_load %arg10[%get3A_990, %get3A_991, %get3A_992] {strides = array<i32>} : memref<3x64x128xf32, #tpu.memory_space<vmem>>, vector<16xf32>,
        %mul3A_994 = arith.mulf %get3A_989, %get3A_993 : vector<16xf32>
        %add3A_995 = arith.addf %add3A_985, %mul3A_994 : vector<16xf32>
        %get3A_996 = arith.index_cast %rem3A_404 : i32 to index
        %get3A_997 = arith.index_cast %add3A_966 : i32 to index
        %get3A_998 = arith.constant 48 : index
        %get3A_999 = tpu.vector_load %arg9[%get3A_996, %get3A_997, %get3A_998] {strides = array<i32>} : memref<3x64x128xf32, #tpu.memory_space<vmem>>, vector<16xf32>,
        %get3A_1000 = arith.index_cast %rem3A_404 : i32 to index
        %get3A_1001 = arith.index_cast %add3A_966 : i32 to index
        %get3A_1002 = arith.constant 48 : index
        %get3A_1003 = tpu.vector_load %arg10[%get3A_1000, %get3A_1001, %get3A_1002] {strides = array<i32>} : memref<3x64x128xf32, #tpu.memory_space<vmem>>, vector<16xf32>,
        %mul3A_1004 = arith.mulf %get3A_999, %get3A_1003 : vector<16xf32>
        %add3A_1005 = arith.addf %add3A_995, %mul3A_1004 : vector<16xf32>
        %get3A_1006 = arith.index_cast %rem3A_404 : i32 to index
        %get3A_1007 = arith.index_cast %add3A_966 : i32 to index
        %get3A_1008 = arith.constant 64 : index
        %get3A_1009 = tpu.vector_load %arg9[%get3A_1006, %get3A_1007, %get3A_1008] {strides = array<i32>} : memref<3x64x128xf32, #tpu.memory_space<vmem>>, vector<16xf32>,
        %get3A_1010 = arith.index_cast %rem3A_404 : i32 to index
        %get3A_1011 = arith.index_cast %add3A_966 : i32 to index
        %get3A_1012 = arith.constant 64 : index
        %get3A_1013 = tpu.vector_load %arg10[%get3A_1010, %get3A_1011, %get3A_1012] {strides = array<i32>} : memref<3x64x128xf32, #tpu.memory_space<vmem>>, vector<16xf32>,
        %mul3A_1014 = arith.mulf %get3A_1009, %get3A_1013 : vector<16xf32>
        %add3A_1015 = arith.addf %add3A_1005, %mul3A_1014 : vector<16xf32>
        %get3A_1016 = arith.index_cast %rem3A_404 : i32 to index
        %get3A_1017 = arith.index_cast %add3A_966 : i32 to index
        %get3A_1018 = arith.constant 80 : index
        %get3A_1019 = tpu.vector_load %arg9[%get3A_1016, %get3A_1017, %get3A_1018] {strides = array<i32>} : memref<3x64x128xf32, #tpu.memory_space<vmem>>, vector<16xf32>,
        %get3A_1020 = arith.index_cast %rem3A_404 : i32 to index
        %get3A_1021 = arith.index_cast %add3A_966 : i32 to index
        %get3A_1022 = arith.constant 80 : index
        %get3A_1023 = tpu.vector_load %arg10[%get3A_1020, %get3A_1021, %get3A_1022] {strides = array<i32>} : memref<3x64x128xf32, #tpu.memory_space<vmem>>, vector<16xf32>,
        %mul3A_1024 = arith.mulf %get3A_1019, %get3A_1023 : vector<16xf32>
        %add3A_1025 = arith.addf %add3A_1015, %mul3A_1024 : vector<16xf32>
        %get3A_1026 = arith.index_cast %rem3A_404 : i32 to index
        %get3A_1027 = arith.index_cast %add3A_966 : i32 to index
        %get3A_1028 = arith.constant 96 : index
        %get3A_1029 = tpu.vector_load %arg9[%get3A_1026, %get3A_1027, %get3A_1028] {strides = array<i32>} : memref<3x64x128xf32, #tpu.memory_space<vmem>>, vector<16xf32>,
        %get3A_1030 = arith.index_cast %rem3A_404 : i32 to index
        %get3A_1031 = arith.index_cast %add3A_966 : i32 to index
        %get3A_1032 = arith.constant 96 : index
        %get3A_1033 = tpu.vector_load %arg10[%get3A_1030, %get3A_1031, %get3A_1032] {strides = array<i32>} : memref<3x64x128xf32, #tpu.memory_space<vmem>>, vector<16xf32>,
        %mul3A_1034 = arith.mulf %get3A_1029, %get3A_1033 : vector<16xf32>
        %add3A_1035 = arith.addf %add3A_1025, %mul3A_1034 : vector<16xf32>
        %get3A_1036 = arith.index_cast %rem3A_404 : i32 to index
        %get3A_1037 = arith.index_cast %add3A_966 : i32 to index
        %get3A_1038 = arith.constant 112 : index
        %get3A_1039 = tpu.vector_load %arg9[%get3A_1036, %get3A_1037, %get3A_1038] {strides = array<i32>} : memref<3x64x128xf32, #tpu.memory_space<vmem>>, vector<16xf32>,
        %get3A_1040 = arith.index_cast %rem3A_404 : i32 to index
        %get3A_1041 = arith.index_cast %add3A_966 : i32 to index
        %get3A_1042 = arith.constant 112 : index
        %get3A_1043 = tpu.vector_load %arg10[%get3A_1040, %get3A_1041, %get3A_1042] {strides = array<i32>} : memref<3x64x128xf32, #tpu.memory_space<vmem>>, vector<16xf32>,
        %mul3A_1044 = arith.mulf %get3A_1039, %get3A_1043 : vector<16xf32>
        %add3A_1045 = arith.addf %add3A_1035, %mul3A_1044 : vector<16xf32>
        %swap3A_1046 = arith.constant 102 : index
        %swap3A_1047 = tpu.vector_load %arg12[%swap3A_1046] {strides = array<i32>} : memref<272xf32, #tpu.memory_space<vmem>>, vector<16xf32>,
        tpu.vector_store %arg12[%swap3A_1046], %add3A_1045 {strides = array<i32>} : memref<272xf32, #tpu.memory_space<vmem>>, vector<16xf32>,
        %mul3A_1048 = arith.constant 16 : i32
        %mul3A_1049 = arith.muli %scan3A_453, %mul3A_1048 : i32
        %add3A_1050 = arith.constant 7 : i32
        %add3A_1051 = arith.addi %mul3A_1049, %add3A_1050 : i32
        %get3A_1052 = arith.index_cast %rem3A_404 : i32 to index
        %get3A_1053 = arith.index_cast %add3A_1051 : i32 to index
        %get3A_1054 = arith.constant 0 : index
        %get3A_1055 = tpu.vector_load %arg9[%get3A_1052, %get3A_1053, %get3A_1054] {strides = array<i32>} : memref<3x64x128xf32, #tpu.memory_space<vmem>>, vector<16xf32>,
        %get3A_1056 = arith.index_cast %rem3A_404 : i32 to index
        %get3A_1057 = arith.index_cast %add3A_1051 : i32 to index
        %get3A_1058 = arith.constant 0 : index
        %get3A_1059 = tpu.vector_load %arg10[%get3A_1056, %get3A_1057, %get3A_1058] {strides = array<i32>} : memref<3x64x128xf32, #tpu.memory_space<vmem>>, vector<16xf32>,
        %mul3A_1060 = arith.mulf %get3A_1055, %get3A_1059 : vector<16xf32>
        %get3A_1061 = arith.index_cast %rem3A_404 : i32 to index
        %get3A_1062 = arith.index_cast %add3A_1051 : i32 to index
        %get3A_1063 = arith.constant 16 : index
        %get3A_1064 = tpu.vector_load %arg9[%get3A_1061, %get3A_1062, %get3A_1063] {strides = array<i32>} : memref<3x64x128xf32, #tpu.memory_space<vmem>>, vector<16xf32>,
        %get3A_1065 = arith.index_cast %rem3A_404 : i32 to index
        %get3A_1066 = arith.index_cast %add3A_1051 : i32 to index
        %get3A_1067 = arith.constant 16 : index
        %get3A_1068 = tpu.vector_load %arg10[%get3A_1065, %get3A_1066, %get3A_1067] {strides = array<i32>} : memref<3x64x128xf32, #tpu.memory_space<vmem>>, vector<16xf32>,
        %mul3A_1069 = arith.mulf %get3A_1064, %get3A_1068 : vector<16xf32>
        %add3A_1070 = arith.addf %mul3A_1060, %mul3A_1069 : vector<16xf32>
        %get3A_1071 = arith.index_cast %rem3A_404 : i32 to index
        %get3A_1072 = arith.index_cast %add3A_1051 : i32 to index
        %get3A_1073 = arith.constant 32 : index
        %get3A_1074 = tpu.vector_load %arg9[%get3A_1071, %get3A_1072, %get3A_1073] {strides = array<i32>} : memref<3x64x128xf32, #tpu.memory_space<vmem>>, vector<16xf32>,
        %get3A_1075 = arith.index_cast %rem3A_404 : i32 to index
        %get3A_1076 = arith.index_cast %add3A_1051 : i32 to index
        %get3A_1077 = arith.constant 32 : index
        %get3A_1078 = tpu.vector_load %arg10[%get3A_1075, %get3A_1076, %get3A_1077] {strides = array<i32>} : memref<3x64x128xf32, #tpu.memory_space<vmem>>, vector<16xf32>,
        %mul3A_1079 = arith.mulf %get3A_1074, %get3A_1078 : vector<16xf32>
        %add3A_1080 = arith.addf %add3A_1070, %mul3A_1079 : vector<16xf32>
        %get3A_1081 = arith.index_cast %rem3A_404 : i32 to index
        %get3A_1082 = arith.index_cast %add3A_1051 : i32 to index
        %get3A_1083 = arith.constant 48 : index
        %get3A_1084 = tpu.vector_load %arg9[%get3A_1081, %get3A_1082, %get3A_1083] {strides = array<i32>} : memref<3x64x128xf32, #tpu.memory_space<vmem>>, vector<16xf32>,
        %get3A_1085 = arith.index_cast %rem3A_404 : i32 to index
        %get3A_1086 = arith.index_cast %add3A_1051 : i32 to index
        %get3A_1087 = arith.constant 48 : index
        %get3A_1088 = tpu.vector_load %arg10[%get3A_1085, %get3A_1086, %get3A_1087] {strides = array<i32>} : memref<3x64x128xf32, #tpu.memory_space<vmem>>, vector<16xf32>,
        %mul3A_1089 = arith.mulf %get3A_1084, %get3A_1088 : vector<16xf32>
        %add3A_1090 = arith.addf %add3A_1080, %mul3A_1089 : vector<16xf32>
        %get3A_1091 = arith.index_cast %rem3A_404 : i32 to index
        %get3A_1092 = arith.index_cast %add3A_1051 : i32 to index
        %get3A_1093 = arith.constant 64 : index
        %get3A_1094 = tpu.vector_load %arg9[%get3A_1091, %get3A_1092, %get3A_1093] {strides = array<i32>} : memref<3x64x128xf32, #tpu.memory_space<vmem>>, vector<16xf32>,
        %get3A_1095 = arith.index_cast %rem3A_404 : i32 to index
        %get3A_1096 = arith.index_cast %add3A_1051 : i32 to index
        %get3A_1097 = arith.constant 64 : index
        %get3A_1098 = tpu.vector_load %arg10[%get3A_1095, %get3A_1096, %get3A_1097] {strides = array<i32>} : memref<3x64x128xf32, #tpu.memory_space<vmem>>, vector<16xf32>,
        %mul3A_1099 = arith.mulf %get3A_1094, %get3A_1098 : vector<16xf32>
        %add3A_1100 = arith.addf %add3A_1090, %mul3A_1099 : vector<16xf32>
        %get3A_1101 = arith.index_cast %rem3A_404 : i32 to index
        %get3A_1102 = arith.index_cast %add3A_1051 : i32 to index
        %get3A_1103 = arith.constant 80 : index
        %get3A_1104 = tpu.vector_load %arg9[%get3A_1101, %get3A_1102, %get3A_1103] {strides = array<i32>} : memref<3x64x128xf32, #tpu.memory_space<vmem>>, vector<16xf32>,
        %get3A_1105 = arith.index_cast %rem3A_404 : i32 to index
        %get3A_1106 = arith.index_cast %add3A_1051 : i32 to index
        %get3A_1107 = arith.constant 80 : index
        %get3A_1108 = tpu.vector_load %arg10[%get3A_1105, %get3A_1106, %get3A_1107] {strides = array<i32>} : memref<3x64x128xf32, #tpu.memory_space<vmem>>, vector<16xf32>,
        %mul3A_1109 = arith.mulf %get3A_1104, %get3A_1108 : vector<16xf32>
        %add3A_1110 = arith.addf %add3A_1100, %mul3A_1109 : vector<16xf32>
        %get3A_1111 = arith.index_cast %rem3A_404 : i32 to index
        %get3A_1112 = arith.index_cast %add3A_1051 : i32 to index
        %get3A_1113 = arith.constant 96 : index
        %get3A_1114 = tpu.vector_load %arg9[%get3A_1111, %get3A_1112, %get3A_1113] {strides = array<i32>} : memref<3x64x128xf32, #tpu.memory_space<vmem>>, vector<16xf32>,
        %get3A_1115 = arith.index_cast %rem3A_404 : i32 to index
        %get3A_1116 = arith.index_cast %add3A_1051 : i32 to index
        %get3A_1117 = arith.constant 96 : index
        %get3A_1118 = tpu.vector_load %arg10[%get3A_1115, %get3A_1116, %get3A_1117] {strides = array<i32>} : memref<3x64x128xf32, #tpu.memory_space<vmem>>, vector<16xf32>,
        %mul3A_1119 = arith.mulf %get3A_1114, %get3A_1118 : vector<16xf32>
        %add3A_1120 = arith.addf %add3A_1110, %mul3A_1119 : vector<16xf32>
        %get3A_1121 = arith.index_cast %rem3A_404 : i32 to index
        %get3A_1122 = arith.index_cast %add3A_1051 : i32 to index
        %get3A_1123 = arith.constant 112 : index
        %get3A_1124 = tpu.vector_load %arg9[%get3A_1121, %get3A_1122, %get3A_1123] {strides = array<i32>} : memref<3x64x128xf32, #tpu.memory_space<vmem>>, vector<16xf32>,
        %get3A_1125 = arith.index_cast %rem3A_404 : i32 to index
        %get3A_1126 = arith.index_cast %add3A_1051 : i32 to index
        %get3A_1127 = arith.constant 112 : index
        %get3A_1128 = tpu.vector_load %arg10[%get3A_1125, %get3A_1126, %get3A_1127] {strides = array<i32>} : memref<3x64x128xf32, #tpu.memory_space<vmem>>, vector<16xf32>,
        %mul3A_1129 = arith.mulf %get3A_1124, %get3A_1128 : vector<16xf32>
        %add3A_1130 = arith.addf %add3A_1120, %mul3A_1129 : vector<16xf32>
        %swap3A_1131 = arith.constant 119 : index
        %swap3A_1132 = tpu.vector_load %arg12[%swap3A_1131] {strides = array<i32>} : memref<272xf32, #tpu.memory_space<vmem>>, vector<16xf32>,
        tpu.vector_store %arg12[%swap3A_1131], %add3A_1130 {strides = array<i32>} : memref<272xf32, #tpu.memory_space<vmem>>, vector<16xf32>,
        %mul3A_1133 = arith.constant 16 : i32
        %mul3A_1134 = arith.muli %scan3A_453, %mul3A_1133 : i32
        %add3A_1135 = arith.constant 8 : i32
        %add3A_1136 = arith.addi %mul3A_1134, %add3A_1135 : i32
        %get3A_1137 = arith.index_cast %rem3A_404 : i32 to index
        %get3A_1138 = arith.index_cast %add3A_1136 : i32 to index
        %get3A_1139 = arith.constant 0 : index
        %get3A_1140 = tpu.vector_load %arg9[%get3A_1137, %get3A_1138, %get3A_1139] {strides = array<i32>} : memref<3x64x128xf32, #tpu.memory_space<vmem>>, vector<16xf32>,
        %get3A_1141 = arith.index_cast %rem3A_404 : i32 to index
        %get3A_1142 = arith.index_cast %add3A_1136 : i32 to index
        %get3A_1143 = arith.constant 0 : index
        %get3A_1144 = tpu.vector_load %arg10[%get3A_1141, %get3A_1142, %get3A_1143] {strides = array<i32>} : memref<3x64x128xf32, #tpu.memory_space<vmem>>, vector<16xf32>,
        %mul3A_1145 = arith.mulf %get3A_1140, %get3A_1144 : vector<16xf32>
        %get3A_1146 = arith.index_cast %rem3A_404 : i32 to index
        %get3A_1147 = arith.index_cast %add3A_1136 : i32 to index
        %get3A_1148 = arith.constant 16 : index
        %get3A_1149 = tpu.vector_load %arg9[%get3A_1146, %get3A_1147, %get3A_1148] {strides = array<i32>} : memref<3x64x128xf32, #tpu.memory_space<vmem>>, vector<16xf32>,
        %get3A_1150 = arith.index_cast %rem3A_404 : i32 to index
        %get3A_1151 = arith.index_cast %add3A_1136 : i32 to index
        %get3A_1152 = arith.constant 16 : index
        %get3A_1153 = tpu.vector_load %arg10[%get3A_1150, %get3A_1151, %get3A_1152] {strides = array<i32>} : memref<3x64x128xf32, #tpu.memory_space<vmem>>, vector<16xf32>,
        %mul3A_1154 = arith.mulf %get3A_1149, %get3A_1153 : vector<16xf32>
        %add3A_1155 = arith.addf %mul3A_1145, %mul3A_1154 : vector<16xf32>
        %get3A_1156 = arith.index_cast %rem3A_404 : i32 to index
        %get3A_1157 = arith.index_cast %add3A_1136 : i32 to index
        %get3A_1158 = arith.constant 32 : index
        %get3A_1159 = tpu.vector_load %arg9[%get3A_1156, %get3A_1157, %get3A_1158] {strides = array<i32>} : memref<3x64x128xf32, #tpu.memory_space<vmem>>, vector<16xf32>,
        %get3A_1160 = arith.index_cast %rem3A_404 : i32 to index
        %get3A_1161 = arith.index_cast %add3A_1136 : i32 to index
        %get3A_1162 = arith.constant 32 : index
        %get3A_1163 = tpu.vector_load %arg10[%get3A_1160, %get3A_1161, %get3A_1162] {strides = array<i32>} : memref<3x64x128xf32, #tpu.memory_space<vmem>>, vector<16xf32>,
        %mul3A_1164 = arith.mulf %get3A_1159, %get3A_1163 : vector<16xf32>
        %add3A_1165 = arith.addf %add3A_1155, %mul3A_1164 : vector<16xf32>
        %get3A_1166 = arith.index_cast %rem3A_404 : i32 to index
        %get3A_1167 = arith.index_cast %add3A_1136 : i32 to index
        %get3A_1168 = arith.constant 48 : index
        %get3A_1169 = tpu.vector_load %arg9[%get3A_1166, %get3A_1167, %get3A_1168] {strides = array<i32>} : memref<3x64x128xf32, #tpu.memory_space<vmem>>, vector<16xf32>,
        %get3A_1170 = arith.index_cast %rem3A_404 : i32 to index
        %get3A_1171 = arith.index_cast %add3A_1136 : i32 to index
        %get3A_1172 = arith.constant 48 : index
        %get3A_1173 = tpu.vector_load %arg10[%get3A_1170, %get3A_1171, %get3A_1172] {strides = array<i32>} : memref<3x64x128xf32, #tpu.memory_space<vmem>>, vector<16xf32>,
        %mul3A_1174 = arith.mulf %get3A_1169, %get3A_1173 : vector<16xf32>
        %add3A_1175 = arith.addf %add3A_1165, %mul3A_1174 : vector<16xf32>
        %get3A_1176 = arith.index_cast %rem3A_404 : i32 to index
        %get3A_1177 = arith.index_cast %add3A_1136 : i32 to index
        %get3A_1178 = arith.constant 64 : index
        %get3A_1179 = tpu.vector_load %arg9[%get3A_1176, %get3A_1177, %get3A_1178] {strides = array<i32>} : memref<3x64x128xf32, #tpu.memory_space<vmem>>, vector<16xf32>,
        %get3A_1180 = arith.index_cast %rem3A_404 : i32 to index
        %get3A_1181 = arith.index_cast %add3A_1136 : i32 to index
        %get3A_1182 = arith.constant 64 : index
        %get3A_1183 = tpu.vector_load %arg10[%get3A_1180, %get3A_1181, %get3A_1182] {strides = array<i32>} : memref<3x64x128xf32, #tpu.memory_space<vmem>>, vector<16xf32>,
        %mul3A_1184 = arith.mulf %get3A_1179, %get3A_1183 : vector<16xf32>
        %add3A_1185 = arith.addf %add3A_1175, %mul3A_1184 : vector<16xf32>
        %get3A_1186 = arith.index_cast %rem3A_404 : i32 to index
        %get3A_1187 = arith.index_cast %add3A_1136 : i32 to index
        %get3A_1188 = arith.constant 80 : index
        %get3A_1189 = tpu.vector_load %arg9[%get3A_1186, %get3A_1187, %get3A_1188] {strides = array<i32>} : memref<3x64x128xf32, #tpu.memory_space<vmem>>, vector<16xf32>,
        %get3A_1190 = arith.index_cast %rem3A_404 : i32 to index
        %get3A_1191 = arith.index_cast %add3A_1136 : i32 to index
        %get3A_1192 = arith.constant 80 : index
        %get3A_1193 = tpu.vector_load %arg10[%get3A_1190, %get3A_1191, %get3A_1192] {strides = array<i32>} : memref<3x64x128xf32, #tpu.memory_space<vmem>>, vector<16xf32>,
        %mul3A_1194 = arith.mulf %get3A_1189, %get3A_1193 : vector<16xf32>
        %add3A_1195 = arith.addf %add3A_1185, %mul3A_1194 : vector<16xf32>
        %get3A_1196 = arith.index_cast %rem3A_404 : i32 to index
        %get3A_1197 = arith.index_cast %add3A_1136 : i32 to index
        %get3A_1198 = arith.constant 96 : index
        %get3A_1199 = tpu.vector_load %arg9[%get3A_1196, %get3A_1197, %get3A_1198] {strides = array<i32>} : memref<3x64x128xf32, #tpu.memory_space<vmem>>, vector<16xf32>,
        %get3A_1200 = arith.index_cast %rem3A_404 : i32 to index
        %get3A_1201 = arith.index_cast %add3A_1136 : i32 to index
        %get3A_1202 = arith.constant 96 : index
        %get3A_1203 = tpu.vector_load %arg10[%get3A_1200, %get3A_1201, %get3A_1202] {strides = array<i32>} : memref<3x64x128xf32, #tpu.memory_space<vmem>>, vector<16xf32>,
        %mul3A_1204 = arith.mulf %get3A_1199, %get3A_1203 : vector<16xf32>
        %add3A_1205 = arith.addf %add3A_1195, %mul3A_1204 : vector<16xf32>
        %get3A_1206 = arith.index_cast %rem3A_404 : i32 to index
        %get3A_1207 = arith.index_cast %add3A_1136 : i32 to index
        %get3A_1208 = arith.constant 112 : index
        %get3A_1209 = tpu.vector_load %arg9[%get3A_1206, %get3A_1207, %get3A_1208] {strides = array<i32>} : memref<3x64x128xf32, #tpu.memory_space<vmem>>, vector<16xf32>,
        %get3A_1210 = arith.index_cast %rem3A_404 : i32 to index
        %get3A_1211 = arith.index_cast %add3A_1136 : i32 to index
        %get3A_1212 = arith.constant 112 : index
        %get3A_1213 = tpu.vector_load %arg10[%get3A_1210, %get3A_1211, %get3A_1212] {strides = array<i32>} : memref<3x64x128xf32, #tpu.memory_space<vmem>>, vector<16xf32>,
        %mul3A_1214 = arith.mulf %get3A_1209, %get3A_1213 : vector<16xf32>
        %add3A_1215 = arith.addf %add3A_1205, %mul3A_1214 : vector<16xf32>
        %swap3A_1216 = arith.constant 136 : index
        %swap3A_1217 = tpu.vector_load %arg12[%swap3A_1216] {strides = array<i32>} : memref<272xf32, #tpu.memory_space<vmem>>, vector<16xf32>,
        tpu.vector_store %arg12[%swap3A_1216], %add3A_1215 {strides = array<i32>} : memref<272xf32, #tpu.memory_space<vmem>>, vector<16xf32>,
        %mul3A_1218 = arith.constant 16 : i32
        %mul3A_1219 = arith.muli %scan3A_453, %mul3A_1218 : i32
        %add3A_1220 = arith.constant 9 : i32
        %add3A_1221 = arith.addi %mul3A_1219, %add3A_1220 : i32
        %get3A_1222 = arith.index_cast %rem3A_404 : i32 to index
        %get3A_1223 = arith.index_cast %add3A_1221 : i32 to index
        %get3A_1224 = arith.constant 0 : index
        %get3A_1225 = tpu.vector_load %arg9[%get3A_1222, %get3A_1223, %get3A_1224] {strides = array<i32>} : memref<3x64x128xf32, #tpu.memory_space<vmem>>, vector<16xf32>,
        %get3A_1226 = arith.index_cast %rem3A_404 : i32 to index
        %get3A_1227 = arith.index_cast %add3A_1221 : i32 to index
        %get3A_1228 = arith.constant 0 : index
        %get3A_1229 = tpu.vector_load %arg10[%get3A_1226, %get3A_1227, %get3A_1228] {strides = array<i32>} : memref<3x64x128xf32, #tpu.memory_space<vmem>>, vector<16xf32>,
        %mul3A_1230 = arith.mulf %get3A_1225, %get3A_1229 : vector<16xf32>
        %get3A_1231 = arith.index_cast %rem3A_404 : i32 to index
        %get3A_1232 = arith.index_cast %add3A_1221 : i32 to index
        %get3A_1233 = arith.constant 16 : index
        %get3A_1234 = tpu.vector_load %arg9[%get3A_1231, %get3A_1232, %get3A_1233] {strides = array<i32>} : memref<3x64x128xf32, #tpu.memory_space<vmem>>, vector<16xf32>,
        %get3A_1235 = arith.index_cast %rem3A_404 : i32 to index
        %get3A_1236 = arith.index_cast %add3A_1221 : i32 to index
        %get3A_1237 = arith.constant 16 : index
        %get3A_1238 = tpu.vector_load %arg10[%get3A_1235, %get3A_1236, %get3A_1237] {strides = array<i32>} : memref<3x64x128xf32, #tpu.memory_space<vmem>>, vector<16xf32>,
        %mul3A_1239 = arith.mulf %get3A_1234, %get3A_1238 : vector<16xf32>
        %add3A_1240 = arith.addf %mul3A_1230, %mul3A_1239 : vector<16xf32>
        %get3A_1241 = arith.index_cast %rem3A_404 : i32 to index
        %get3A_1242 = arith.index_cast %add3A_1221 : i32 to index
        %get3A_1243 = arith.constant 32 : index
        %get3A_1244 = tpu.vector_load %arg9[%get3A_1241, %get3A_1242, %get3A_1243] {strides = array<i32>} : memref<3x64x128xf32, #tpu.memory_space<vmem>>, vector<16xf32>,
        %get3A_1245 = arith.index_cast %rem3A_404 : i32 to index
        %get3A_1246 = arith.index_cast %add3A_1221 : i32 to index
        %get3A_1247 = arith.constant 32 : index
        %get3A_1248 = tpu.vector_load %arg10[%get3A_1245, %get3A_1246, %get3A_1247] {strides = array<i32>} : memref<3x64x128xf32, #tpu.memory_space<vmem>>, vector<16xf32>,
        %mul3A_1249 = arith.mulf %get3A_1244, %get3A_1248 : vector<16xf32>
        %add3A_1250 = arith.addf %add3A_1240, %mul3A_1249 : vector<16xf32>
        %get3A_1251 = arith.index_cast %rem3A_404 : i32 to index
        %get3A_1252 = arith.index_cast %add3A_1221 : i32 to index
        %get3A_1253 = arith.constant 48 : index
        %get3A_1254 = tpu.vector_load %arg9[%get3A_1251, %get3A_1252, %get3A_1253] {strides = array<i32>} : memref<3x64x128xf32, #tpu.memory_space<vmem>>, vector<16xf32>,
        %get3A_1255 = arith.index_cast %rem3A_404 : i32 to index
        %get3A_1256 = arith.index_cast %add3A_1221 : i32 to index
        %get3A_1257 = arith.constant 48 : index
        %get3A_1258 = tpu.vector_load %arg10[%get3A_1255, %get3A_1256, %get3A_1257] {strides = array<i32>} : memref<3x64x128xf32, #tpu.memory_space<vmem>>, vector<16xf32>,
        %mul3A_1259 = arith.mulf %get3A_1254, %get3A_1258 : vector<16xf32>
        %add3A_1260 = arith.addf %add3A_1250, %mul3A_1259 : vector<16xf32>
        %get3A_1261 = arith.index_cast %rem3A_404 : i32 to index
        %get3A_1262 = arith.index_cast %add3A_1221 : i32 to index
        %get3A_1263 = arith.constant 64 : index
        %get3A_1264 = tpu.vector_load %arg9[%get3A_1261, %get3A_1262, %get3A_1263] {strides = array<i32>} : memref<3x64x128xf32, #tpu.memory_space<vmem>>, vector<16xf32>,
        %get3A_1265 = arith.index_cast %rem3A_404 : i32 to index
        %get3A_1266 = arith.index_cast %add3A_1221 : i32 to index
        %get3A_1267 = arith.constant 64 : index
        %get3A_1268 = tpu.vector_load %arg10[%get3A_1265, %get3A_1266, %get3A_1267] {strides = array<i32>} : memref<3x64x128xf32, #tpu.memory_space<vmem>>, vector<16xf32>,
        %mul3A_1269 = arith.mulf %get3A_1264, %get3A_1268 : vector<16xf32>
        %add3A_1270 = arith.addf %add3A_1260, %mul3A_1269 : vector<16xf32>
        %get3A_1271 = arith.index_cast %rem3A_404 : i32 to index
        %get3A_1272 = arith.index_cast %add3A_1221 : i32 to index
        %get3A_1273 = arith.constant 80 : index
        %get3A_1274 = tpu.vector_load %arg9[%get3A_1271, %get3A_1272, %get3A_1273] {strides = array<i32>} : memref<3x64x128xf32, #tpu.memory_space<vmem>>, vector<16xf32>,
        %get3A_1275 = arith.index_cast %rem3A_404 : i32 to index
        %get3A_1276 = arith.index_cast %add3A_1221 : i32 to index
        %get3A_1277 = arith.constant 80 : index
        %get3A_1278 = tpu.vector_load %arg10[%get3A_1275, %get3A_1276, %get3A_1277] {strides = array<i32>} : memref<3x64x128xf32, #tpu.memory_space<vmem>>, vector<16xf32>,
        %mul3A_1279 = arith.mulf %get3A_1274, %get3A_1278 : vector<16xf32>
        %add3A_1280 = arith.addf %add3A_1270, %mul3A_1279 : vector<16xf32>
        %get3A_1281 = arith.index_cast %rem3A_404 : i32 to index
        %get3A_1282 = arith.index_cast %add3A_1221 : i32 to index
        %get3A_1283 = arith.constant 96 : index
        %get3A_1284 = tpu.vector_load %arg9[%get3A_1281, %get3A_1282, %get3A_1283] {strides = array<i32>} : memref<3x64x128xf32, #tpu.memory_space<vmem>>, vector<16xf32>,
        %get3A_1285 = arith.index_cast %rem3A_404 : i32 to index
        %get3A_1286 = arith.index_cast %add3A_1221 : i32 to index
        %get3A_1287 = arith.constant 96 : index
        %get3A_1288 = tpu.vector_load %arg10[%get3A_1285, %get3A_1286, %get3A_1287] {strides = array<i32>} : memref<3x64x128xf32, #tpu.memory_space<vmem>>, vector<16xf32>,
        %mul3A_1289 = arith.mulf %get3A_1284, %get3A_1288 : vector<16xf32>
        %add3A_1290 = arith.addf %add3A_1280, %mul3A_1289 : vector<16xf32>
        %get3A_1291 = arith.index_cast %rem3A_404 : i32 to index
        %get3A_1292 = arith.index_cast %add3A_1221 : i32 to index
        %get3A_1293 = arith.constant 112 : index
        %get3A_1294 = tpu.vector_load %arg9[%get3A_1291, %get3A_1292, %get3A_1293] {strides = array<i32>} : memref<3x64x128xf32, #tpu.memory_space<vmem>>, vector<16xf32>,
        %get3A_1295 = arith.index_cast %rem3A_404 : i32 to index
        %get3A_1296 = arith.index_cast %add3A_1221 : i32 to index
        %get3A_1297 = arith.constant 112 : index
        %get3A_1298 = tpu.vector_load %arg10[%get3A_1295, %get3A_1296, %get3A_1297] {strides = array<i32>} : memref<3x64x128xf32, #tpu.memory_space<vmem>>, vector<16xf32>,
        %mul3A_1299 = arith.mulf %get3A_1294, %get3A_1298 : vector<16xf32>
        %add3A_1300 = arith.addf %add3A_1290, %mul3A_1299 : vector<16xf32>
        %swap3A_1301 = arith.constant 153 : index
        %swap3A_1302 = tpu.vector_load %arg12[%swap3A_1301] {strides = array<i32>} : memref<272xf32, #tpu.memory_space<vmem>>, vector<16xf32>,
        tpu.vector_store %arg12[%swap3A_1301], %add3A_1300 {strides = array<i32>} : memref<272xf32, #tpu.memory_space<vmem>>, vector<16xf32>,
        %mul3A_1303 = arith.constant 16 : i32
        %mul3A_1304 = arith.muli %scan3A_453, %mul3A_1303 : i32
        %add3A_1305 = arith.constant 10 : i32
        %add3A_1306 = arith.addi %mul3A_1304, %add3A_1305 : i32
        %get3A_1307 = arith.index_cast %rem3A_404 : i32 to index
        %get3A_1308 = arith.index_cast %add3A_1306 : i32 to index
        %get3A_1309 = arith.constant 0 : index
        %get3A_1310 = tpu.vector_load %arg9[%get3A_1307, %get3A_1308, %get3A_1309] {strides = array<i32>} : memref<3x64x128xf32, #tpu.memory_space<vmem>>, vector<16xf32>,
        %get3A_1311 = arith.index_cast %rem3A_404 : i32 to index
        %get3A_1312 = arith.index_cast %add3A_1306 : i32 to index
        %get3A_1313 = arith.constant 0 : index
        %get3A_1314 = tpu.vector_load %arg10[%get3A_1311, %get3A_1312, %get3A_1313] {strides = array<i32>} : memref<3x64x128xf32, #tpu.memory_space<vmem>>, vector<16xf32>,
        %mul3A_1315 = arith.mulf %get3A_1310, %get3A_1314 : vector<16xf32>
        %get3A_1316 = arith.index_cast %rem3A_404 : i32 to index
        %get3A_1317 = arith.index_cast %add3A_1306 : i32 to index
        %get3A_1318 = arith.constant 16 : index
        %get3A_1319 = tpu.vector_load %arg9[%get3A_1316, %get3A_1317, %get3A_1318] {strides = array<i32>} : memref<3x64x128xf32, #tpu.memory_space<vmem>>, vector<16xf32>,
        %get3A_1320 = arith.index_cast %rem3A_404 : i32 to index
        %get3A_1321 = arith.index_cast %add3A_1306 : i32 to index
        %get3A_1322 = arith.constant 16 : index
        %get3A_1323 = tpu.vector_load %arg10[%get3A_1320, %get3A_1321, %get3A_1322] {strides = array<i32>} : memref<3x64x128xf32, #tpu.memory_space<vmem>>, vector<16xf32>,
        %mul3A_1324 = arith.mulf %get3A_1319, %get3A_1323 : vector<16xf32>
        %add3A_1325 = arith.addf %mul3A_1315, %mul3A_1324 : vector<16xf32>
        %get3A_1326 = arith.index_cast %rem3A_404 : i32 to index
        %get3A_1327 = arith.index_cast %add3A_1306 : i32 to index
        %get3A_1328 = arith.constant 32 : index
        %get3A_1329 = tpu.vector_load %arg9[%get3A_1326, %get3A_1327, %get3A_1328] {strides = array<i32>} : memref<3x64x128xf32, #tpu.memory_space<vmem>>, vector<16xf32>,
        %get3A_1330 = arith.index_cast %rem3A_404 : i32 to index
        %get3A_1331 = arith.index_cast %add3A_1306 : i32 to index
        %get3A_1332 = arith.constant 32 : index
        %get3A_1333 = tpu.vector_load %arg10[%get3A_1330, %get3A_1331, %get3A_1332] {strides = array<i32>} : memref<3x64x128xf32, #tpu.memory_space<vmem>>, vector<16xf32>,
        %mul3A_1334 = arith.mulf %get3A_1329, %get3A_1333 : vector<16xf32>
        %add3A_1335 = arith.addf %add3A_1325, %mul3A_1334 : vector<16xf32>
        %get3A_1336 = arith.index_cast %rem3A_404 : i32 to index
        %get3A_1337 = arith.index_cast %add3A_1306 : i32 to index
        %get3A_1338 = arith.constant 48 : index
        %get3A_1339 = tpu.vector_load %arg9[%get3A_1336, %get3A_1337, %get3A_1338] {strides = array<i32>} : memref<3x64x128xf32, #tpu.memory_space<vmem>>, vector<16xf32>,
        %get3A_1340 = arith.index_cast %rem3A_404 : i32 to index
        %get3A_1341 = arith.index_cast %add3A_1306 : i32 to index
        %get3A_1342 = arith.constant 48 : index
        %get3A_1343 = tpu.vector_load %arg10[%get3A_1340, %get3A_1341, %get3A_1342] {strides = array<i32>} : memref<3x64x128xf32, #tpu.memory_space<vmem>>, vector<16xf32>,
        %mul3A_1344 = arith.mulf %get3A_1339, %get3A_1343 : vector<16xf32>
        %add3A_1345 = arith.addf %add3A_1335, %mul3A_1344 : vector<16xf32>
        %get3A_1346 = arith.index_cast %rem3A_404 : i32 to index
        %get3A_1347 = arith.index_cast %add3A_1306 : i32 to index
        %get3A_1348 = arith.constant 64 : index
        %get3A_1349 = tpu.vector_load %arg9[%get3A_1346, %get3A_1347, %get3A_1348] {strides = array<i32>} : memref<3x64x128xf32, #tpu.memory_space<vmem>>, vector<16xf32>,
        %get3A_1350 = arith.index_cast %rem3A_404 : i32 to index
        %get3A_1351 = arith.index_cast %add3A_1306 : i32 to index
        %get3A_1352 = arith.constant 64 : index
        %get3A_1353 = tpu.vector_load %arg10[%get3A_1350, %get3A_1351, %get3A_1352] {strides = array<i32>} : memref<3x64x128xf32, #tpu.memory_space<vmem>>, vector<16xf32>,
        %mul3A_1354 = arith.mulf %get3A_1349, %get3A_1353 : vector<16xf32>
        %add3A_1355 = arith.addf %add3A_1345, %mul3A_1354 : vector<16xf32>
        %get3A_1356 = arith.index_cast %rem3A_404 : i32 to index
        %get3A_1357 = arith.index_cast %add3A_1306 : i32 to index
        %get3A_1358 = arith.constant 80 : index
        %get3A_1359 = tpu.vector_load %arg9[%get3A_1356, %get3A_1357, %get3A_1358] {strides = array<i32>} : memref<3x64x128xf32, #tpu.memory_space<vmem>>, vector<16xf32>,
        %get3A_1360 = arith.index_cast %rem3A_404 : i32 to index
        %get3A_1361 = arith.index_cast %add3A_1306 : i32 to index
        %get3A_1362 = arith.constant 80 : index
        %get3A_1363 = tpu.vector_load %arg10[%get3A_1360, %get3A_1361, %get3A_1362] {strides = array<i32>} : memref<3x64x128xf32, #tpu.memory_space<vmem>>, vector<16xf32>,
        %mul3A_1364 = arith.mulf %get3A_1359, %get3A_1363 : vector<16xf32>
        %add3A_1365 = arith.addf %add3A_1355, %mul3A_1364 : vector<16xf32>
        %get3A_1366 = arith.index_cast %rem3A_404 : i32 to index
        %get3A_1367 = arith.index_cast %add3A_1306 : i32 to index
        %get3A_1368 = arith.constant 96 : index
        %get3A_1369 = tpu.vector_load %arg9[%get3A_1366, %get3A_1367, %get3A_1368] {strides = array<i32>} : memref<3x64x128xf32, #tpu.memory_space<vmem>>, vector<16xf32>,
        %get3A_1370 = arith.index_cast %rem3A_404 : i32 to index
        %get3A_1371 = arith.index_cast %add3A_1306 : i32 to index
        %get3A_1372 = arith.constant 96 : index
        %get3A_1373 = tpu.vector_load %arg10[%get3A_1370, %get3A_1371, %get3A_1372] {strides = array<i32>} : memref<3x64x128xf32, #tpu.memory_space<vmem>>, vector<16xf32>,
        %mul3A_1374 = arith.mulf %get3A_1369, %get3A_1373 : vector<16xf32>
        %add3A_1375 = arith.addf %add3A_1365, %mul3A_1374 : vector<16xf32>
        %get3A_1376 = arith.index_cast %rem3A_404 : i32 to index
        %get3A_1377 = arith.index_cast %add3A_1306 : i32 to index
        %get3A_1378 = arith.constant 112 : index
        %get3A_1379 = tpu.vector_load %arg9[%get3A_1376, %get3A_1377, %get3A_1378] {strides = array<i32>} : memref<3x64x128xf32, #tpu.memory_space<vmem>>, vector<16xf32>,
        %get3A_1380 = arith.index_cast %rem3A_404 : i32 to index
        %get3A_1381 = arith.index_cast %add3A_1306 : i32 to index
        %get3A_1382 = arith.constant 112 : index
        %get3A_1383 = tpu.vector_load %arg10[%get3A_1380, %get3A_1381, %get3A_1382] {strides = array<i32>} : memref<3x64x128xf32, #tpu.memory_space<vmem>>, vector<16xf32>,
        %mul3A_1384 = arith.mulf %get3A_1379, %get3A_1383 : vector<16xf32>
        %add3A_1385 = arith.addf %add3A_1375, %mul3A_1384 : vector<16xf32>
        %swap3A_1386 = arith.constant 170 : index
        %swap3A_1387 = tpu.vector_load %arg12[%swap3A_1386] {strides = array<i32>} : memref<272xf32, #tpu.memory_space<vmem>>, vector<16xf32>,
        tpu.vector_store %arg12[%swap3A_1386], %add3A_1385 {strides = array<i32>} : memref<272xf32, #tpu.memory_space<vmem>>, vector<16xf32>,
        %mul3A_1388 = arith.constant 16 : i32
        %mul3A_1389 = arith.muli %scan3A_453, %mul3A_1388 : i32
        %add3A_1390 = arith.constant 11 : i32
        %add3A_1391 = arith.addi %mul3A_1389, %add3A_1390 : i32
        %get3A_1392 = arith.index_cast %rem3A_404 : i32 to index
        %get3A_1393 = arith.index_cast %add3A_1391 : i32 to index
        %get3A_1394 = arith.constant 0 : index
        %get3A_1395 = tpu.vector_load %arg9[%get3A_1392, %get3A_1393, %get3A_1394] {strides = array<i32>} : memref<3x64x128xf32, #tpu.memory_space<vmem>>, vector<16xf32>,
        %get3A_1396 = arith.index_cast %rem3A_404 : i32 to index
        %get3A_1397 = arith.index_cast %add3A_1391 : i32 to index
        %get3A_1398 = arith.constant 0 : index
        %get3A_1399 = tpu.vector_load %arg10[%get3A_1396, %get3A_1397, %get3A_1398] {strides = array<i32>} : memref<3x64x128xf32, #tpu.memory_space<vmem>>, vector<16xf32>,
        %mul3A_1400 = arith.mulf %get3A_1395, %get3A_1399 : vector<16xf32>
        %get3A_1401 = arith.index_cast %rem3A_404 : i32 to index
        %get3A_1402 = arith.index_cast %add3A_1391 : i32 to index
        %get3A_1403 = arith.constant 16 : index
        %get3A_1404 = tpu.vector_load %arg9[%get3A_1401, %get3A_1402, %get3A_1403] {strides = array<i32>} : memref<3x64x128xf32, #tpu.memory_space<vmem>>, vector<16xf32>,
        %get3A_1405 = arith.index_cast %rem3A_404 : i32 to index
        %get3A_1406 = arith.index_cast %add3A_1391 : i32 to index
        %get3A_1407 = arith.constant 16 : index
        %get3A_1408 = tpu.vector_load %arg10[%get3A_1405, %get3A_1406, %get3A_1407] {strides = array<i32>} : memref<3x64x128xf32, #tpu.memory_space<vmem>>, vector<16xf32>,
        %mul3A_1409 = arith.mulf %get3A_1404, %get3A_1408 : vector<16xf32>
        %add3A_1410 = arith.addf %mul3A_1400, %mul3A_1409 : vector<16xf32>
        %get3A_1411 = arith.index_cast %rem3A_404 : i32 to index
        %get3A_1412 = arith.index_cast %add3A_1391 : i32 to index
        %get3A_1413 = arith.constant 32 : index
        %get3A_1414 = tpu.vector_load %arg9[%get3A_1411, %get3A_1412, %get3A_1413] {strides = array<i32>} : memref<3x64x128xf32, #tpu.memory_space<vmem>>, vector<16xf32>,
        %get3A_1415 = arith.index_cast %rem3A_404 : i32 to index
        %get3A_1416 = arith.index_cast %add3A_1391 : i32 to index
        %get3A_1417 = arith.constant 32 : index
        %get3A_1418 = tpu.vector_load %arg10[%get3A_1415, %get3A_1416, %get3A_1417] {strides = array<i32>} : memref<3x64x128xf32, #tpu.memory_space<vmem>>, vector<16xf32>,
        %mul3A_1419 = arith.mulf %get3A_1414, %get3A_1418 : vector<16xf32>
        %add3A_1420 = arith.addf %add3A_1410, %mul3A_1419 : vector<16xf32>
        %get3A_1421 = arith.index_cast %rem3A_404 : i32 to index
        %get3A_1422 = arith.index_cast %add3A_1391 : i32 to index
        %get3A_1423 = arith.constant 48 : index
        %get3A_1424 = tpu.vector_load %arg9[%get3A_1421, %get3A_1422, %get3A_1423] {strides = array<i32>} : memref<3x64x128xf32, #tpu.memory_space<vmem>>, vector<16xf32>,
        %get3A_1425 = arith.index_cast %rem3A_404 : i32 to index
        %get3A_1426 = arith.index_cast %add3A_1391 : i32 to index
        %get3A_1427 = arith.constant 48 : index
        %get3A_1428 = tpu.vector_load %arg10[%get3A_1425, %get3A_1426, %get3A_1427] {strides = array<i32>} : memref<3x64x128xf32, #tpu.memory_space<vmem>>, vector<16xf32>,
        %mul3A_1429 = arith.mulf %get3A_1424, %get3A_1428 : vector<16xf32>
        %add3A_1430 = arith.addf %add3A_1420, %mul3A_1429 : vector<16xf32>
        %get3A_1431 = arith.index_cast %rem3A_404 : i32 to index
        %get3A_1432 = arith.index_cast %add3A_1391 : i32 to index
        %get3A_1433 = arith.constant 64 : index
        %get3A_1434 = tpu.vector_load %arg9[%get3A_1431, %get3A_1432, %get3A_1433] {strides = array<i32>} : memref<3x64x128xf32, #tpu.memory_space<vmem>>, vector<16xf32>,
        %get3A_1435 = arith.index_cast %rem3A_404 : i32 to index
        %get3A_1436 = arith.index_cast %add3A_1391 : i32 to index
        %get3A_1437 = arith.constant 64 : index
        %get3A_1438 = tpu.vector_load %arg10[%get3A_1435, %get3A_1436, %get3A_1437] {strides = array<i32>} : memref<3x64x128xf32, #tpu.memory_space<vmem>>, vector<16xf32>,
        %mul3A_1439 = arith.mulf %get3A_1434, %get3A_1438 : vector<16xf32>
        %add3A_1440 = arith.addf %add3A_1430, %mul3A_1439 : vector<16xf32>
        %get3A_1441 = arith.index_cast %rem3A_404 : i32 to index
        %get3A_1442 = arith.index_cast %add3A_1391 : i32 to index
        %get3A_1443 = arith.constant 80 : index
        %get3A_1444 = tpu.vector_load %arg9[%get3A_1441, %get3A_1442, %get3A_1443] {strides = array<i32>} : memref<3x64x128xf32, #tpu.memory_space<vmem>>, vector<16xf32>,
        %get3A_1445 = arith.index_cast %rem3A_404 : i32 to index
        %get3A_1446 = arith.index_cast %add3A_1391 : i32 to index
        %get3A_1447 = arith.constant 80 : index
        %get3A_1448 = tpu.vector_load %arg10[%get3A_1445, %get3A_1446, %get3A_1447] {strides = array<i32>} : memref<3x64x128xf32, #tpu.memory_space<vmem>>, vector<16xf32>,
        %mul3A_1449 = arith.mulf %get3A_1444, %get3A_1448 : vector<16xf32>
        %add3A_1450 = arith.addf %add3A_1440, %mul3A_1449 : vector<16xf32>
        %get3A_1451 = arith.index_cast %rem3A_404 : i32 to index
        %get3A_1452 = arith.index_cast %add3A_1391 : i32 to index
        %get3A_1453 = arith.constant 96 : index
        %get3A_1454 = tpu.vector_load %arg9[%get3A_1451, %get3A_1452, %get3A_1453] {strides = array<i32>} : memref<3x64x128xf32, #tpu.memory_space<vmem>>, vector<16xf32>,
        %get3A_1455 = arith.index_cast %rem3A_404 : i32 to index
        %get3A_1456 = arith.index_cast %add3A_1391 : i32 to index
        %get3A_1457 = arith.constant 96 : index
        %get3A_1458 = tpu.vector_load %arg10[%get3A_1455, %get3A_1456, %get3A_1457] {strides = array<i32>} : memref<3x64x128xf32, #tpu.memory_space<vmem>>, vector<16xf32>,
        %mul3A_1459 = arith.mulf %get3A_1454, %get3A_1458 : vector<16xf32>
        %add3A_1460 = arith.addf %add3A_1450, %mul3A_1459 : vector<16xf32>
        %get3A_1461 = arith.index_cast %rem3A_404 : i32 to index
        %get3A_1462 = arith.index_cast %add3A_1391 : i32 to index
        %get3A_1463 = arith.constant 112 : index
        %get3A_1464 = tpu.vector_load %arg9[%get3A_1461, %get3A_1462, %get3A_1463] {strides = array<i32>} : memref<3x64x128xf32, #tpu.memory_space<vmem>>, vector<16xf32>,
        %get3A_1465 = arith.index_cast %rem3A_404 : i32 to index
        %get3A_1466 = arith.index_cast %add3A_1391 : i32 to index
        %get3A_1467 = arith.constant 112 : index
        %get3A_1468 = tpu.vector_load %arg10[%get3A_1465, %get3A_1466, %get3A_1467] {strides = array<i32>} : memref<3x64x128xf32, #tpu.memory_space<vmem>>, vector<16xf32>,
        %mul3A_1469 = arith.mulf %get3A_1464, %get3A_1468 : vector<16xf32>
        %add3A_1470 = arith.addf %add3A_1460, %mul3A_1469 : vector<16xf32>
        %swap3A_1471 = arith.constant 187 : index
        %swap3A_1472 = tpu.vector_load %arg12[%swap3A_1471] {strides = array<i32>} : memref<272xf32, #tpu.memory_space<vmem>>, vector<16xf32>,
        tpu.vector_store %arg12[%swap3A_1471], %add3A_1470 {strides = array<i32>} : memref<272xf32, #tpu.memory_space<vmem>>, vector<16xf32>,
        %mul3A_1473 = arith.constant 16 : i32
        %mul3A_1474 = arith.muli %scan3A_453, %mul3A_1473 : i32
        %add3A_1475 = arith.constant 12 : i32
        %add3A_1476 = arith.addi %mul3A_1474, %add3A_1475 : i32
        %get3A_1477 = arith.index_cast %rem3A_404 : i32 to index
        %get3A_1478 = arith.index_cast %add3A_1476 : i32 to index
        %get3A_1479 = arith.constant 0 : index
        %get3A_1480 = tpu.vector_load %arg9[%get3A_1477, %get3A_1478, %get3A_1479] {strides = array<i32>} : memref<3x64x128xf32, #tpu.memory_space<vmem>>, vector<16xf32>,
        %get3A_1481 = arith.index_cast %rem3A_404 : i32 to index
        %get3A_1482 = arith.index_cast %add3A_1476 : i32 to index
        %get3A_1483 = arith.constant 0 : index
        %get3A_1484 = tpu.vector_load %arg10[%get3A_1481, %get3A_1482, %get3A_1483] {strides = array<i32>} : memref<3x64x128xf32, #tpu.memory_space<vmem>>, vector<16xf32>,
        %mul3A_1485 = arith.mulf %get3A_1480, %get3A_1484 : vector<16xf32>
        %get3A_1486 = arith.index_cast %rem3A_404 : i32 to index
        %get3A_1487 = arith.index_cast %add3A_1476 : i32 to index
        %get3A_1488 = arith.constant 16 : index
        %get3A_1489 = tpu.vector_load %arg9[%get3A_1486, %get3A_1487, %get3A_1488] {strides = array<i32>} : memref<3x64x128xf32, #tpu.memory_space<vmem>>, vector<16xf32>,
        %get3A_1490 = arith.index_cast %rem3A_404 : i32 to index
        %get3A_1491 = arith.index_cast %add3A_1476 : i32 to index
        %get3A_1492 = arith.constant 16 : index
        %get3A_1493 = tpu.vector_load %arg10[%get3A_1490, %get3A_1491, %get3A_1492] {strides = array<i32>} : memref<3x64x128xf32, #tpu.memory_space<vmem>>, vector<16xf32>,
        %mul3A_1494 = arith.mulf %get3A_1489, %get3A_1493 : vector<16xf32>
        %add3A_1495 = arith.addf %mul3A_1485, %mul3A_1494 : vector<16xf32>
        %get3A_1496 = arith.index_cast %rem3A_404 : i32 to index
        %get3A_1497 = arith.index_cast %add3A_1476 : i32 to index
        %get3A_1498 = arith.constant 32 : index
        %get3A_1499 = tpu.vector_load %arg9[%get3A_1496, %get3A_1497, %get3A_1498] {strides = array<i32>} : memref<3x64x128xf32, #tpu.memory_space<vmem>>, vector<16xf32>,
        %get3A_1500 = arith.index_cast %rem3A_404 : i32 to index
        %get3A_1501 = arith.index_cast %add3A_1476 : i32 to index
        %get3A_1502 = arith.constant 32 : index
        %get3A_1503 = tpu.vector_load %arg10[%get3A_1500, %get3A_1501, %get3A_1502] {strides = array<i32>} : memref<3x64x128xf32, #tpu.memory_space<vmem>>, vector<16xf32>,
        %mul3A_1504 = arith.mulf %get3A_1499, %get3A_1503 : vector<16xf32>
        %add3A_1505 = arith.addf %add3A_1495, %mul3A_1504 : vector<16xf32>
        %get3A_1506 = arith.index_cast %rem3A_404 : i32 to index
        %get3A_1507 = arith.index_cast %add3A_1476 : i32 to index
        %get3A_1508 = arith.constant 48 : index
        %get3A_1509 = tpu.vector_load %arg9[%get3A_1506, %get3A_1507, %get3A_1508] {strides = array<i32>} : memref<3x64x128xf32, #tpu.memory_space<vmem>>, vector<16xf32>,
        %get3A_1510 = arith.index_cast %rem3A_404 : i32 to index
        %get3A_1511 = arith.index_cast %add3A_1476 : i32 to index
        %get3A_1512 = arith.constant 48 : index
        %get3A_1513 = tpu.vector_load %arg10[%get3A_1510, %get3A_1511, %get3A_1512] {strides = array<i32>} : memref<3x64x128xf32, #tpu.memory_space<vmem>>, vector<16xf32>,
        %mul3A_1514 = arith.mulf %get3A_1509, %get3A_1513 : vector<16xf32>
        %add3A_1515 = arith.addf %add3A_1505, %mul3A_1514 : vector<16xf32>
        %get3A_1516 = arith.index_cast %rem3A_404 : i32 to index
        %get3A_1517 = arith.index_cast %add3A_1476 : i32 to index
        %get3A_1518 = arith.constant 64 : index
        %get3A_1519 = tpu.vector_load %arg9[%get3A_1516, %get3A_1517, %get3A_1518] {strides = array<i32>} : memref<3x64x128xf32, #tpu.memory_space<vmem>>, vector<16xf32>,
        %get3A_1520 = arith.index_cast %rem3A_404 : i32 to index
        %get3A_1521 = arith.index_cast %add3A_1476 : i32 to index
        %get3A_1522 = arith.constant 64 : index
        %get3A_1523 = tpu.vector_load %arg10[%get3A_1520, %get3A_1521, %get3A_1522] {strides = array<i32>} : memref<3x64x128xf32, #tpu.memory_space<vmem>>, vector<16xf32>,
        %mul3A_1524 = arith.mulf %get3A_1519, %get3A_1523 : vector<16xf32>
        %add3A_1525 = arith.addf %add3A_1515, %mul3A_1524 : vector<16xf32>
        %get3A_1526 = arith.index_cast %rem3A_404 : i32 to index
        %get3A_1527 = arith.index_cast %add3A_1476 : i32 to index
        %get3A_1528 = arith.constant 80 : index
        %get3A_1529 = tpu.vector_load %arg9[%get3A_1526, %get3A_1527, %get3A_1528] {strides = array<i32>} : memref<3x64x128xf32, #tpu.memory_space<vmem>>, vector<16xf32>,
        %get3A_1530 = arith.index_cast %rem3A_404 : i32 to index
        %get3A_1531 = arith.index_cast %add3A_1476 : i32 to index
        %get3A_1532 = arith.constant 80 : index
        %get3A_1533 = tpu.vector_load %arg10[%get3A_1530, %get3A_1531, %get3A_1532] {strides = array<i32>} : memref<3x64x128xf32, #tpu.memory_space<vmem>>, vector<16xf32>,
        %mul3A_1534 = arith.mulf %get3A_1529, %get3A_1533 : vector<16xf32>
        %add3A_1535 = arith.addf %add3A_1525, %mul3A_1534 : vector<16xf32>
        %get3A_1536 = arith.index_cast %rem3A_404 : i32 to index
        %get3A_1537 = arith.index_cast %add3A_1476 : i32 to index
        %get3A_1538 = arith.constant 96 : index
        %get3A_1539 = tpu.vector_load %arg9[%get3A_1536, %get3A_1537, %get3A_1538] {strides = array<i32>} : memref<3x64x128xf32, #tpu.memory_space<vmem>>, vector<16xf32>,
        %get3A_1540 = arith.index_cast %rem3A_404 : i32 to index
        %get3A_1541 = arith.index_cast %add3A_1476 : i32 to index
        %get3A_1542 = arith.constant 96 : index
        %get3A_1543 = tpu.vector_load %arg10[%get3A_1540, %get3A_1541, %get3A_1542] {strides = array<i32>} : memref<3x64x128xf32, #tpu.memory_space<vmem>>, vector<16xf32>,
        %mul3A_1544 = arith.mulf %get3A_1539, %get3A_1543 : vector<16xf32>
        %add3A_1545 = arith.addf %add3A_1535, %mul3A_1544 : vector<16xf32>
        %get3A_1546 = arith.index_cast %rem3A_404 : i32 to index
        %get3A_1547 = arith.index_cast %add3A_1476 : i32 to index
        %get3A_1548 = arith.constant 112 : index
        %get3A_1549 = tpu.vector_load %arg9[%get3A_1546, %get3A_1547, %get3A_1548] {strides = array<i32>} : memref<3x64x128xf32, #tpu.memory_space<vmem>>, vector<16xf32>,
        %get3A_1550 = arith.index_cast %rem3A_404 : i32 to index
        %get3A_1551 = arith.index_cast %add3A_1476 : i32 to index
        %get3A_1552 = arith.constant 112 : index
        %get3A_1553 = tpu.vector_load %arg10[%get3A_1550, %get3A_1551, %get3A_1552] {strides = array<i32>} : memref<3x64x128xf32, #tpu.memory_space<vmem>>, vector<16xf32>,
        %mul3A_1554 = arith.mulf %get3A_1549, %get3A_1553 : vector<16xf32>
        %add3A_1555 = arith.addf %add3A_1545, %mul3A_1554 : vector<16xf32>
        %swap3A_1556 = arith.constant 204 : index
        %swap3A_1557 = tpu.vector_load %arg12[%swap3A_1556] {strides = array<i32>} : memref<272xf32, #tpu.memory_space<vmem>>, vector<16xf32>,
        tpu.vector_store %arg12[%swap3A_1556], %add3A_1555 {strides = array<i32>} : memref<272xf32, #tpu.memory_space<vmem>>, vector<16xf32>,
        %mul3A_1558 = arith.constant 16 : i32
        %mul3A_1559 = arith.muli %scan3A_453, %mul3A_1558 : i32
        %add3A_1560 = arith.constant 13 : i32
        %add3A_1561 = arith.addi %mul3A_1559, %add3A_1560 : i32
        %get3A_1562 = arith.index_cast %rem3A_404 : i32 to index
        %get3A_1563 = arith.index_cast %add3A_1561 : i32 to index
        %get3A_1564 = arith.constant 0 : index
        %get3A_1565 = tpu.vector_load %arg9[%get3A_1562, %get3A_1563, %get3A_1564] {strides = array<i32>} : memref<3x64x128xf32, #tpu.memory_space<vmem>>, vector<16xf32>,
        %get3A_1566 = arith.index_cast %rem3A_404 : i32 to index
        %get3A_1567 = arith.index_cast %add3A_1561 : i32 to index
        %get3A_1568 = arith.constant 0 : index
        %get3A_1569 = tpu.vector_load %arg10[%get3A_1566, %get3A_1567, %get3A_1568] {strides = array<i32>} : memref<3x64x128xf32, #tpu.memory_space<vmem>>, vector<16xf32>,
        %mul3A_1570 = arith.mulf %get3A_1565, %get3A_1569 : vector<16xf32>
        %get3A_1571 = arith.index_cast %rem3A_404 : i32 to index
        %get3A_1572 = arith.index_cast %add3A_1561 : i32 to index
        %get3A_1573 = arith.constant 16 : index
        %get3A_1574 = tpu.vector_load %arg9[%get3A_1571, %get3A_1572, %get3A_1573] {strides = array<i32>} : memref<3x64x128xf32, #tpu.memory_space<vmem>>, vector<16xf32>,
        %get3A_1575 = arith.index_cast %rem3A_404 : i32 to index
        %get3A_1576 = arith.index_cast %add3A_1561 : i32 to index
        %get3A_1577 = arith.constant 16 : index
        %get3A_1578 = tpu.vector_load %arg10[%get3A_1575, %get3A_1576, %get3A_1577] {strides = array<i32>} : memref<3x64x128xf32, #tpu.memory_space<vmem>>, vector<16xf32>,
        %mul3A_1579 = arith.mulf %get3A_1574, %get3A_1578 : vector<16xf32>
        %add3A_1580 = arith.addf %mul3A_1570, %mul3A_1579 : vector<16xf32>
        %get3A_1581 = arith.index_cast %rem3A_404 : i32 to index
        %get3A_1582 = arith.index_cast %add3A_1561 : i32 to index
        %get3A_1583 = arith.constant 32 : index
        %get3A_1584 = tpu.vector_load %arg9[%get3A_1581, %get3A_1582, %get3A_1583] {strides = array<i32>} : memref<3x64x128xf32, #tpu.memory_space<vmem>>, vector<16xf32>,
        %get3A_1585 = arith.index_cast %rem3A_404 : i32 to index
        %get3A_1586 = arith.index_cast %add3A_1561 : i32 to index
        %get3A_1587 = arith.constant 32 : index
        %get3A_1588 = tpu.vector_load %arg10[%get3A_1585, %get3A_1586, %get3A_1587] {strides = array<i32>} : memref<3x64x128xf32, #tpu.memory_space<vmem>>, vector<16xf32>,
        %mul3A_1589 = arith.mulf %get3A_1584, %get3A_1588 : vector<16xf32>
        %add3A_1590 = arith.addf %add3A_1580, %mul3A_1589 : vector<16xf32>
        %get3A_1591 = arith.index_cast %rem3A_404 : i32 to index
        %get3A_1592 = arith.index_cast %add3A_1561 : i32 to index
        %get3A_1593 = arith.constant 48 : index
        %get3A_1594 = tpu.vector_load %arg9[%get3A_1591, %get3A_1592, %get3A_1593] {strides = array<i32>} : memref<3x64x128xf32, #tpu.memory_space<vmem>>, vector<16xf32>,
        %get3A_1595 = arith.index_cast %rem3A_404 : i32 to index
        %get3A_1596 = arith.index_cast %add3A_1561 : i32 to index
        %get3A_1597 = arith.constant 48 : index
        %get3A_1598 = tpu.vector_load %arg10[%get3A_1595, %get3A_1596, %get3A_1597] {strides = array<i32>} : memref<3x64x128xf32, #tpu.memory_space<vmem>>, vector<16xf32>,
        %mul3A_1599 = arith.mulf %get3A_1594, %get3A_1598 : vector<16xf32>
        %add3A_1600 = arith.addf %add3A_1590, %mul3A_1599 : vector<16xf32>
        %get3A_1601 = arith.index_cast %rem3A_404 : i32 to index
        %get3A_1602 = arith.index_cast %add3A_1561 : i32 to index
        %get3A_1603 = arith.constant 64 : index
        %get3A_1604 = tpu.vector_load %arg9[%get3A_1601, %get3A_1602, %get3A_1603] {strides = array<i32>} : memref<3x64x128xf32, #tpu.memory_space<vmem>>, vector<16xf32>,
        %get3A_1605 = arith.index_cast %rem3A_404 : i32 to index
        %get3A_1606 = arith.index_cast %add3A_1561 : i32 to index
        %get3A_1607 = arith.constant 64 : index
        %get3A_1608 = tpu.vector_load %arg10[%get3A_1605, %get3A_1606, %get3A_1607] {strides = array<i32>} : memref<3x64x128xf32, #tpu.memory_space<vmem>>, vector<16xf32>,
        %mul3A_1609 = arith.mulf %get3A_1604, %get3A_1608 : vector<16xf32>
        %add3A_1610 = arith.addf %add3A_1600, %mul3A_1609 : vector<16xf32>
        %get3A_1611 = arith.index_cast %rem3A_404 : i32 to index
        %get3A_1612 = arith.index_cast %add3A_1561 : i32 to index
        %get3A_1613 = arith.constant 80 : index
        %get3A_1614 = tpu.vector_load %arg9[%get3A_1611, %get3A_1612, %get3A_1613] {strides = array<i32>} : memref<3x64x128xf32, #tpu.memory_space<vmem>>, vector<16xf32>,
        %get3A_1615 = arith.index_cast %rem3A_404 : i32 to index
        %get3A_1616 = arith.index_cast %add3A_1561 : i32 to index
        %get3A_1617 = arith.constant 80 : index
        %get3A_1618 = tpu.vector_load %arg10[%get3A_1615, %get3A_1616, %get3A_1617] {strides = array<i32>} : memref<3x64x128xf32, #tpu.memory_space<vmem>>, vector<16xf32>,
        %mul3A_1619 = arith.mulf %get3A_1614, %get3A_1618 : vector<16xf32>
        %add3A_1620 = arith.addf %add3A_1610, %mul3A_1619 : vector<16xf32>
        %get3A_1621 = arith.index_cast %rem3A_404 : i32 to index
        %get3A_1622 = arith.index_cast %add3A_1561 : i32 to index
        %get3A_1623 = arith.constant 96 : index
        %get3A_1624 = tpu.vector_load %arg9[%get3A_1621, %get3A_1622, %get3A_1623] {strides = array<i32>} : memref<3x64x128xf32, #tpu.memory_space<vmem>>, vector<16xf32>,
        %get3A_1625 = arith.index_cast %rem3A_404 : i32 to index
        %get3A_1626 = arith.index_cast %add3A_1561 : i32 to index
        %get3A_1627 = arith.constant 96 : index
        %get3A_1628 = tpu.vector_load %arg10[%get3A_1625, %get3A_1626, %get3A_1627] {strides = array<i32>} : memref<3x64x128xf32, #tpu.memory_space<vmem>>, vector<16xf32>,
        %mul3A_1629 = arith.mulf %get3A_1624, %get3A_1628 : vector<16xf32>
        %add3A_1630 = arith.addf %add3A_1620, %mul3A_1629 : vector<16xf32>
        %get3A_1631 = arith.index_cast %rem3A_404 : i32 to index
        %get3A_1632 = arith.index_cast %add3A_1561 : i32 to index
        %get3A_1633 = arith.constant 112 : index
        %get3A_1634 = tpu.vector_load %arg9[%get3A_1631, %get3A_1632, %get3A_1633] {strides = array<i32>} : memref<3x64x128xf32, #tpu.memory_space<vmem>>, vector<16xf32>,
        %get3A_1635 = arith.index_cast %rem3A_404 : i32 to index
        %get3A_1636 = arith.index_cast %add3A_1561 : i32 to index
        %get3A_1637 = arith.constant 112 : index
        %get3A_1638 = tpu.vector_load %arg10[%get3A_1635, %get3A_1636, %get3A_1637] {strides = array<i32>} : memref<3x64x128xf32, #tpu.memory_space<vmem>>, vector<16xf32>,
        %mul3A_1639 = arith.mulf %get3A_1634, %get3A_1638 : vector<16xf32>
        %add3A_1640 = arith.addf %add3A_1630, %mul3A_1639 : vector<16xf32>
        %swap3A_1641 = arith.constant 221 : index
        %swap3A_1642 = tpu.vector_load %arg12[%swap3A_1641] {strides = array<i32>} : memref<272xf32, #tpu.memory_space<vmem>>, vector<16xf32>,
        tpu.vector_store %arg12[%swap3A_1641], %add3A_1640 {strides = array<i32>} : memref<272xf32, #tpu.memory_space<vmem>>, vector<16xf32>,
        %mul3A_1643 = arith.constant 16 : i32
        %mul3A_1644 = arith.muli %scan3A_453, %mul3A_1643 : i32
        %add3A_1645 = arith.constant 14 : i32
        %add3A_1646 = arith.addi %mul3A_1644, %add3A_1645 : i32
        %get3A_1647 = arith.index_cast %rem3A_404 : i32 to index
        %get3A_1648 = arith.index_cast %add3A_1646 : i32 to index
        %get3A_1649 = arith.constant 0 : index
        %get3A_1650 = tpu.vector_load %arg9[%get3A_1647, %get3A_1648, %get3A_1649] {strides = array<i32>} : memref<3x64x128xf32, #tpu.memory_space<vmem>>, vector<16xf32>,
        %get3A_1651 = arith.index_cast %rem3A_404 : i32 to index
        %get3A_1652 = arith.index_cast %add3A_1646 : i32 to index
        %get3A_1653 = arith.constant 0 : index
        %get3A_1654 = tpu.vector_load %arg10[%get3A_1651, %get3A_1652, %get3A_1653] {strides = array<i32>} : memref<3x64x128xf32, #tpu.memory_space<vmem>>, vector<16xf32>,
        %mul3A_1655 = arith.mulf %get3A_1650, %get3A_1654 : vector<16xf32>
        %get3A_1656 = arith.index_cast %rem3A_404 : i32 to index
        %get3A_1657 = arith.index_cast %add3A_1646 : i32 to index
        %get3A_1658 = arith.constant 16 : index
        %get3A_1659 = tpu.vector_load %arg9[%get3A_1656, %get3A_1657, %get3A_1658] {strides = array<i32>} : memref<3x64x128xf32, #tpu.memory_space<vmem>>, vector<16xf32>,
        %get3A_1660 = arith.index_cast %rem3A_404 : i32 to index
        %get3A_1661 = arith.index_cast %add3A_1646 : i32 to index
        %get3A_1662 = arith.constant 16 : index
        %get3A_1663 = tpu.vector_load %arg10[%get3A_1660, %get3A_1661, %get3A_1662] {strides = array<i32>} : memref<3x64x128xf32, #tpu.memory_space<vmem>>, vector<16xf32>,
        %mul3A_1664 = arith.mulf %get3A_1659, %get3A_1663 : vector<16xf32>
        %add3A_1665 = arith.addf %mul3A_1655, %mul3A_1664 : vector<16xf32>
        %get3A_1666 = arith.index_cast %rem3A_404 : i32 to index
        %get3A_1667 = arith.index_cast %add3A_1646 : i32 to index
        %get3A_1668 = arith.constant 32 : index
        %get3A_1669 = tpu.vector_load %arg9[%get3A_1666, %get3A_1667, %get3A_1668] {strides = array<i32>} : memref<3x64x128xf32, #tpu.memory_space<vmem>>, vector<16xf32>,
        %get3A_1670 = arith.index_cast %rem3A_404 : i32 to index
        %get3A_1671 = arith.index_cast %add3A_1646 : i32 to index
        %get3A_1672 = arith.constant 32 : index
        %get3A_1673 = tpu.vector_load %arg10[%get3A_1670, %get3A_1671, %get3A_1672] {strides = array<i32>} : memref<3x64x128xf32, #tpu.memory_space<vmem>>, vector<16xf32>,
        %mul3A_1674 = arith.mulf %get3A_1669, %get3A_1673 : vector<16xf32>
        %add3A_1675 = arith.addf %add3A_1665, %mul3A_1674 : vector<16xf32>
        %get3A_1676 = arith.index_cast %rem3A_404 : i32 to index
        %get3A_1677 = arith.index_cast %add3A_1646 : i32 to index
        %get3A_1678 = arith.constant 48 : index
        %get3A_1679 = tpu.vector_load %arg9[%get3A_1676, %get3A_1677, %get3A_1678] {strides = array<i32>} : memref<3x64x128xf32, #tpu.memory_space<vmem>>, vector<16xf32>,
        %get3A_1680 = arith.index_cast %rem3A_404 : i32 to index
        %get3A_1681 = arith.index_cast %add3A_1646 : i32 to index
        %get3A_1682 = arith.constant 48 : index
        %get3A_1683 = tpu.vector_load %arg10[%get3A_1680, %get3A_1681, %get3A_1682] {strides = array<i32>} : memref<3x64x128xf32, #tpu.memory_space<vmem>>, vector<16xf32>,
        %mul3A_1684 = arith.mulf %get3A_1679, %get3A_1683 : vector<16xf32>
        %add3A_1685 = arith.addf %add3A_1675, %mul3A_1684 : vector<16xf32>
        %get3A_1686 = arith.index_cast %rem3A_404 : i32 to index
        %get3A_1687 = arith.index_cast %add3A_1646 : i32 to index
        %get3A_1688 = arith.constant 64 : index
        %get3A_1689 = tpu.vector_load %arg9[%get3A_1686, %get3A_1687, %get3A_1688] {strides = array<i32>} : memref<3x64x128xf32, #tpu.memory_space<vmem>>, vector<16xf32>,
        %get3A_1690 = arith.index_cast %rem3A_404 : i32 to index
        %get3A_1691 = arith.index_cast %add3A_1646 : i32 to index
        %get3A_1692 = arith.constant 64 : index
        %get3A_1693 = tpu.vector_load %arg10[%get3A_1690, %get3A_1691, %get3A_1692] {strides = array<i32>} : memref<3x64x128xf32, #tpu.memory_space<vmem>>, vector<16xf32>,
        %mul3A_1694 = arith.mulf %get3A_1689, %get3A_1693 : vector<16xf32>
        %add3A_1695 = arith.addf %add3A_1685, %mul3A_1694 : vector<16xf32>
        %get3A_1696 = arith.index_cast %rem3A_404 : i32 to index
        %get3A_1697 = arith.index_cast %add3A_1646 : i32 to index
        %get3A_1698 = arith.constant 80 : index
        %get3A_1699 = tpu.vector_load %arg9[%get3A_1696, %get3A_1697, %get3A_1698] {strides = array<i32>} : memref<3x64x128xf32, #tpu.memory_space<vmem>>, vector<16xf32>,
        %get3A_1700 = arith.index_cast %rem3A_404 : i32 to index
        %get3A_1701 = arith.index_cast %add3A_1646 : i32 to index
        %get3A_1702 = arith.constant 80 : index
        %get3A_1703 = tpu.vector_load %arg10[%get3A_1700, %get3A_1701, %get3A_1702] {strides = array<i32>} : memref<3x64x128xf32, #tpu.memory_space<vmem>>, vector<16xf32>,
        %mul3A_1704 = arith.mulf %get3A_1699, %get3A_1703 : vector<16xf32>
        %add3A_1705 = arith.addf %add3A_1695, %mul3A_1704 : vector<16xf32>
        %get3A_1706 = arith.index_cast %rem3A_404 : i32 to index
        %get3A_1707 = arith.index_cast %add3A_1646 : i32 to index
        %get3A_1708 = arith.constant 96 : index
        %get3A_1709 = tpu.vector_load %arg9[%get3A_1706, %get3A_1707, %get3A_1708] {strides = array<i32>} : memref<3x64x128xf32, #tpu.memory_space<vmem>>, vector<16xf32>,
        %get3A_1710 = arith.index_cast %rem3A_404 : i32 to index
        %get3A_1711 = arith.index_cast %add3A_1646 : i32 to index
        %get3A_1712 = arith.constant 96 : index
        %get3A_1713 = tpu.vector_load %arg10[%get3A_1710, %get3A_1711, %get3A_1712] {strides = array<i32>} : memref<3x64x128xf32, #tpu.memory_space<vmem>>, vector<16xf32>,
        %mul3A_1714 = arith.mulf %get3A_1709, %get3A_1713 : vector<16xf32>
        %add3A_1715 = arith.addf %add3A_1705, %mul3A_1714 : vector<16xf32>
        %get3A_1716 = arith.index_cast %rem3A_404 : i32 to index
        %get3A_1717 = arith.index_cast %add3A_1646 : i32 to index
        %get3A_1718 = arith.constant 112 : index
        %get3A_1719 = tpu.vector_load %arg9[%get3A_1716, %get3A_1717, %get3A_1718] {strides = array<i32>} : memref<3x64x128xf32, #tpu.memory_space<vmem>>, vector<16xf32>,
        %get3A_1720 = arith.index_cast %rem3A_404 : i32 to index
        %get3A_1721 = arith.index_cast %add3A_1646 : i32 to index
        %get3A_1722 = arith.constant 112 : index
        %get3A_1723 = tpu.vector_load %arg10[%get3A_1720, %get3A_1721, %get3A_1722] {strides = array<i32>} : memref<3x64x128xf32, #tpu.memory_space<vmem>>, vector<16xf32>,
        %mul3A_1724 = arith.mulf %get3A_1719, %get3A_1723 : vector<16xf32>
        %add3A_1725 = arith.addf %add3A_1715, %mul3A_1724 : vector<16xf32>
        %swap3A_1726 = arith.constant 238 : index
        %swap3A_1727 = tpu.vector_load %arg12[%swap3A_1726] {strides = array<i32>} : memref<272xf32, #tpu.memory_space<vmem>>, vector<16xf32>,
        tpu.vector_store %arg12[%swap3A_1726], %add3A_1725 {strides = array<i32>} : memref<272xf32, #tpu.memory_space<vmem>>, vector<16xf32>,
        %mul3A_1728 = arith.constant 16 : i32
        %mul3A_1729 = arith.muli %scan3A_453, %mul3A_1728 : i32
        %add3A_1730 = arith.constant 15 : i32
        %add3A_1731 = arith.addi %mul3A_1729, %add3A_1730 : i32
        %get3A_1732 = arith.index_cast %rem3A_404 : i32 to index
        %get3A_1733 = arith.index_cast %add3A_1731 : i32 to index
        %get3A_1734 = arith.constant 0 : index
        %get3A_1735 = tpu.vector_load %arg9[%get3A_1732, %get3A_1733, %get3A_1734] {strides = array<i32>} : memref<3x64x128xf32, #tpu.memory_space<vmem>>, vector<16xf32>,
        %get3A_1736 = arith.index_cast %rem3A_404 : i32 to index
        %get3A_1737 = arith.index_cast %add3A_1731 : i32 to index
        %get3A_1738 = arith.constant 0 : index
        %get3A_1739 = tpu.vector_load %arg10[%get3A_1736, %get3A_1737, %get3A_1738] {strides = array<i32>} : memref<3x64x128xf32, #tpu.memory_space<vmem>>, vector<16xf32>,
        %mul3A_1740 = arith.mulf %get3A_1735, %get3A_1739 : vector<16xf32>
        %get3A_1741 = arith.index_cast %rem3A_404 : i32 to index
        %get3A_1742 = arith.index_cast %add3A_1731 : i32 to index
        %get3A_1743 = arith.constant 16 : index
        %get3A_1744 = tpu.vector_load %arg9[%get3A_1741, %get3A_1742, %get3A_1743] {strides = array<i32>} : memref<3x64x128xf32, #tpu.memory_space<vmem>>, vector<16xf32>,
        %get3A_1745 = arith.index_cast %rem3A_404 : i32 to index
        %get3A_1746 = arith.index_cast %add3A_1731 : i32 to index
        %get3A_1747 = arith.constant 16 : index
        %get3A_1748 = tpu.vector_load %arg10[%get3A_1745, %get3A_1746, %get3A_1747] {strides = array<i32>} : memref<3x64x128xf32, #tpu.memory_space<vmem>>, vector<16xf32>,
        %mul3A_1749 = arith.mulf %get3A_1744, %get3A_1748 : vector<16xf32>
        %add3A_1750 = arith.addf %mul3A_1740, %mul3A_1749 : vector<16xf32>
        %get3A_1751 = arith.index_cast %rem3A_404 : i32 to index
        %get3A_1752 = arith.index_cast %add3A_1731 : i32 to index
        %get3A_1753 = arith.constant 32 : index
        %get3A_1754 = tpu.vector_load %arg9[%get3A_1751, %get3A_1752, %get3A_1753] {strides = array<i32>} : memref<3x64x128xf32, #tpu.memory_space<vmem>>, vector<16xf32>,
        %get3A_1755 = arith.index_cast %rem3A_404 : i32 to index
        %get3A_1756 = arith.index_cast %add3A_1731 : i32 to index
        %get3A_1757 = arith.constant 32 : index
        %get3A_1758 = tpu.vector_load %arg10[%get3A_1755, %get3A_1756, %get3A_1757] {strides = array<i32>} : memref<3x64x128xf32, #tpu.memory_space<vmem>>, vector<16xf32>,
        %mul3A_1759 = arith.mulf %get3A_1754, %get3A_1758 : vector<16xf32>
        %add3A_1760 = arith.addf %add3A_1750, %mul3A_1759 : vector<16xf32>
        %get3A_1761 = arith.index_cast %rem3A_404 : i32 to index
        %get3A_1762 = arith.index_cast %add3A_1731 : i32 to index
        %get3A_1763 = arith.constant 48 : index
        %get3A_1764 = tpu.vector_load %arg9[%get3A_1761, %get3A_1762, %get3A_1763] {strides = array<i32>} : memref<3x64x128xf32, #tpu.memory_space<vmem>>, vector<16xf32>,
        %get3A_1765 = arith.index_cast %rem3A_404 : i32 to index
        %get3A_1766 = arith.index_cast %add3A_1731 : i32 to index
        %get3A_1767 = arith.constant 48 : index
        %get3A_1768 = tpu.vector_load %arg10[%get3A_1765, %get3A_1766, %get3A_1767] {strides = array<i32>} : memref<3x64x128xf32, #tpu.memory_space<vmem>>, vector<16xf32>,
        %mul3A_1769 = arith.mulf %get3A_1764, %get3A_1768 : vector<16xf32>
        %add3A_1770 = arith.addf %add3A_1760, %mul3A_1769 : vector<16xf32>
        %get3A_1771 = arith.index_cast %rem3A_404 : i32 to index
        %get3A_1772 = arith.index_cast %add3A_1731 : i32 to index
        %get3A_1773 = arith.constant 64 : index
        %get3A_1774 = tpu.vector_load %arg9[%get3A_1771, %get3A_1772, %get3A_1773] {strides = array<i32>} : memref<3x64x128xf32, #tpu.memory_space<vmem>>, vector<16xf32>,
        %get3A_1775 = arith.index_cast %rem3A_404 : i32 to index
        %get3A_1776 = arith.index_cast %add3A_1731 : i32 to index
        %get3A_1777 = arith.constant 64 : index
        %get3A_1778 = tpu.vector_load %arg10[%get3A_1775, %get3A_1776, %get3A_1777] {strides = array<i32>} : memref<3x64x128xf32, #tpu.memory_space<vmem>>, vector<16xf32>,
        %mul3A_1779 = arith.mulf %get3A_1774, %get3A_1778 : vector<16xf32>
        %add3A_1780 = arith.addf %add3A_1770, %mul3A_1779 : vector<16xf32>
        %get3A_1781 = arith.index_cast %rem3A_404 : i32 to index
        %get3A_1782 = arith.index_cast %add3A_1731 : i32 to index
        %get3A_1783 = arith.constant 80 : index
        %get3A_1784 = tpu.vector_load %arg9[%get3A_1781, %get3A_1782, %get3A_1783] {strides = array<i32>} : memref<3x64x128xf32, #tpu.memory_space<vmem>>, vector<16xf32>,
        %get3A_1785 = arith.index_cast %rem3A_404 : i32 to index
        %get3A_1786 = arith.index_cast %add3A_1731 : i32 to index
        %get3A_1787 = arith.constant 80 : index
        %get3A_1788 = tpu.vector_load %arg10[%get3A_1785, %get3A_1786, %get3A_1787] {strides = array<i32>} : memref<3x64x128xf32, #tpu.memory_space<vmem>>, vector<16xf32>,
        %mul3A_1789 = arith.mulf %get3A_1784, %get3A_1788 : vector<16xf32>
        %add3A_1790 = arith.addf %add3A_1780, %mul3A_1789 : vector<16xf32>
        %get3A_1791 = arith.index_cast %rem3A_404 : i32 to index
        %get3A_1792 = arith.index_cast %add3A_1731 : i32 to index
        %get3A_1793 = arith.constant 96 : index
        %get3A_1794 = tpu.vector_load %arg9[%get3A_1791, %get3A_1792, %get3A_1793] {strides = array<i32>} : memref<3x64x128xf32, #tpu.memory_space<vmem>>, vector<16xf32>,
        %get3A_1795 = arith.index_cast %rem3A_404 : i32 to index
        %get3A_1796 = arith.index_cast %add3A_1731 : i32 to index
        %get3A_1797 = arith.constant 96 : index
        %get3A_1798 = tpu.vector_load %arg10[%get3A_1795, %get3A_1796, %get3A_1797] {strides = array<i32>} : memref<3x64x128xf32, #tpu.memory_space<vmem>>, vector<16xf32>,
        %mul3A_1799 = arith.mulf %get3A_1794, %get3A_1798 : vector<16xf32>
        %add3A_1800 = arith.addf %add3A_1790, %mul3A_1799 : vector<16xf32>
        %get3A_1801 = arith.index_cast %rem3A_404 : i32 to index
        %get3A_1802 = arith.index_cast %add3A_1731 : i32 to index
        %get3A_1803 = arith.constant 112 : index
        %get3A_1804 = tpu.vector_load %arg9[%get3A_1801, %get3A_1802, %get3A_1803] {strides = array<i32>} : memref<3x64x128xf32, #tpu.memory_space<vmem>>, vector<16xf32>,
        %get3A_1805 = arith.index_cast %rem3A_404 : i32 to index
        %get3A_1806 = arith.index_cast %add3A_1731 : i32 to index
        %get3A_1807 = arith.constant 112 : index
        %get3A_1808 = tpu.vector_load %arg10[%get3A_1805, %get3A_1806, %get3A_1807] {strides = array<i32>} : memref<3x64x128xf32, #tpu.memory_space<vmem>>, vector<16xf32>,
        %mul3A_1809 = arith.mulf %get3A_1804, %get3A_1808 : vector<16xf32>
        %add3A_1810 = arith.addf %add3A_1800, %mul3A_1809 : vector<16xf32>
        %swap3A_1811 = arith.constant 255 : index
        %swap3A_1812 = tpu.vector_load %arg12[%swap3A_1811] {strides = array<i32>} : memref<272xf32, #tpu.memory_space<vmem>>, vector<16xf32>,
        tpu.vector_store %arg12[%swap3A_1811], %add3A_1810 {strides = array<i32>} : memref<272xf32, #tpu.memory_space<vmem>>, vector<16xf32>,
        %add3A_1813 = arith.constant 0 : i32
        %add3A_1814 = vector.broadcast %add3A_1813 : i32 to vector<16xi32>
        %add3A_1815 = arith.addi %mul3A_323, %add3A_1814 : vector<16xi32>
        %gather3A = tpu.vector_load_idx %arg12[%add3A_1815] : memref<272xf32, #tpu.memory_space<vmem>>[vector<16xi32>], vector<16xf32>,
        %add3A_1816 = arith.constant 1 : i32
        %add3A_1817 = vector.broadcast %add3A_1816 : i32 to vector<16xi32>
        %add3A_1818 = arith.addi %mul3A_323, %add3A_1817 : vector<16xi32>
        %gather3A_1819 = tpu.vector_load_idx %arg12[%add3A_1818] : memref<272xf32, #tpu.memory_space<vmem>>[vector<16xi32>], vector<16xf32>,
        %add3A_1820 = arith.constant 2 : i32
        %add3A_1821 = vector.broadcast %add3A_1820 : i32 to vector<16xi32>
        %add3A_1822 = arith.addi %mul3A_323, %add3A_1821 : vector<16xi32>
        %gather3A_1823 = tpu.vector_load_idx %arg12[%add3A_1822] : memref<272xf32, #tpu.memory_space<vmem>>[vector<16xi32>], vector<16xf32>,
        %add3A_1824 = arith.constant 3 : i32
        %add3A_1825 = vector.broadcast %add3A_1824 : i32 to vector<16xi32>
        %add3A_1826 = arith.addi %mul3A_323, %add3A_1825 : vector<16xi32>
        %gather3A_1827 = tpu.vector_load_idx %arg12[%add3A_1826] : memref<272xf32, #tpu.memory_space<vmem>>[vector<16xi32>], vector<16xf32>,
        %add3A_1828 = arith.constant 4 : i32
        %add3A_1829 = vector.broadcast %add3A_1828 : i32 to vector<16xi32>
        %add3A_1830 = arith.addi %mul3A_323, %add3A_1829 : vector<16xi32>
        %gather3A_1831 = tpu.vector_load_idx %arg12[%add3A_1830] : memref<272xf32, #tpu.memory_space<vmem>>[vector<16xi32>], vector<16xf32>,
        %add3A_1832 = arith.constant 5 : i32
        %add3A_1833 = vector.broadcast %add3A_1832 : i32 to vector<16xi32>
        %add3A_1834 = arith.addi %mul3A_323, %add3A_1833 : vector<16xi32>
        %gather3A_1835 = tpu.vector_load_idx %arg12[%add3A_1834] : memref<272xf32, #tpu.memory_space<vmem>>[vector<16xi32>], vector<16xf32>,
        %add3A_1836 = arith.constant 6 : i32
        %add3A_1837 = vector.broadcast %add3A_1836 : i32 to vector<16xi32>
        %add3A_1838 = arith.addi %mul3A_323, %add3A_1837 : vector<16xi32>
        %gather3A_1839 = tpu.vector_load_idx %arg12[%add3A_1838] : memref<272xf32, #tpu.memory_space<vmem>>[vector<16xi32>], vector<16xf32>,
        %add3A_1840 = arith.constant 7 : i32
        %add3A_1841 = vector.broadcast %add3A_1840 : i32 to vector<16xi32>
        %add3A_1842 = arith.addi %mul3A_323, %add3A_1841 : vector<16xi32>
        %gather3A_1843 = tpu.vector_load_idx %arg12[%add3A_1842] : memref<272xf32, #tpu.memory_space<vmem>>[vector<16xi32>], vector<16xf32>,
        %add3A_1844 = arith.constant 8 : i32
        %add3A_1845 = vector.broadcast %add3A_1844 : i32 to vector<16xi32>
        %add3A_1846 = arith.addi %mul3A_323, %add3A_1845 : vector<16xi32>
        %gather3A_1847 = tpu.vector_load_idx %arg12[%add3A_1846] : memref<272xf32, #tpu.memory_space<vmem>>[vector<16xi32>], vector<16xf32>,
        %add3A_1848 = arith.constant 9 : i32
        %add3A_1849 = vector.broadcast %add3A_1848 : i32 to vector<16xi32>
        %add3A_1850 = arith.addi %mul3A_323, %add3A_1849 : vector<16xi32>
        %gather3A_1851 = tpu.vector_load_idx %arg12[%add3A_1850] : memref<272xf32, #tpu.memory_space<vmem>>[vector<16xi32>], vector<16xf32>,
        %add3A_1852 = arith.constant 10 : i32
        %add3A_1853 = vector.broadcast %add3A_1852 : i32 to vector<16xi32>
        %add3A_1854 = arith.addi %mul3A_323, %add3A_1853 : vector<16xi32>
        %gather3A_1855 = tpu.vector_load_idx %arg12[%add3A_1854] : memref<272xf32, #tpu.memory_space<vmem>>[vector<16xi32>], vector<16xf32>,
        %add3A_1856 = arith.constant 11 : i32
        %add3A_1857 = vector.broadcast %add3A_1856 : i32 to vector<16xi32>
        %add3A_1858 = arith.addi %mul3A_323, %add3A_1857 : vector<16xi32>
        %gather3A_1859 = tpu.vector_load_idx %arg12[%add3A_1858] : memref<272xf32, #tpu.memory_space<vmem>>[vector<16xi32>], vector<16xf32>,
        %add3A_1860 = arith.constant 12 : i32
        %add3A_1861 = vector.broadcast %add3A_1860 : i32 to vector<16xi32>
        %add3A_1862 = arith.addi %mul3A_323, %add3A_1861 : vector<16xi32>
        %gather3A_1863 = tpu.vector_load_idx %arg12[%add3A_1862] : memref<272xf32, #tpu.memory_space<vmem>>[vector<16xi32>], vector<16xf32>,
        %add3A_1864 = arith.constant 13 : i32
        %add3A_1865 = vector.broadcast %add3A_1864 : i32 to vector<16xi32>
        %add3A_1866 = arith.addi %mul3A_323, %add3A_1865 : vector<16xi32>
        %gather3A_1867 = tpu.vector_load_idx %arg12[%add3A_1866] : memref<272xf32, #tpu.memory_space<vmem>>[vector<16xi32>], vector<16xf32>,
        %add3A_1868 = arith.constant 14 : i32
        %add3A_1869 = vector.broadcast %add3A_1868 : i32 to vector<16xi32>
        %add3A_1870 = arith.addi %mul3A_323, %add3A_1869 : vector<16xi32>
        %gather3A_1871 = tpu.vector_load_idx %arg12[%add3A_1870] : memref<272xf32, #tpu.memory_space<vmem>>[vector<16xi32>], vector<16xf32>,
        %add3A_1872 = arith.constant 15 : i32
        %add3A_1873 = vector.broadcast %add3A_1872 : i32 to vector<16xi32>
        %add3A_1874 = arith.addi %mul3A_323, %add3A_1873 : vector<16xi32>
        %gather3A_1875 = tpu.vector_load_idx %arg12[%add3A_1874] : memref<272xf32, #tpu.memory_space<vmem>>[vector<16xi32>], vector<16xf32>,
        %add3A_1876 = arith.addf %gather3A, %gather3A_1819 : vector<16xf32>
        %add3A_1877 = arith.addf %gather3A_1823, %gather3A_1827 : vector<16xf32>
        %add3A_1878 = arith.addf %gather3A_1831, %gather3A_1835 : vector<16xf32>
        %add3A_1879 = arith.addf %gather3A_1839, %gather3A_1843 : vector<16xf32>
        %add3A_1880 = arith.addf %gather3A_1847, %gather3A_1851 : vector<16xf32>
        %add3A_1881 = arith.addf %gather3A_1855, %gather3A_1859 : vector<16xf32>
        %add3A_1882 = arith.addf %gather3A_1863, %gather3A_1867 : vector<16xf32>
        %add3A_1883 = arith.addf %gather3A_1871, %gather3A_1875 : vector<16xf32>
        %add3A_1884 = arith.addf %add3A_1876, %add3A_1877 : vector<16xf32>
        %add3A_1885 = arith.addf %add3A_1878, %add3A_1879 : vector<16xf32>
        %add3A_1886 = arith.addf %add3A_1880, %add3A_1881 : vector<16xf32>
        %add3A_1887 = arith.addf %add3A_1882, %add3A_1883 : vector<16xf32>
        %add3A_1888 = arith.addf %add3A_1884, %add3A_1885 : vector<16xf32>
        %add3A_1889 = arith.addf %add3A_1886, %add3A_1887 : vector<16xf32>
        %add3A_1890 = arith.addf %add3A_1888, %add3A_1889 : vector<16xf32>
        %mul3A_1891 = arith.constant 64 : i32
        %mul3A_1892 = arith.muli %scan3A_402, %mul3A_1891 : i32
        %mul3A_1893 = arith.constant 16 : i32
        %mul3A_1894 = arith.muli %scan3A_453, %mul3A_1893 : i32
        %add3A_1895 = arith.addi %mul3A_1892, %mul3A_1894 : i32
        %swap3A_1896 = arith.index_cast %add3A_1895 : i32 to index
        %swap3A_1897 = tpu.vector_load %arg11[%swap3A_1896] {strides = array<i32>} : memref<512xf32, #tpu.memory_space<vmem>>, vector<16xf32>,
        tpu.vector_store %arg11[%swap3A_1896], %add3A_1890 {strides = array<i32>} : memref<512xf32, #tpu.memory_space<vmem>>, vector<16xf32>,
        %scan3A_1898 = arith.constant 0 : i32
        scf.yield %scan3A_1898 : i32
      }
      %scan3A_423 = arith.constant 4 : i32
      %add3A_424 = arith.constant 3 : i32
      %add3A_425 = arith.addi %scan3A_402, %add3A_424 : i32
      %lt3A = arith.constant 8 : i32
      %lt3A_426 = arith.cmpi slt, %add3A_425, %lt3A : i32
      %eq3A_427 = arith.constant 0 : i32
      %eq3A_428 = arith.cmpi eq, %rem3A_404, %eq3A_427 : i32
      %and3A = arith.andi %lt3A_426, %eq3A_428 : i1
      %convert_element_type3A_429 = arith.extui %and3A : i1 to i32
      %cond3A_430 = arith.constant 0 : i32
      %cond3A_431 = arith.cmpi ne, %convert_element_type3A_429, %cond3A_430 : i32
      scf.if %cond3A_431 {
        %add3A_453 = arith.constant 3 : i32
        %add3A_454 = arith.addi %scan3A_402, %add3A_453 : i32
        %dma_start3A_455 = arith.constant 0 : i32
        %dma_start3A_456 = arith.constant 0 : i32
        %dma_start3A_457 = arith.constant 0 : i32
        %dma_start3A_458 = tpu.memref_slice %arg9[%dma_start3A_455, %dma_start3A_456, %dma_start3A_457] : memref<3x64x128xf32, #tpu.memory_space<vmem>> -> memref<1x64x128xf32, #tpu.memory_space<vmem>>
        %dma_start3A_459 = tpu.memref_squeeze %dma_start3A_458 : memref<1x64x128xf32, #tpu.memory_space<vmem>> -> memref<64x128xf32, #tpu.memory_space<vmem>>
        %dma_start3A_460 = arith.constant 0 : i32
        %dma_start3A_461 = tpu.memref_slice %arg7[%add3A_454, %dma_start3A_460] : memref<8x64xi32, #tpu.memory_space<vmem>> -> memref<1x64xi32, #tpu.memory_space<vmem>>
        %dma_start3A_462 = tpu.memref_squeeze %dma_start3A_461 : memref<1x64xi32, #tpu.memory_space<vmem>> -> memref<64xi32, #tpu.memory_space<vmem>>
        %dma_start3A_463 = arith.constant 0 : i32
        %dma_start3A_464 = arith.constant 0 : i32
        %dma_start3A_465 = tpu.memref_slice %arg4[%dma_start3A_463, %dma_start3A_464] : memref<100000x128xf32, #tpu.memory_space<hbm>> -> memref<100000x128xf32, #tpu.memory_space<hbm>>
        tpu.enqueue_indirect_dma source(%dma_start3A_465 : memref<100000x128xf32, #tpu.memory_space<hbm>>) target(%dma_start3A_459 : memref<64x128xf32, #tpu.memory_space<vmem>>) offsets(%dma_start3A_462 : memref<64xi32, #tpu.memory_space<vmem>>) semaphore(%arg15 : memref<!tpu.dma_semaphore, #tpu.memory_space<semaphore_mem>>)
        %dma_start3A_466 = arith.constant 0 : i32
        %dma_start3A_467 = arith.constant 0 : i32
        %dma_start3A_468 = arith.constant 0 : i32
        %dma_start3A_469 = tpu.memref_slice %arg10[%dma_start3A_466, %dma_start3A_467, %dma_start3A_468] : memref<3x64x128xf32, #tpu.memory_space<vmem>> -> memref<1x64x128xf32, #tpu.memory_space<vmem>>
        %dma_start3A_470 = tpu.memref_squeeze %dma_start3A_469 : memref<1x64x128xf32, #tpu.memory_space<vmem>> -> memref<64x128xf32, #tpu.memory_space<vmem>>
        %dma_start3A_471 = arith.constant 0 : i32
        %dma_start3A_472 = tpu.memref_slice %arg8[%add3A_454, %dma_start3A_471] : memref<8x64xi32, #tpu.memory_space<vmem>> -> memref<1x64xi32, #tpu.memory_space<vmem>>
        %dma_start3A_473 = tpu.memref_squeeze %dma_start3A_472 : memref<1x64xi32, #tpu.memory_space<vmem>> -> memref<64xi32, #tpu.memory_space<vmem>>
        %dma_start3A_474 = arith.constant 0 : i32
        %dma_start3A_475 = arith.constant 0 : i32
        %dma_start3A_476 = tpu.memref_slice %arg5[%dma_start3A_474, %dma_start3A_475] : memref<100000x128xf32, #tpu.memory_space<hbm>> -> memref<100000x128xf32, #tpu.memory_space<hbm>>
        tpu.enqueue_indirect_dma source(%dma_start3A_476 : memref<100000x128xf32, #tpu.memory_space<hbm>>) target(%dma_start3A_470 : memref<64x128xf32, #tpu.memory_space<vmem>>) offsets(%dma_start3A_473 : memref<64xi32, #tpu.memory_space<vmem>>) semaphore(%arg16 : memref<!tpu.dma_semaphore, #tpu.memory_space<semaphore_mem>>)
      } else {
      }
      %add3A_432 = arith.constant 3 : i32
      %add3A_433 = arith.addi %scan3A_402, %add3A_432 : i32
      %lt3A_434 = arith.constant 8 : i32
      %lt3A_435 = arith.cmpi slt, %add3A_433, %lt3A_434 : i32
      %eq3A_436 = arith.constant 1 : i32
      %eq3A_437 = arith.cmpi eq, %rem3A_404, %eq3A_436 : i32
      %and3A_438 = arith.andi %lt3A_435, %eq3A_437 : i1
      %convert_element_type3A_439 = arith.extui %and3A_438 : i1 to i32
      %cond3A_440 = arith.constant 0 : i32
      %cond3A_441 = arith.cmpi ne, %convert_element_type3A_439, %cond3A_440 : i32
      scf.if %cond3A_441 {
        %add3A_453 = arith.constant 3 : i32
        %add3A_454 = arith.addi %scan3A_402, %add3A_453 : i32
        %dma_start3A_455 = arith.constant 1 : i32
        %dma_start3A_456 = arith.constant 0 : i32
        %dma_start3A_457 = arith.constant 0 : i32
        %dma_start3A_458 = tpu.memref_slice %arg9[%dma_start3A_455, %dma_start3A_456, %dma_start3A_457] : memref<3x64x128xf32, #tpu.memory_space<vmem>> -> memref<1x64x128xf32, #tpu.memory_space<vmem>>
        %dma_start3A_459 = tpu.memref_squeeze %dma_start3A_458 : memref<1x64x128xf32, #tpu.memory_space<vmem>> -> memref<64x128xf32, #tpu.memory_space<vmem>>
        %dma_start3A_460 = arith.constant 0 : i32
        %dma_start3A_461 = tpu.memref_slice %arg7[%add3A_454, %dma_start3A_460] : memref<8x64xi32, #tpu.memory_space<vmem>> -> memref<1x64xi32, #tpu.memory_space<vmem>>
        %dma_start3A_462 = tpu.memref_squeeze %dma_start3A_461 : memref<1x64xi32, #tpu.memory_space<vmem>> -> memref<64xi32, #tpu.memory_space<vmem>>
        %dma_start3A_463 = arith.constant 0 : i32
        %dma_start3A_464 = arith.constant 0 : i32
        %dma_start3A_465 = tpu.memref_slice %arg4[%dma_start3A_463, %dma_start3A_464] : memref<100000x128xf32, #tpu.memory_space<hbm>> -> memref<100000x128xf32, #tpu.memory_space<hbm>>
        tpu.enqueue_indirect_dma source(%dma_start3A_465 : memref<100000x128xf32, #tpu.memory_space<hbm>>) target(%dma_start3A_459 : memref<64x128xf32, #tpu.memory_space<vmem>>) offsets(%dma_start3A_462 : memref<64xi32, #tpu.memory_space<vmem>>) semaphore(%arg17 : memref<!tpu.dma_semaphore, #tpu.memory_space<semaphore_mem>>)
        %dma_start3A_466 = arith.constant 1 : i32
        %dma_start3A_467 = arith.constant 0 : i32
        %dma_start3A_468 = arith.constant 0 : i32
        %dma_start3A_469 = tpu.memref_slice %arg10[%dma_start3A_466, %dma_start3A_467, %dma_start3A_468] : memref<3x64x128xf32, #tpu.memory_space<vmem>> -> memref<1x64x128xf32, #tpu.memory_space<vmem>>
        %dma_start3A_470 = tpu.memref_squeeze %dma_start3A_469 : memref<1x64x128xf32, #tpu.memory_space<vmem>> -> memref<64x128xf32, #tpu.memory_space<vmem>>
        %dma_start3A_471 = arith.constant 0 : i32
        %dma_start3A_472 = tpu.memref_slice %arg8[%add3A_454, %dma_start3A_471] : memref<8x64xi32, #tpu.memory_space<vmem>> -> memref<1x64xi32, #tpu.memory_space<vmem>>
        %dma_start3A_473 = tpu.memref_squeeze %dma_start3A_472 : memref<1x64xi32, #tpu.memory_space<vmem>> -> memref<64xi32, #tpu.memory_space<vmem>>
        %dma_start3A_474 = arith.constant 0 : i32
        %dma_start3A_475 = arith.constant 0 : i32
        %dma_start3A_476 = tpu.memref_slice %arg5[%dma_start3A_474, %dma_start3A_475] : memref<100000x128xf32, #tpu.memory_space<hbm>> -> memref<100000x128xf32, #tpu.memory_space<hbm>>
        tpu.enqueue_indirect_dma source(%dma_start3A_476 : memref<100000x128xf32, #tpu.memory_space<hbm>>) target(%dma_start3A_470 : memref<64x128xf32, #tpu.memory_space<vmem>>) offsets(%dma_start3A_473 : memref<64xi32, #tpu.memory_space<vmem>>) semaphore(%arg18 : memref<!tpu.dma_semaphore, #tpu.memory_space<semaphore_mem>>)
      } else {
      }
      %add3A_442 = arith.constant 3 : i32
      %add3A_443 = arith.addi %scan3A_402, %add3A_442 : i32
      %lt3A_444 = arith.constant 8 : i32
      %lt3A_445 = arith.cmpi slt, %add3A_443, %lt3A_444 : i32
      %eq3A_446 = arith.constant 2 : i32
      %eq3A_447 = arith.cmpi eq, %rem3A_404, %eq3A_446 : i32
      %and3A_448 = arith.andi %lt3A_445, %eq3A_447 : i1
      %convert_element_type3A_449 = arith.extui %and3A_448 : i1 to i32
      %cond3A_450 = arith.constant 0 : i32
      %cond3A_451 = arith.cmpi ne, %convert_element_type3A_449, %cond3A_450 : i32
      scf.if %cond3A_451 {
        %add3A_453 = arith.constant 3 : i32
        %add3A_454 = arith.addi %scan3A_402, %add3A_453 : i32
        %dma_start3A_455 = arith.constant 2 : i32
        %dma_start3A_456 = arith.constant 0 : i32
        %dma_start3A_457 = arith.constant 0 : i32
        %dma_start3A_458 = tpu.memref_slice %arg9[%dma_start3A_455, %dma_start3A_456, %dma_start3A_457] : memref<3x64x128xf32, #tpu.memory_space<vmem>> -> memref<1x64x128xf32, #tpu.memory_space<vmem>>
        %dma_start3A_459 = tpu.memref_squeeze %dma_start3A_458 : memref<1x64x128xf32, #tpu.memory_space<vmem>> -> memref<64x128xf32, #tpu.memory_space<vmem>>
        %dma_start3A_460 = arith.constant 0 : i32
        %dma_start3A_461 = tpu.memref_slice %arg7[%add3A_454, %dma_start3A_460] : memref<8x64xi32, #tpu.memory_space<vmem>> -> memref<1x64xi32, #tpu.memory_space<vmem>>
        %dma_start3A_462 = tpu.memref_squeeze %dma_start3A_461 : memref<1x64xi32, #tpu.memory_space<vmem>> -> memref<64xi32, #tpu.memory_space<vmem>>
        %dma_start3A_463 = arith.constant 0 : i32
        %dma_start3A_464 = arith.constant 0 : i32
        %dma_start3A_465 = tpu.memref_slice %arg4[%dma_start3A_463, %dma_start3A_464] : memref<100000x128xf32, #tpu.memory_space<hbm>> -> memref<100000x128xf32, #tpu.memory_space<hbm>>
        tpu.enqueue_indirect_dma source(%dma_start3A_465 : memref<100000x128xf32, #tpu.memory_space<hbm>>) target(%dma_start3A_459 : memref<64x128xf32, #tpu.memory_space<vmem>>) offsets(%dma_start3A_462 : memref<64xi32, #tpu.memory_space<vmem>>) semaphore(%arg19 : memref<!tpu.dma_semaphore, #tpu.memory_space<semaphore_mem>>)
        %dma_start3A_466 = arith.constant 2 : i32
        %dma_start3A_467 = arith.constant 0 : i32
        %dma_start3A_468 = arith.constant 0 : i32
        %dma_start3A_469 = tpu.memref_slice %arg10[%dma_start3A_466, %dma_start3A_467, %dma_start3A_468] : memref<3x64x128xf32, #tpu.memory_space<vmem>> -> memref<1x64x128xf32, #tpu.memory_space<vmem>>
        %dma_start3A_470 = tpu.memref_squeeze %dma_start3A_469 : memref<1x64x128xf32, #tpu.memory_space<vmem>> -> memref<64x128xf32, #tpu.memory_space<vmem>>
        %dma_start3A_471 = arith.constant 0 : i32
        %dma_start3A_472 = tpu.memref_slice %arg8[%add3A_454, %dma_start3A_471] : memref<8x64xi32, #tpu.memory_space<vmem>> -> memref<1x64xi32, #tpu.memory_space<vmem>>
        %dma_start3A_473 = tpu.memref_squeeze %dma_start3A_472 : memref<1x64xi32, #tpu.memory_space<vmem>> -> memref<64xi32, #tpu.memory_space<vmem>>
        %dma_start3A_474 = arith.constant 0 : i32
        %dma_start3A_475 = arith.constant 0 : i32
        %dma_start3A_476 = tpu.memref_slice %arg5[%dma_start3A_474, %dma_start3A_475] : memref<100000x128xf32, #tpu.memory_space<hbm>> -> memref<100000x128xf32, #tpu.memory_space<hbm>>
        tpu.enqueue_indirect_dma source(%dma_start3A_476 : memref<100000x128xf32, #tpu.memory_space<hbm>>) target(%dma_start3A_470 : memref<64x128xf32, #tpu.memory_space<vmem>>) offsets(%dma_start3A_473 : memref<64xi32, #tpu.memory_space<vmem>>) semaphore(%arg20 : memref<!tpu.dma_semaphore, #tpu.memory_space<semaphore_mem>>)
      } else {
      }
      %scan3A_452 = arith.constant 0 : i32
      scf.yield %scan3A_452 : i32
    }
    %scan3A_401 = arith.constant 8 : i32
    "tpu.region"() ({
      %run_scoped3A = tpu.sem_alloc : memref<!tpu.dma_semaphore, #tpu.memory_space<semaphore_mem>>
      %dma_start3A_402 = tpu.memref_slice %arg6[%mul3A_2] : memref<16384xf32, #tpu.memory_space<hbm>> -> memref<512xf32, #tpu.memory_space<hbm>>
      %dma_start3A_403 = tpu.memref_slice %arg6[%mul3A_2] : memref<16384xf32, #tpu.memory_space<hbm>> -> memref<512xf32, #tpu.memory_space<hbm>>
      tpu.enqueue_dma source(%arg11 : memref<512xf32, #tpu.memory_space<vmem>>) target(%dma_start3A_403 : memref<512xf32, #tpu.memory_space<hbm>>) target_semaphore(%run_scoped3A : memref<!tpu.dma_semaphore, #tpu.memory_space<semaphore_mem>>)
      %dma_wait3A_404 = tpu.memref_slice %arg6[%mul3A_2] : memref<16384xf32, #tpu.memory_space<hbm>> -> memref<512xf32, #tpu.memory_space<hbm>>
      %dma_wait3A_405 = tpu.memref_slice %arg6[%mul3A_2] : memref<16384xf32, #tpu.memory_space<hbm>> -> memref<512xf32, #tpu.memory_space<hbm>>
      tpu.wait_dma2 semaphore(%run_scoped3A : memref<!tpu.dma_semaphore, #tpu.memory_space<semaphore_mem>>) src(%arg11 : memref<512xf32, #tpu.memory_space<vmem>>) dst(%dma_wait3A_405 : memref<512xf32, #tpu.memory_space<hbm>>)
      tpu.yield
    }) : () -> ()
    return
  }
}

</mosaic_0001>

<sc_bundles>
// kernel: _mf.3.cloned.1.call-start
scs
__scs_entry_jumppad:
0x0: {  	(pc) =	sbr.rel $0x88, $3  }
0x1: {  	(tag) =	ssettag $0x0;
	lr =	simm.s32 $0x1  }
0x2: {  	[smem:$0x3F9D] =	sst lr;
	_ =	strace $0xD0000000  }
0x3: {  	_ = 	snop  }
0x4: {  	_ = 	snop  }
0x5: {  	_ = 	snop  }
0x6: {  	_ = 	snop  }
0x7: {  	_ = 	snop  }
__scs_overlays_trampoline_lowered:
0x8: {  	[smem:$0x3FAC] =	sst s0  }
0x9: {  	[smem:$0x3FAD] =	sst s1  }
0xa: {  	[smem:$0x3FAE] =	sst s2  }
0xb: {  	[smem:$0x3FAF] =	sst s3  }
0xc: {  	[smem:$0x3FB0] =	sst s4  }
0xd: {  	[smem:$0x3FB1] =	sst s5  }
0xe: {  	[smem:$0x3FB2] =	sst s6  }
0xf: {  	[smem:$0x3FB3] =	sst s7  }
0x10: {  	[smem:$0x3FB4] =	sst s8  }
0x11: {  	[smem:$0x3FB5] =	sst s9;
	s0 =	simm.s32 @!p0 $0x0  }
0x12: {  	s1 =	sld [smem:$0x3F9B];
	s0 =	simm.s32 @p0 $0x1  }
0x13: {  	[smem:$0x3FB6] =	sst s0;
	s0 =	simm.s32 @!p1 $0x0  }
0x14: {  	s2 =	sld [smem:$0x3F9A];
	s0 =	simm.s32 @p1 $0x1  }
0x15: {  	[smem:$0x3FB7] =	sst s0;
	s0 =	simm.s32 @!p2 $0x0  }
0x16: {  	s3 =	sld [smem:$0x3FDB];
	s0 =	simm.s32 @p2 $0x1  }
0x17: {  	s4 =	simm.s32 $0x1BF5;
	[smem:$0x3FB9] =	sst s0  }
0x18: {  	s0 =	sld [smem:$0x3F9C];
	_ =	swait.ge [sflag:s4], $0x0  }
0x19: {  	s7 =	sld [smem:$0x3F9D]  }
0x1a: {  	s8 =	sadd.s32 $0xFFFFE003, lr  }
0x1b: {  	s9 =	sadd.s32 $0xFFFFFEF7, lr;
	s5 =	simm.s32 $0xFFFFFFFF;
	p2 =	slt.u32 s8, $0xFFFFF086  }
0x1c: {  	p1 =	slt.u32 s9, $0xF7A;
	s5 =	simm.s32 @!p2 $0x0  }
0x1d: {  	s5 =	simm.s32 @p1 $0x1;
	p0 =	seq.s32 s7, s2  }
0x1e: {  	s7 =	smul.u32 @!p0 $0xF7A, s2;
	p2 =	seq.s32 @!p0 s5, $0x0  }
0x1f: {  	s9 =	smul.u32 $0xF7A, s1;
	s8 =	simm.s32 @!p0 $0x1BF5;
	p2 =	por !p2, p0  }
0x20: {  	[sflag:s8] =	ssyncset.s32 @!p0 $0xFFFFF086;
	s6 =	sadd.s32 @!p0 s3, s7;
	s7 =	simm.s32 @!p0 $0x108  }
0x21: {  	s3 =	sadd.s32 s3, s9;
	s6 =	sadd.s32 @!p0 $0x88, s6;
	s7 =	simm.s32 @p2 $0x1082  }
0x22: {  	[simem:s7], [sflag:s8] =	dma.local @!p0 [hbm:s6], $0xF7A  }
0x23: {  	s9 =	sor.u32 $0xD0000000, s2;
	s6 =	simm.s32 $0x108;
	_ =	swait.ge @!p0 [sflag:s8], $0x0  }
0x24: {  	s3 =	sadd.s32 $0x88, s3;
	s6 =	simm.s32 @!p1 $0x1082;
	[sflag:s4] =	ssyncset.s32 $0xFFFFF086  }
0x25: {  	[simem:s6], [sflag:s4] =	dma.local [hbm:s3], $0xF7A  }
0x26: {  	[smem:$0x3F9D] =	sst s1;
	(tag) =	ssettag s2;
	_ =	strace s9  }
0x27: {  	s1 =	sld [smem:$0x3FAD]  }
0x28: {  	s2 =	sld [smem:$0x3FAE]  }
0x29: {  	s4 =	sld [smem:$0x3FB0]  }
0x2a: {  	p0 =	seq.s32 s5, $0x0;
	s5 =	sld [smem:$0x3FB1]  }
0x2b: {  	s6 =	sld [smem:$0x3FB2]  }
0x2c: {  	s7 =	sld [smem:$0x3FB3]  }
0x2d: {  	s3 =	simm.s32 $0x108;
	s8 =	sld [smem:$0x3FB4]  }
0x2e: {  	s3 =	simm.s32 @!p0 $0x1082;
	s9 =	sld [smem:$0x3FB5]  }
0x2f: {  	lr =	sadd.s32 s0, s3;
	s0 =	sld [smem:$0x3FAC]  }
0x30: {  	s3 =	sld [smem:$0x3FAF]  }
0x31: {  	[smem:$0x3FB8] =	sst s10  }
0x32: {  	s10 =	sld [smem:$0x3FB6];
	_ =	sdelay $0x3  }
0x33: {  	p0 =	seq.s32 s10, $0x1;
	s10 =	sld [smem:$0x3FB8];
	_ =	sdelay $0x3  }
0x34: {  	[smem:$0x3FB8] =	sst s10  }
0x35: {  	s10 =	sld [smem:$0x3FB7];
	_ =	sdelay $0x3  }
0x36: {  	p1 =	seq.s32 s10, $0x1;
	s10 =	sld [smem:$0x3FB8];
	_ =	sdelay $0x3  }
0x37: {  	[smem:$0x3FB8] =	sst s10  }
0x38: {  	s10 =	sld [smem:$0x3FB9]  }
0x39: {  	_ = 	snop;
	(pc) =	sbr.ind lr, $3  }
0x3a: {  	_ = 	snop  }
0x3b: {  	_ = 	snop  }
0x3c: {  	p2 =	seq.s32 s10, $0x1;
	s10 =	sld [smem:$0x3FB8]  }
0x3d: {  	_ =	shalt  }
0x3e: {  	_ =	shalt  }
0x3f: {  	_ =	shalt  }
0x40: {  	_ =	shalt  }
0x41: {  	_ =	shalt  }
0x42: {  	_ =	shalt  }
0x43: {  	_ =	shalt  }
0x44: {  	_ =	shalt  }
0x45: {  	_ =	shalt  }
0x46: {  	_ =	shalt  }
0x47: {  	_ =	shalt  }
0x48: {  	_ =	shalt  }
0x49: {  	_ =	shalt  }
0x4a: {  	_ =	shalt  }
0x4b: {  	_ =	shalt  }
0x4c: {  	_ =	shalt  }
0x4d: {  	_ =	shalt  }
0x4e: {  	_ =	shalt  }
0x4f: {  	_ =	shalt  }
0x50: {  	_ =	shalt  }
0x51: {  	_ =	shalt  }
0x52: {  	_ =	shalt  }
0x53: {  	_ =	shalt  }
0x54: {  	_ =	shalt  }
0x55: {  	_ =	shalt  }
0x56: {  	_ =	shalt  }
0x57: {  	_ =	shalt  }
0x58: {  	_ =	shalt  }
0x59: {  	_ =	shalt  }
0x5a: {  	_ =	shalt  }
0x5b: {  	_ =	shalt  }
0x5c: {  	_ =	shalt  }
0x5d: {  	_ =	shalt  }
0x5e: {  	_ =	shalt  }
0x5f: {  	_ =	shalt  }
0x60: {  	_ =	shalt  }
0x61: {  	_ =	shalt  }
0x62: {  	_ =	shalt  }
0x63: {  	_ =	shalt  }
0x64: {  	_ =	shalt  }
0x65: {  	_ =	shalt  }
0x66: {  	_ =	shalt  }
0x67: {  	_ =	shalt  }
0x68: {  	_ =	shalt  }
0x69: {  	_ =	shalt  }
0x6a: {  	_ =	shalt  }
0x6b: {  	_ =	shalt  }
0x6c: {  	_ =	shalt  }
0x6d: {  	_ =	shalt  }
0x6e: {  	_ =	shalt  }
0x6f: {  	_ =	shalt  }
0x70: {  	_ =	shalt  }
0x71: {  	_ =	shalt  }
0x72: {  	_ =	shalt  }
0x73: {  	_ =	shalt  }
0x74: {  	_ =	shalt  }
0x75: {  	_ =	shalt  }
0x76: {  	_ =	shalt  }
0x77: {  	_ =	shalt  }
0x78: {  	_ =	shalt  }
0x79: {  	_ =	shalt  }
0x7a: {  	_ =	shalt  }
0x7b: {  	_ =	shalt  }
0x7c: {  	_ =	shalt  }
0x7d: {  	_ =	shalt  }
0x7e: {  	_ =	shalt  }
0x7f: {  	_ =	shalt  }
0x80: {  	_ =	shalt  }
0x81: {  	_ =	shalt  }
0x82: {  	_ =	shalt  }
0x83: {  	_ =	shalt  }
0x84: {  	_ =	shalt  }
0x85: {  	_ =	shalt  }
0x86: {  	_ =	shalt  }
0x87: {  	_ =	shalt  }
.Lfunc_end0:
.L_simem_size_0:
called_computation_lowered:
.L_overlay_start_0:
0x88: {  	s2 =	sld [smem:$0x3FD9]  }
0x89: {  	s3 =	sld [smem:$0x3FFE];
	_ =	sdelay $0x1  }
0x8a: {  	s1 =	srdreg.scid  }
0x8b: {  	s0 =	sand.u32 $0x1, s1  }
0x8c: {  	s18 =	sshll.u32 s0, $0xA;
	s2 =	sadd.s32 s3, s2  }
0x8d: {  	s2 =	sadd.s32 s2, s18  }
0x8e: {  	[smem:$0x3FC4] =	sst s2  }
0x8f: {  	_ = 	snop  }
0x90: {  	s2 =	sld [smem:$0x3FC9]  }
0x91: {  	s19 =	sld [smem:$0x3FC8]  }
0x92: {  	s4 =	sld [smem:$0x3FC7]  }
0x93: {  	s5 =	sld [smem:$0x3FC6]  }
0x94: {  	s6 =	sld [smem:$0x3FD0];
	(tm) =	ssettm $0x1  }
0x95: {  	s7 =	sld [smem:$0x3FFB];
	_ =	sdelay $0x3  }
0x96: {  	_ =	strace s7  }
0x97: {  	s7 =	sld [smem:$0x3FFC];
	_ =	sdelay $0x3  }
0x98: {  	_ =	strace s7  }
0x99: {  	s7 =	sld [smem:$0x3FFD];
	_ =	sdelay $0x3  }
0x9a: {  	_ =	strace s7  }
0x9b: {  	_ =	strace $0x8FFFFFFF  }
0x9c: {  	s20 =	sld [smem:$0x3FDB];
	_ =	sdelay $0x1  }
0x9d: {  	s8 =	simm.s32 $_scs_section_size  }
0x9e: {  	s9 =	simm.s32 $_size__tile_overlayer_lowered;
	s10 =	simm.s32 $_tile_overlayer_lowered  }
0x9f: {  	s23 =	simm.s32 $0x1BFF;
	s22 =	sshll.u32 s10, $0x1;
	s7 =	sadd.s32 s8, s20  }
0xa0: {  	s11 =	simm.s32 $0x0;
	s21 =	sshll.u32 s9, $0x1;
	s9 =	sadd.s32 s22, s7  }
0xa1: {  	[timem:s11], [sflag:s23] =	dma.local [hbm:s9], s21  }
0xa2: {  	_ =	swait.ge [sflag:s23], s21  }
0xa3: {  	s8 =	ssub.s32 $0x0, s21;
	[sflag:s23] =	ssyncset.done $0x0  }
0xa4: {  	[sflag:s23] =	ssyncadd.s32 s8;
	_ =	sdelay $0x1  }
0xa5: {  	s24 =	simm.s32 $0x1B8B  }
0xa6: {  	_ =	swait.ge [sflag:s24], $0x1  }
0xa7: {  	[sflag:s24] =	ssyncset.done $0x0  }
0xa8: {  	s25 =	simm.s32 $0x1B8E;
	[sflag:s24] =	ssyncadd.s32 $0xFFFFFFFF  }
0xa9: {  	s26 =	simm.s32 $execute0_lowered;
	[smem:$0x3FD2] =	sst s25  }
0xaa: {  	s8 =	sshll.u32 s26, $0x1;
	_ =	strace $0x80000046;
	[dreg:$0x1] =	wrdreg $0xFFFFFFFF  }
0xab: {  	s28 =	simm.s32 $_size_execute0_lowered;
	s7 =	sadd.s32 s7, s8;
	[dreg:$0x0] =	wrdreg $0x0  }
0xac: {  	s8 =	sshll.u32 s28, $0x1;
	[dreg:$0x2] =	wrdreg s7  }
0xad: {  	[dreg:$0x3] =	wrdreg s8  }
0xae: {  	[dreg:$0x4] =	wrdreg $0xC0  }
0xaf: {  	_ =	task [dreg:s11], $0x5FFFF  }
0xb0: {  	[dreg:$0x1] =	wrdreg $0xFFFFFFFF  }
0xb1: {  	[dreg:$0x0] =	wrdreg $0x60  }
0xb2: {  	[dreg:$0x2] =	wrdreg s2  }
0xb3: {  	[dreg:$0x3] =	wrdreg s19  }
0xb4: {  	[dreg:$0x4] =	wrdreg s4  }
0xb5: {  	[dreg:$0x5] =	wrdreg s5  }
0xb6: {  	[dreg:$0x6] =	wrdreg s6  }
0xb7: {  	[dreg:$0x7] =	wrdreg $0x9  }
0xb8: {  	_ =	task.clear_ibuf [dreg:s11], $0x8FFFF;
	_ =	strace $0x90000046  }
0xb9: {  	s29 =	simm.s32 $0x9;
	_ =	strace $0x80000048  }
0xba: {  	_ =	swait.ge [sflag:s29], $0x1  }
0xbb: {  	[sflag:s29] =	ssyncadd.s32 $0xFFFFFFFF  }
0xbc: {  	_ =	strace $0x90000048  }
0xbd: {  	_ =	sfence  }
0xbe: {  	s30 =	sld [smem:$0x0];
	_ =	sdelay $0x2  }
0xbf: {  	s31 =	sshll.u32 s1, $0xD;
	s1 =	sshrl.u32 s1, $0x2  }
0xc0: {  	s3 =	sand.u32 $0x4000, s31;
	s1 =	sadd.s32 s1, s30  }
0xc1: {  	s0 =	sor.u32 s3, s0;
	s1 =	sshll.u32 s1, $0x11  }
0xc2: {  	s0 =	sor.u32 s1, s0  }
0xc3: {  	s0 =	sadd.s32 $0x8F2B, s0  }
0xc4: {  	[sflag:s0] =	ssyncadd.remote.s32 $0x1  }
0xc5: {  	_ =	sfence.sel $0xFFFF  }
0xc6: {  	[dreg:$0x0] =	wrdreg $0xFFFFFFFF;
	(pc) =	sbr.abs _section_cstart, $3  }
0xc7: {  	[dreg:$0x1] =	wrdreg $0xFFFFFFFF  }
0xc8: {  	_ =	task.clear_ibuf [dreg:s11], $0x2FFFF;
	_ =	strace $0x9FFFFFFF  }
0xc9: {  	(tm) =	ssettm $0x7FFFFFFF  }
tec
execute0_lowered:
.L_overlay_start_1:
0x0: {  	(tag) =	ssettag $0x1  }
0x1: {  	s0 =	rddreg [dreg:$0x0]  }
0x2: {  	s3 =	rddreg [dreg:$0x1]  }
0x3: {  	s1 =	rddreg [dreg:$0x2]  }
0x4: {  	s2 =	rddreg [dreg:$0x3]  }
0x5: {  	s5 =	rddreg [dreg:$0x4];
	s4 =	simm.s32 $0x0;
	s6 =	srdreg.scid  }
0x6: {  	s8 =	stileid.u32;
	s29 =	simm.s32 $0x1;
	s6 =	sand.u32 $0x1, s6  }
0x7: {  	s8 =	sshll.u32 s8, $0x7;
	s7 =	ssub.s32 $0x2, s6;
	s6 =	sshll.u32 s6, $0x6  }
0x8: {  	s30 =	simm.s32 $0x2;
	[smem:$0x7FF] =	sst s4;
	s6 =	sor.u32 s6, s8  }
0x9: {  	s31 =	simm.s32 $0x40;
	_ =	strace $0x80000047;
	s8 =	sadd.s32 s0, s6  }
0xa: {  	s14 =	sor.u32 $0x8, s6;
	s15 =	sadd.s32 s3, s6;
	[dreg:$0xa] =	wrdreg s8  }
0xb: {  	s9 =	sshrl.u32 s7, $0x1;
	[dreg:$0xb] =	wrdreg s15;
	s16 =	sadd.s32 s0, s14  }
0xc: {  	s17 =	sor.u32 $0x10, s6;
	s8 =	sadd.s32 s3, s14;
	[dreg:$0xc] =	wrdreg s16  }
0xd: {  	s7 =	ssub.s32 s7, s9;
	s18 =	sadd.s32 s0, s17;
	[dreg:$0xd] =	wrdreg s8  }
0xe: {  	s19 =	sor.u32 $0x18, s6;
	s9 =	sadd.s32 s3, s17;
	[dreg:$0xe] =	wrdreg s18  }
0xf: {  	s21 =	sor.u32 $0x20, s6;
	s20 =	sadd.s32 s0, s19;
	[dreg:$0xf] =	wrdreg s9  }
0x10: {  	v0 =	vlaneseq.u32;
	s23 =	sor.u32 $0x28, s6;
	s22 =	sadd.s32 s0, s21;
	[dreg:$0x10] =	wrdreg s20  }
0x11: {  	v0 =	vmul.u32 $0x11, v0;
	s25 =	sor.u32 $0x30, s6;
	s24 =	sadd.s32 s0, s23;
	[dreg:$0x12] =	wrdreg s22  }
0x12: {  	s28 =	sor.u32 $0x38, s6;
	s26 =	sadd.s32 s0, s25;
	[dreg:$0x14] =	wrdreg s24  }
0x13: {  	v1 =	vadd.s32 $0x1, v0;
	v2 =	vadd.s32 $0x2, v0;
	v3 =	vadd.s32 $0x3, v0;
	s8 =	sadd.s32 s3, s19;
	s9 =	sadd.s32 s3, s21;
	[dreg:$0x16] =	wrdreg s26  }
0x14: {  	v4 =	vadd.s32 $0x4, v0;
	v5 =	vadd.s32 $0x5, v0;
	v6 =	vadd.s32 $0x6, v0;
	s18 =	sadd.s32 s3, s25;
	s19 =	sadd.s32 s0, s28;
	s20 =	sadd.s32 s3, s28  }
0x15: {  	v7 =	vadd.s32 $0x7, v0;
	v8 =	vadd.s32 $0x8, v0;
	v9 =	vadd.s32 $0x9, v0;
	s21 =	sadd.s32 s5, s6;
	s22 =	smax.u32 s7, $0x1;
	[dreg:$0x11] =	wrdreg s8  }
0x16: {  	v10 =	vadd.s32 $0xA, v0;
	v11 =	vadd.s32 $0xB, v0;
	v12 =	vadd.s32 $0xC, v0;
	s0 =	simm.s32 $0xCA00;
	[dreg:$0x13] =	wrdreg s9;
	s8 =	sadd.s32 s3, s23  }
0x17: {  	v13 =	vadd.s32 $0xD, v0;
	v14 =	vadd.s32 $0xE, v0;
	v15 =	vadd.s32 $0xF, v0;
	s5 =	simm.s32 $0x0;
	s3 =	simm.s32 $0x9;
	[dreg:$0x15] =	wrdreg s8  }
.LBB2_1:
0x18: {  	s6 =	rddreg [dreg:$0xa]  }
0x19: {  	[tilespmem:s4], [sflag:$0x1] =	stream.linear.gather [hbm4b:s6+s4], $0x40, $0x38;
	[tilespmem:$0xCB80] =	vst v63  }
0x1a: {  	s17 =	rddreg [dreg:$0xb];
	s7 =	simm.s32 $0x400  }
0x1b: {  	[tilespmem:s7], [sflag:$0x2] =	stream.linear.gather [hbm4b:s17+s4], $0x40, $0x38;
	[tilespmem:$0xCB80] =	vst v63  }
0x1c: {  	s23 =	rddreg [dreg:$0xc];
	s8 =	simm.s32 $0x80  }
0x1d: {  	[tilespmem:s8], [sflag:$0x1] =	stream.linear.gather [hbm4b:s23+s4], $0x40, $0x38;
	[tilespmem:$0xCB80] =	vst v63  }
0x1e: {  	s24 =	rddreg [dreg:$0xd];
	s9 =	simm.s32 $0x480  }
0x1f: {  	[tilespmem:s9], [sflag:$0x2] =	stream.linear.gather [hbm4b:s24+s4], $0x40, $0x38;
	[tilespmem:$0xCB80] =	vst v63  }
0x20: {  	s25 =	rddreg [dreg:$0xe];
	s10 =	simm.s32 $0x100  }
0x21: {  	[tilespmem:s10], [sflag:$0x1] =	stream.linear.gather [hbm4b:s25+s4], $0x40, $0x38;
	[tilespmem:$0xCB80] =	vst v63  }
0x22: {  	s26 =	rddreg [dreg:$0xf];
	s11 =	simm.s32 $0x500  }
0x23: {  	[tilespmem:s11], [sflag:$0x2] =	stream.linear.gather [hbm4b:s26+s4], $0x40, $0x38;
	[tilespmem:$0xCB80] =	vst v63  }
0x24: {  	s28 =	rddreg [dreg:$0x10];
	s12 =	simm.s32 $0x180  }
0x25: {  	[tilespmem:s12], [sflag:$0x1] =	stream.linear.gather [hbm4b:s28+s4], $0x40, $0x38;
	[tilespmem:$0xCB80] =	vst v63  }
0x26: {  	s13 =	rddreg [dreg:$0x11];
	s14 =	simm.s32 $0x580  }
0x27: {  	[tilespmem:s14], [sflag:$0x2] =	stream.linear.gather [hbm4b:s13+s4], $0x40, $0x38;
	[tilespmem:$0xCB80] =	vst v63  }
0x28: {  	s15 =	rddreg [dreg:$0x12];
	s16 =	simm.s32 $0x200  }
0x29: {  	[tilespmem:s16], [sflag:$0x1] =	stream.linear.gather [hbm4b:s15+s4], $0x40, $0x38;
	[tilespmem:$0xCB80] =	vst v63  }
0x2a: {  	s17 =	rddreg [dreg:$0x13];
	s23 =	simm.s32 $0x600  }
0x2b: {  	[tilespmem:s23], [sflag:$0x2] =	stream.linear.gather [hbm4b:s17+s4], $0x40, $0x38;
	[tilespmem:$0xCB80] =	vst v63  }
0x2c: {  	s24 =	rddreg [dreg:$0x14];
	s25 =	simm.s32 $0x280  }
0x2d: {  	[tilespmem:s25], [sflag:$0x1] =	stream.linear.gather [hbm4b:s24+s4], $0x40, $0x38;
	[tilespmem:$0xCB80] =	vst v63  }
0x2e: {  	s26 =	rddreg [dreg:$0x15];
	s28 =	simm.s32 $0x680  }
0x2f: {  	[tilespmem:s28], [sflag:$0x2] =	stream.linear.gather [hbm4b:s26+s4], $0x40, $0x38;
	[tilespmem:$0xCB80] =	vst v63  }
0x30: {  	s12 =	rddreg [dreg:$0x16];
	s13 =	simm.s32 $0x300  }
0x31: {  	[tilespmem:s13], [sflag:$0x1] =	stream.linear.gather [hbm4b:s12+s4], $0x40, $0x38;
	[tilespmem:$0xCB80] =	vst v63  }
0x32: {  	s14 =	simm.s32 $0x700  }
0x33: {  	[tilespmem:s14], [sflag:$0x2] =	stream.linear.gather [hbm4b:s18+s4], $0x40, $0x38;
	[tilespmem:$0xCB80] =	vst v63  }
0x34: {  	s15 =	simm.s32 $0x380  }
0x35: {  	[tilespmem:s15], [sflag:$0x1] =	stream.linear.gather [hbm4b:s19+s4], $0x40, $0x38;
	[tilespmem:$0xCB80] =	vst v63  }
0x36: {  	s16 =	simm.s32 $0x780  }
0x37: {  	[tilespmem:s16], [sflag:$0x2] =	stream.linear.gather [hbm4b:s20+s4], $0x40, $0x38;
	[tilespmem:$0xCB80] =	vst v63  }
0x38: {  	_ =	swait.ge [sflag:s29], $0x40  }
0x39: {  	[sflag:s29] =	ssyncset.done $0x0  }
0x3a: {  	[sflag:s29] =	ssyncadd.s32 $0xFFFFFFC0  }
0x3b: {  	_ =	swait.ge [sflag:s30], $0x40  }
0x3c: {  	[sflag:s30] =	ssyncset.done $0x0  }
0x3d: {  	[sflag:s30] =	ssyncadd.s32 $0xFFFFFFC0  }
0x3e: {  	_ =	swait.ge [sflag:s29], $0x40  }
0x3f: {  	[sflag:s29] =	ssyncset.done $0x0  }
0x40: {  	[sflag:s29] =	ssyncadd.s32 $0xFFFFFFC0  }
0x41: {  	_ =	swait.ge [sflag:s30], $0x40  }
0x42: {  	[sflag:s30] =	ssyncset.done $0x0  }
0x43: {  	[sflag:s30] =	ssyncadd.s32 $0xFFFFFFC0  }
0x44: {  	_ =	swait.ge [sflag:s29], $0x40  }
0x45: {  	[sflag:s29] =	ssyncset.done $0x0  }
0x46: {  	[sflag:s29] =	ssyncadd.s32 $0xFFFFFFC0  }
0x47: {  	_ =	swait.ge [sflag:s30], $0x40  }
0x48: {  	[sflag:s30] =	ssyncset.done $0x0  }
0x49: {  	[sflag:s30] =	ssyncadd.s32 $0xFFFFFFC0  }
0x4a: {  	_ =	swait.ge [sflag:s29], $0x40  }
0x4b: {  	[sflag:s29] =	ssyncset.done $0x0  }
0x4c: {  	[sflag:s29] =	ssyncadd.s32 $0xFFFFFFC0  }
0x4d: {  	_ =	swait.ge [sflag:s30], $0x40  }
0x4e: {  	[sflag:s30] =	ssyncset.done $0x0  }
0x4f: {  	[sflag:s30] =	ssyncadd.s32 $0xFFFFFFC0  }
0x50: {  	_ =	swait.ge [sflag:s29], $0x40  }
0x51: {  	[sflag:s29] =	ssyncset.done $0x0  }
0x52: {  	[sflag:s29] =	ssyncadd.s32 $0xFFFFFFC0  }
0x53: {  	_ =	swait.ge [sflag:s30], $0x40  }
0x54: {  	[sflag:s30] =	ssyncset.done $0x0  }
0x55: {  	[sflag:s30] =	ssyncadd.s32 $0xFFFFFFC0  }
0x56: {  	_ =	swait.ge [sflag:s29], $0x40  }
0x57: {  	[sflag:s29] =	ssyncset.done $0x0  }
0x58: {  	[sflag:s29] =	ssyncadd.s32 $0xFFFFFFC0  }
0x59: {  	_ =	swait.ge [sflag:s30], $0x40  }
0x5a: {  	[sflag:s30] =	ssyncset.done $0x0  }
0x5b: {  	[sflag:s30] =	ssyncadd.s32 $0xFFFFFFC0  }
0x5c: {  	_ =	swait.ge [sflag:s29], $0x40  }
0x5d: {  	[sflag:s29] =	ssyncset.done $0x0  }
0x5e: {  	[sflag:s29] =	ssyncadd.s32 $0xFFFFFFC0  }
0x5f: {  	_ =	swait.ge [sflag:s30], $0x40  }
0x60: {  	[sflag:s30] =	ssyncset.done $0x0  }
0x61: {  	[sflag:s30] =	ssyncadd.s32 $0xFFFFFFC0  }
0x62: {  	_ =	swait.ge [sflag:s29], $0x40  }
0x63: {  	[sflag:s29] =	ssyncset.done $0x0  }
0x64: {  	[sflag:s29] =	ssyncadd.s32 $0xFFFFFFC0  }
0x65: {  	_ =	swait.ge [sflag:s30], $0x40  }
0x66: {  	[sflag:s30] =	ssyncset.done $0x0  }
0x67: {  	s17 =	simm.s32 $0x800;
	[sflag:s30] =	ssyncadd.s32 $0xFFFFFFC0  }
0x68: {  	[tilespmem:s17], [sflag:$0x3] =	stream.indirect.gather [hbm4b:s1+s31], $0x80, s4, s31, $0xb8;
	[tilespmem:$0xCB80] =	vst v63  }
0x69: {  	s23 =	simm.s32 $0x6800  }
0x6a: {  	[tilespmem:s23], [sflag:$0x4] =	stream.indirect.gather [hbm4b:s2+s31], $0x80, s7, s31, $0xb8;
	[tilespmem:$0xCB80] =	vst v63  }
0x6b: {  	s24 =	simm.s32 $0x2800  }
0x6c: {  	[tilespmem:s24], [sflag:$0x5] =	stream.indirect.gather [hbm4b:s1+s31], $0x80, s8, s31, $0xb8;
	[tilespmem:$0xCB80] =	vst v63  }
0x6d: {  	s25 =	simm.s32 $0x8800  }
0x6e: {  	[tilespmem:s25], [sflag:$0x6] =	stream.indirect.gather [hbm4b:s2+s31], $0x80, s9, s31, $0xb8;
	[tilespmem:$0xCB80] =	vst v63  }
0x6f: {  	s26 =	simm.s32 $0x4800  }
0x70: {  	[tilespmem:s26], [sflag:$0x7] =	stream.indirect.gather [hbm4b:s1+s31], $0x80, s10, s31, $0xb8;
	[tilespmem:$0xCB80] =	vst v63  }
0x71: {  	s6 =	simm.s32 $0x0;
	s28 =	simm.s32 $0xA800  }
0x72: {  	[tilespmem:s28], [sflag:$0x8] =	stream.indirect.gather [hbm4b:s2+s31], $0x80, s11, s31, $0xb8;
	[tilespmem:$0xCB80] =	vst v63  }
.LBB2_2:
0x73: {  	s7 =	smul.u32 $0xAB, s6;
	_ =	sdelay $0x1  }
0x74: {  	s7 =	sshrl.u32 s7, $0x9  }
0x75: {  	s7 =	sand.u32 $0x7F, s7  }
0x76: {  	s7 =	smul.u32 $0x3, s7;
	_ =	sdelay $0x1  }
0x77: {  	s7 =	ssub.s32 s6, s7  }
0x78: {  	s8 =	sand.u32 $0xFF, s7  }
0x79: {  	s14 =	sshll.u32 s6, $0x6;
	s16 =	simm.s32 $0x0;
	p2 =	seq.s32 s8, $0x0  }
0x7a: {  	s15 =	sand.u32 $0x3FFFFFC0, s14;
	s8 =	sshll.u32 s8, $0xD;
	s9 =	sand.u32 @!p2 $0xFF, s7  }
0x7b: {  	s10 =	simm.s32 @!p2 $0x5;
	s11 =	simm.s32 @!p2 $0x6;
	p3 =	seq.s32 @!p2 s9, $0x1  }
0x7c: {  	s24 =	sor.u32 $0x80, s8;
	s25 =	sor.u32 $0x100, s8;
	p0 =	por !p3, p2  }
0x7d: {  	s26 =	sor.u32 $0x180, s8;
	s28 =	sor.u32 $0x200, s8;
	s10 =	simm.s32 @p0 $0x7  }
0x7e: {  	s12 =	sor.u32 $0x400, s8;
	s13 =	sor.u32 $0x480, s8;
	s10 =	simm.s32 @p2 $0x3  }
0x7f: {  	s23 =	sor.u32 $0x500, s8;
	s14 =	sor.u32 $0x600, s8;
	_ =	swait.ge [sflag:s10], $0x2000  }
0x80: {  	p1 =	sne.s32 @!p2 s9, $0x1;
	s11 =	simm.s32 @p0 $0x8;
	[sflag:s10] =	ssyncset.done $0x0  }
0x81: {  	s9 =	sor.u32 $0x280, s8;
	s11 =	simm.s32 @p2 $0x4;
	[sflag:s10] =	ssyncadd.s32 $0xFFFFE000  }
0x82: {  	p0 =	por $0x0, $0x0;
	_ =	swait.ge [sflag:s11], $0x2000;
	[dreg:$0x6] =	wrdreg s24  }
0x83: {  	p0 =	por @!p2 p1, p1;
	p1 =	por $0x0, $0x0;
	[dreg:$0x7] =	wrdreg s25  }
0x84: {  	p1 =	por @!p2 p3, p3;
	s10 =	sor.u32 $0x300, s8;
	[dreg:$0x8] =	wrdreg s26  }
0x85: {  	[dreg:$0x9] =	wrdreg s28;
	s24 =	sor.u32 $0x580, s8;
	s25 =	sor.u32 $0x680, s8  }
0x86: {  	s28 =	sadd.s32 $0xC800, s15;
	s15 =	sor.u32 $0x700, s8;
	[sflag:s11] =	ssyncset.done $0x0  }
0x87: {  	s26 =	sor.u32 $0x780, s8;
	v16 =	vmov s28;
	[sflag:s11] =	ssyncadd.s32 $0xFFFFE000;
	s11 =	sor.u32 $0x380, s8  }
.LBB2_3:
0x88: {  	s28 =	sshll.u32 s16, $0xB  }
0x89: {  	s17 =	sor.u32 s8, s28  }
0x8a: {  	v17 =	vld [tilespmem:s17+$0x800]  }
0x8b: {  	v18 =	vld [tilespmem:s17+$0x6800]  }
0x8c: {  	v19 =	vld [tilespmem:s17+$0x810]  }
0x8d: {  	v20 =	vld [tilespmem:s17+$0x6810]  }
0x8e: {  	v21 =	vld [tilespmem:s17+$0x820]  }
0x8f: {  	v22 =	vld [tilespmem:s17+$0x6820]  }
0x90: {  	v23 =	vld [tilespmem:s17+$0x830]  }
0x91: {  	v24 =	vld [tilespmem:s17+$0x6830]  }
0x92: {  	v62 =	vld [tilespmem:s17+$0x6840];
	v17 =	vmul.f32 v18, v17;
	v18 =	vmul.f32 v20, v19  }
0x93: {  	v19 =	vld [tilespmem:s17+$0x840]  }
0x94: {  	v63 =	vld [tilespmem:s17+$0x850];
	v17 =	vadd.f32 v18, v17;
	v18 =	vmul.f32 v22, v21  }
0x95: {  	v28 =	vld [tilespmem:s17+$0x6850]  }
0x96: {  	v29 =	vld [tilespmem:s17+$0x860];
	v17 =	vadd.f32 v18, v17;
	v18 =	vmul.f32 v24, v23  }
0x97: {  	v30 =	vld [tilespmem:s17+$0x6860]  }
0x98: {  	v31 =	vld [tilespmem:s17+$0x6870];
	v17 =	vadd.f32 v18, v17;
	v18 =	vmul.f32 v62, v19  }
0x99: {  	v19 =	vld [tilespmem:s17+$0x870]  }
0x9a: {  	v17 =	vadd.f32 v18, v17;
	v18 =	vmul.f32 v28, v63;
	_ =	sdelay $0x1  }
0x9b: {  	v17 =	vadd.f32 v18, v17;
	v18 =	vmul.f32 v30, v29;
	_ =	sdelay $0x1  }
0x9c: {  	v17 =	vadd.f32 v18, v17;
	v18 =	vmul.f32 v31, v19;
	_ =	sdelay $0x1  }
0x9d: {  	v17 =	vadd.f32 v18, v17  }
0x9e: {  	s17 =	rddreg [dreg:$0x6]  }
0x9f: {  	s17 =	sor.u32 s17, s28;
	[tilespmem:$0xCA00] =	vst v17  }
0xa0: {  	v17 =	vld [tilespmem:s17+$0x800]  }
0xa1: {  	v18 =	vld [tilespmem:s17+$0x6800]  }
0xa2: {  	v19 =	vld [tilespmem:s17+$0x810]  }
0xa3: {  	v32 =	vld [tilespmem:s17+$0x6810]  }
0xa4: {  	v33 =	vld [tilespmem:s17+$0x820]  }
0xa5: {  	v34 =	vld [tilespmem:s17+$0x6820]  }
0xa6: {  	v35 =	vld [tilespmem:s17+$0x830]  }
0xa7: {  	v36 =	vld [tilespmem:s17+$0x6830]  }
0xa8: {  	v37 =	vld [tilespmem:s17+$0x6840];
	v17 =	vmul.f32 v18, v17;
	v18 =	vmul.f32 v32, v19  }
0xa9: {  	v19 =	vld [tilespmem:s17+$0x840]  }
0xaa: {  	v38 =	vld [tilespmem:s17+$0x850];
	v17 =	vadd.f32 v18, v17;
	v18 =	vmul.f32 v34, v33  }
0xab: {  	v39 =	vld [tilespmem:s17+$0x6850]  }
0xac: {  	v40 =	vld [tilespmem:s17+$0x860];
	v17 =	vadd.f32 v18, v17;
	v18 =	vmul.f32 v36, v35  }
0xad: {  	v41 =	vld [tilespmem:s17+$0x6860]  }
0xae: {  	v42 =	vld [tilespmem:s17+$0x6870];
	v17 =	vadd.f32 v18, v17;
	v18 =	vmul.f32 v37, v19  }
0xaf: {  	v19 =	vld [tilespmem:s17+$0x870]  }
0xb0: {  	v17 =	vadd.f32 v18, v17;
	v18 =	vmul.f32 v39, v38;
	_ =	sdelay $0x1  }
0xb1: {  	v17 =	vadd.f32 v18, v17;
	v18 =	vmul.f32 v41, v40;
	_ =	sdelay $0x1  }
0xb2: {  	v17 =	vadd.f32 v18, v17;
	v18 =	vmul.f32 v42, v19;
	_ =	sdelay $0x1  }
0xb3: {  	v17 =	vadd.f32 v18, v17  }
0xb4: {  	s17 =	rddreg [dreg:$0x7]  }
0xb5: {  	s17 =	sor.u32 s17, s28;
	[tilespmem:$0xCA11] =	vst v17  }
0xb6: {  	v17 =	vld [tilespmem:s17+$0x800]  }
0xb7: {  	v18 =	vld [tilespmem:s17+$0x6800]  }
0xb8: {  	v19 =	vld [tilespmem:s17+$0x810]  }
0xb9: {  	v43 =	vld [tilespmem:s17+$0x6810]  }
0xba: {  	v44 =	vld [tilespmem:s17+$0x820]  }
0xbb: {  	v45 =	vld [tilespmem:s17+$0x6820]  }
0xbc: {  	v46 =	vld [tilespmem:s17+$0x830]  }
0xbd: {  	v47 =	vld [tilespmem:s17+$0x6830]  }
0xbe: {  	v48 =	vld [tilespmem:s17+$0x6840];
	v17 =	vmul.f32 v18, v17;
	v18 =	vmul.f32 v43, v19  }
0xbf: {  	v19 =	vld [tilespmem:s17+$0x840]  }
0xc0: {  	v49 =	vld [tilespmem:s17+$0x850];
	v17 =	vadd.f32 v18, v17;
	v18 =	vmul.f32 v45, v44  }
0xc1: {  	v50 =	vld [tilespmem:s17+$0x6850]  }
0xc2: {  	v51 =	vld [tilespmem:s17+$0x860];
	v17 =	vadd.f32 v18, v17;
	v18 =	vmul.f32 v47, v46  }
0xc3: {  	v52 =	vld [tilespmem:s17+$0x6860]  }
0xc4: {  	v53 =	vld [tilespmem:s17+$0x6870];
	v17 =	vadd.f32 v18, v17;
	v18 =	vmul.f32 v48, v19  }
0xc5: {  	v19 =	vld [tilespmem:s17+$0x870]  }
0xc6: {  	v17 =	vadd.f32 v18, v17;
	v18 =	vmul.f32 v50, v49;
	_ =	sdelay $0x1  }
0xc7: {  	v17 =	vadd.f32 v18, v17;
	v18 =	vmul.f32 v52, v51;
	_ =	sdelay $0x1  }
0xc8: {  	v17 =	vadd.f32 v18, v17;
	v18 =	vmul.f32 v53, v19;
	_ =	sdelay $0x1  }
0xc9: {  	v17 =	vadd.f32 v18, v17  }
0xca: {  	s17 =	rddreg [dreg:$0x8]  }
0xcb: {  	s17 =	sor.u32 s17, s28;
	[tilespmem:$0xCA22] =	vst v17  }
0xcc: {  	v17 =	vld [tilespmem:s17+$0x800]  }
0xcd: {  	v18 =	vld [tilespmem:s17+$0x6800]  }
0xce: {  	v19 =	vld [tilespmem:s17+$0x810]  }
0xcf: {  	v54 =	vld [tilespmem:s17+$0x6810]  }
0xd0: {  	v55 =	vld [tilespmem:s17+$0x820]  }
0xd1: {  	v56 =	vld [tilespmem:s17+$0x6820]  }
0xd2: {  	v57 =	vld [tilespmem:s17+$0x830]  }
0xd3: {  	v58 =	vld [tilespmem:s17+$0x6830]  }
0xd4: {  	v59 =	vld [tilespmem:s17+$0x6840];
	v17 =	vmul.f32 v18, v17;
	v18 =	vmul.f32 v54, v19  }
0xd5: {  	v19 =	vld [tilespmem:s17+$0x840]  }
0xd6: {  	v60 =	vld [tilespmem:s17+$0x850];
	v17 =	vadd.f32 v18, v17;
	v18 =	vmul.f32 v56, v55  }
0xd7: {  	v61 =	vld [tilespmem:s17+$0x6850]  }
0xd8: {  	v62 =	vld [tilespmem:s17+$0x860];
	v17 =	vadd.f32 v18, v17;
	v18 =	vmul.f32 v58, v57  }
0xd9: {  	v63 =	vld [tilespmem:s17+$0x6860]  }
0xda: {  	v28 =	vld [tilespmem:s17+$0x6870];
	v17 =	vadd.f32 v18, v17;
	v18 =	vmul.f32 v59, v19  }
0xdb: {  	v19 =	vld [tilespmem:s17+$0x870]  }
0xdc: {  	v17 =	vadd.f32 v18, v17;
	v18 =	vmul.f32 v61, v60;
	_ =	sdelay $0x1  }
0xdd: {  	v17 =	vadd.f32 v18, v17;
	v18 =	vmul.f32 v63, v62;
	_ =	sdelay $0x1  }
0xde: {  	v17 =	vadd.f32 v18, v17;
	v18 =	vmul.f32 v28, v19;
	_ =	sdelay $0x1  }
0xdf: {  	v17 =	vadd.f32 v18, v17  }
0xe0: {  	s17 =	rddreg [dreg:$0x9]  }
0xe1: {  	s17 =	sor.u32 s17, s28;
	[tilespmem:$0xCA33] =	vst v17  }
0xe2: {  	v17 =	vld [tilespmem:s17+$0x800]  }
0xe3: {  	v18 =	vld [tilespmem:s17+$0x6800]  }
0xe4: {  	v19 =	vld [tilespmem:s17+$0x810]  }
0xe5: {  	v29 =	vld [tilespmem:s17+$0x6810]  }
0xe6: {  	v30 =	vld [tilespmem:s17+$0x820]  }
0xe7: {  	v31 =	vld [tilespmem:s17+$0x6820]  }
0xe8: {  	v32 =	vld [tilespmem:s17+$0x830]  }
0xe9: {  	v33 =	vld [tilespmem:s17+$0x6830]  }
0xea: {  	v34 =	vld [tilespmem:s17+$0x6840];
	v17 =	vmul.f32 v18, v17;
	v18 =	vmul.f32 v29, v19  }
0xeb: {  	v19 =	vld [tilespmem:s17+$0x840]  }
0xec: {  	v35 =	vld [tilespmem:s17+$0x850];
	v17 =	vadd.f32 v18, v17;
	v18 =	vmul.f32 v31, v30  }
0xed: {  	v36 =	vld [tilespmem:s17+$0x6850]  }
0xee: {  	v37 =	vld [tilespmem:s17+$0x860];
	v17 =	vadd.f32 v18, v17;
	v18 =	vmul.f32 v33, v32  }
0xef: {  	v38 =	vld [tilespmem:s17+$0x6860]  }
0xf0: {  	v39 =	vld [tilespmem:s17+$0x6870];
	v17 =	vadd.f32 v18, v17;
	v18 =	vmul.f32 v34, v19  }
0xf1: {  	v19 =	vld [tilespmem:s17+$0x870]  }
0xf2: {  	v17 =	vadd.f32 v18, v17;
	v18 =	vmul.f32 v36, v35;
	_ =	sdelay $0x1  }
0xf3: {  	v17 =	vadd.f32 v18, v17;
	v18 =	vmul.f32 v38, v37;
	_ =	sdelay $0x1  }
0xf4: {  	v17 =	vadd.f32 v18, v17;
	v18 =	vmul.f32 v39, v19;
	_ =	sdelay $0x1  }
0xf5: {  	v17 =	vadd.f32 v18, v17;
	_ =	sdelay $0x1  }
0xf6: {  	s17 =	sor.u32 s9, s28;
	[tilespmem:$0xCA44] =	vst v17  }
0xf7: {  	v17 =	vld [tilespmem:s17+$0x800]  }
0xf8: {  	v18 =	vld [tilespmem:s17+$0x6800]  }
0xf9: {  	v19 =	vld [tilespmem:s17+$0x810]  }
0xfa: {  	v40 =	vld [tilespmem:s17+$0x6810]  }
0xfb: {  	v41 =	vld [tilespmem:s17+$0x820]  }
0xfc: {  	v42 =	vld [tilespmem:s17+$0x6820]  }
0xfd: {  	v43 =	vld [tilespmem:s17+$0x830]  }
0xfe: {  	v44 =	vld [tilespmem:s17+$0x6830]  }
0xff: {  	v45 =	vld [tilespmem:s17+$0x6840];
	v17 =	vmul.f32 v18, v17;
	v18 =	vmul.f32 v40, v19  }
0x100: {  	v19 =	vld [tilespmem:s17+$0x840]  }
0x101: {  	v46 =	vld [tilespmem:s17+$0x850];
	v17 =	vadd.f32 v18, v17;
	v18 =	vmul.f32 v42, v41  }
0x102: {  	v47 =	vld [tilespmem:s17+$0x6850]  }
0x103: {  	v48 =	vld [tilespmem:s17+$0x860];
	v17 =	vadd.f32 v18, v17;
	v18 =	vmul.f32 v44, v43  }
0x104: {  	v49 =	vld [tilespmem:s17+$0x6860]  }
0x105: {  	v50 =	vld [tilespmem:s17+$0x6870];
	v17 =	vadd.f32 v18, v17;
	v18 =	vmul.f32 v45, v19  }
0x106: {  	v19 =	vld [tilespmem:s17+$0x870]  }
0x107: {  	v17 =	vadd.f32 v18, v17;
	v18 =	vmul.f32 v47, v46;
	_ =	sdelay $0x1  }
0x108: {  	v17 =	vadd.f32 v18, v17;
	v18 =	vmul.f32 v49, v48;
	_ =	sdelay $0x1  }
0x109: {  	v17 =	vadd.f32 v18, v17;
	v18 =	vmul.f32 v50, v19;
	_ =	sdelay $0x1  }
0x10a: {  	v17 =	vadd.f32 v18, v17;
	_ =	sdelay $0x1  }
0x10b: {  	s17 =	sor.u32 s10, s28;
	[tilespmem:$0xCA55] =	vst v17  }
0x10c: {  	v17 =	vld [tilespmem:s17+$0x800]  }
0x10d: {  	v18 =	vld [tilespmem:s17+$0x6800]  }
0x10e: {  	v19 =	vld [tilespmem:s17+$0x810]  }
0x10f: {  	v51 =	vld [tilespmem:s17+$0x6810]  }
0x110: {  	v52 =	vld [tilespmem:s17+$0x820]  }
0x111: {  	v53 =	vld [tilespmem:s17+$0x6820]  }
0x112: {  	v54 =	vld [tilespmem:s17+$0x830]  }
0x113: {  	v55 =	vld [tilespmem:s17+$0x6830]  }
0x114: {  	v56 =	vld [tilespmem:s17+$0x6840];
	v17 =	vmul.f32 v18, v17;
	v18 =	vmul.f32 v51, v19  }
0x115: {  	v19 =	vld [tilespmem:s17+$0x840]  }
0x116: {  	v57 =	vld [tilespmem:s17+$0x850];
	v17 =	vadd.f32 v18, v17;
	v18 =	vmul.f32 v53, v52  }
0x117: {  	v58 =	vld [tilespmem:s17+$0x6850]  }
0x118: {  	v59 =	vld [tilespmem:s17+$0x860];
	v17 =	vadd.f32 v18, v17;
	v18 =	vmul.f32 v55, v54  }
0x119: {  	v60 =	vld [tilespmem:s17+$0x6860]  }
0x11a: {  	v61 =	vld [tilespmem:s17+$0x6870];
	v17 =	vadd.f32 v18, v17;
	v18 =	vmul.f32 v56, v19  }
0x11b: {  	v19 =	vld [tilespmem:s17+$0x870]  }
0x11c: {  	v17 =	vadd.f32 v18, v17;
	v18 =	vmul.f32 v58, v57;
	_ =	sdelay $0x1  }
0x11d: {  	v17 =	vadd.f32 v18, v17;
	v18 =	vmul.f32 v60, v59;
	_ =	sdelay $0x1  }
0x11e: {  	v17 =	vadd.f32 v18, v17;
	v18 =	vmul.f32 v61, v19;
	_ =	sdelay $0x1  }
0x11f: {  	v17 =	vadd.f32 v18, v17;
	_ =	sdelay $0x1  }
0x120: {  	s17 =	sor.u32 s11, s28;
	[tilespmem:$0xCA66] =	vst v17  }
0x121: {  	v17 =	vld [tilespmem:s17+$0x800]  }
0x122: {  	v18 =	vld [tilespmem:s17+$0x6800]  }
0x123: {  	v19 =	vld [tilespmem:s17+$0x810]  }
0x124: {  	v62 =	vld [tilespmem:s17+$0x6810]  }
0x125: {  	v63 =	vld [tilespmem:s17+$0x820]  }
0x126: {  	v28 =	vld [tilespmem:s17+$0x6820]  }
0x127: {  	v29 =	vld [tilespmem:s17+$0x830]  }
0x128: {  	v30 =	vld [tilespmem:s17+$0x6830]  }
0x129: {  	v31 =	vld [tilespmem:s17+$0x6840];
	v17 =	vmul.f32 v18, v17;
	v18 =	vmul.f32 v62, v19  }
0x12a: {  	v19 =	vld [tilespmem:s17+$0x840]  }
0x12b: {  	v32 =	vld [tilespmem:s17+$0x850];
	v17 =	vadd.f32 v18, v17;
	v18 =	vmul.f32 v28, v63  }
0x12c: {  	v33 =	vld [tilespmem:s17+$0x6850]  }
0x12d: {  	v34 =	vld [tilespmem:s17+$0x860];
	v17 =	vadd.f32 v18, v17;
	v18 =	vmul.f32 v30, v29  }
0x12e: {  	v35 =	vld [tilespmem:s17+$0x6860]  }
0x12f: {  	v36 =	vld [tilespmem:s17+$0x6870];
	v17 =	vadd.f32 v18, v17;
	v18 =	vmul.f32 v31, v19  }
0x130: {  	v19 =	vld [tilespmem:s17+$0x870]  }
0x131: {  	v17 =	vadd.f32 v18, v17;
	v18 =	vmul.f32 v33, v32;
	_ =	sdelay $0x1  }
0x132: {  	v17 =	vadd.f32 v18, v17;
	v18 =	vmul.f32 v35, v34;
	_ =	sdelay $0x1  }
0x133: {  	v17 =	vadd.f32 v18, v17;
	v18 =	vmul.f32 v36, v19;
	_ =	sdelay $0x1  }
0x134: {  	v17 =	vadd.f32 v18, v17;
	_ =	sdelay $0x1  }
0x135: {  	s17 =	sor.u32 s12, s28;
	[tilespmem:$0xCA77] =	vst v17  }
0x136: {  	v17 =	vld [tilespmem:s17+$0x800]  }
0x137: {  	v18 =	vld [tilespmem:s17+$0x6800]  }
0x138: {  	v19 =	vld [tilespmem:s17+$0x810]  }
0x139: {  	v37 =	vld [tilespmem:s17+$0x6810]  }
0x13a: {  	v38 =	vld [tilespmem:s17+$0x820]  }
0x13b: {  	v39 =	vld [tilespmem:s17+$0x6820]  }
0x13c: {  	v40 =	vld [tilespmem:s17+$0x830]  }
0x13d: {  	v41 =	vld [tilespmem:s17+$0x6830]  }
0x13e: {  	v42 =	vld [tilespmem:s17+$0x6840];
	v17 =	vmul.f32 v18, v17;
	v18 =	vmul.f32 v37, v19  }
0x13f: {  	v19 =	vld [tilespmem:s17+$0x840]  }
0x140: {  	v43 =	vld [tilespmem:s17+$0x850];
	v17 =	vadd.f32 v18, v17;
	v18 =	vmul.f32 v39, v38  }
0x141: {  	v44 =	vld [tilespmem:s17+$0x6850]  }
0x142: {  	v45 =	vld [tilespmem:s17+$0x860];
	v17 =	vadd.f32 v18, v17;
	v18 =	vmul.f32 v41, v40  }
0x143: {  	v46 =	vld [tilespmem:s17+$0x6860]  }
0x144: {  	v47 =	vld [tilespmem:s17+$0x6870];
	v17 =	vadd.f32 v18, v17;
	v18 =	vmul.f32 v42, v19  }
0x145: {  	v19 =	vld [tilespmem:s17+$0x870]  }
0x146: {  	v17 =	vadd.f32 v18, v17;
	v18 =	vmul.f32 v44, v43;
	_ =	sdelay $0x1  }
0x147: {  	v17 =	vadd.f32 v18, v17;
	v18 =	vmul.f32 v46, v45;
	_ =	sdelay $0x1  }
0x148: {  	v17 =	vadd.f32 v18, v17;
	v18 =	vmul.f32 v47, v19;
	_ =	sdelay $0x1  }
0x149: {  	v17 =	vadd.f32 v18, v17;
	_ =	sdelay $0x1  }
0x14a: {  	s17 =	sor.u32 s13, s28;
	[tilespmem:$0xCA88] =	vst v17  }
0x14b: {  	v17 =	vld [tilespmem:s17+$0x800]  }
0x14c: {  	v18 =	vld [tilespmem:s17+$0x6800]  }
0x14d: {  	v19 =	vld [tilespmem:s17+$0x810]  }
0x14e: {  	v48 =	vld [tilespmem:s17+$0x6810]  }
0x14f: {  	v49 =	vld [tilespmem:s17+$0x820]  }
0x150: {  	v50 =	vld [tilespmem:s17+$0x6820]  }
0x151: {  	v51 =	vld [tilespmem:s17+$0x830]  }
0x152: {  	v52 =	vld [tilespmem:s17+$0x6830]  }
0x153: {  	v53 =	vld [tilespmem:s17+$0x6840];
	v17 =	vmul.f32 v18, v17;
	v18 =	vmul.f32 v48, v19  }
0x154: {  	v19 =	vld [tilespmem:s17+$0x840]  }
0x155: {  	v54 =	vld [tilespmem:s17+$0x850];
	v17 =	vadd.f32 v18, v17;
	v18 =	vmul.f32 v50, v49  }
0x156: {  	v55 =	vld [tilespmem:s17+$0x6850]  }
0x157: {  	v56 =	vld [tilespmem:s17+$0x860];
	v17 =	vadd.f32 v18, v17;
	v18 =	vmul.f32 v52, v51  }
0x158: {  	v57 =	vld [tilespmem:s17+$0x6860]  }
0x159: {  	v58 =	vld [tilespmem:s17+$0x6870];
	v17 =	vadd.f32 v18, v17;
	v18 =	vmul.f32 v53, v19  }
0x15a: {  	v19 =	vld [tilespmem:s17+$0x870]  }
0x15b: {  	v17 =	vadd.f32 v18, v17;
	v18 =	vmul.f32 v55, v54;
	_ =	sdelay $0x1  }
0x15c: {  	v17 =	vadd.f32 v18, v17;
	v18 =	vmul.f32 v57, v56;
	_ =	sdelay $0x1  }
0x15d: {  	v17 =	vadd.f32 v18, v17;
	v18 =	vmul.f32 v58, v19;
	_ =	sdelay $0x1  }
0x15e: {  	v17 =	vadd.f32 v18, v17;
	_ =	sdelay $0x1  }
0x15f: {  	s17 =	sor.u32 s23, s28;
	[tilespmem:$0xCA99] =	vst v17  }
0x160: {  	v17 =	vld [tilespmem:s17+$0x800]  }
0x161: {  	v18 =	vld [tilespmem:s17+$0x6800]  }
0x162: {  	v19 =	vld [tilespmem:s17+$0x810]  }
0x163: {  	v59 =	vld [tilespmem:s17+$0x6810]  }
0x164: {  	v60 =	vld [tilespmem:s17+$0x820]  }
0x165: {  	v61 =	vld [tilespmem:s17+$0x6820]  }
0x166: {  	v62 =	vld [tilespmem:s17+$0x830]  }
0x167: {  	v63 =	vld [tilespmem:s17+$0x6830]  }
0x168: {  	v28 =	vld [tilespmem:s17+$0x6840];
	v17 =	vmul.f32 v18, v17;
	v18 =	vmul.f32 v59, v19  }
0x169: {  	v19 =	vld [tilespmem:s17+$0x840]  }
0x16a: {  	v29 =	vld [tilespmem:s17+$0x850];
	v17 =	vadd.f32 v18, v17;
	v18 =	vmul.f32 v61, v60  }
0x16b: {  	v30 =	vld [tilespmem:s17+$0x6850]  }
0x16c: {  	v31 =	vld [tilespmem:s17+$0x860];
	v17 =	vadd.f32 v18, v17;
	v18 =	vmul.f32 v63, v62  }
0x16d: {  	v32 =	vld [tilespmem:s17+$0x6860]  }
0x16e: {  	v33 =	vld [tilespmem:s17+$0x6870];
	v17 =	vadd.f32 v18, v17;
	v18 =	vmul.f32 v28, v19  }
0x16f: {  	v19 =	vld [tilespmem:s17+$0x870]  }
0x170: {  	v17 =	vadd.f32 v18, v17;
	v18 =	vmul.f32 v30, v29;
	_ =	sdelay $0x1  }
0x171: {  	v17 =	vadd.f32 v18, v17;
	v18 =	vmul.f32 v32, v31;
	_ =	sdelay $0x1  }
0x172: {  	v17 =	vadd.f32 v18, v17;
	v18 =	vmul.f32 v33, v19;
	_ =	sdelay $0x1  }
0x173: {  	v17 =	vadd.f32 v18, v17;
	_ =	sdelay $0x1  }
0x174: {  	s17 =	sor.u32 s24, s28;
	[tilespmem:$0xCAAA] =	vst v17  }
0x175: {  	v17 =	vld [tilespmem:s17+$0x800]  }
0x176: {  	v18 =	vld [tilespmem:s17+$0x6800]  }
0x177: {  	v19 =	vld [tilespmem:s17+$0x810]  }
0x178: {  	v34 =	vld [tilespmem:s17+$0x6810]  }
0x179: {  	v35 =	vld [tilespmem:s17+$0x820]  }
0x17a: {  	v36 =	vld [tilespmem:s17+$0x6820]  }
0x17b: {  	v37 =	vld [tilespmem:s17+$0x830]  }
0x17c: {  	v38 =	vld [tilespmem:s17+$0x6830]  }
0x17d: {  	v39 =	vld [tilespmem:s17+$0x6840];
	v17 =	vmul.f32 v18, v17;
	v18 =	vmul.f32 v34, v19  }
0x17e: {  	v19 =	vld [tilespmem:s17+$0x840]  }
0x17f: {  	v40 =	vld [tilespmem:s17+$0x850];
	v17 =	vadd.f32 v18, v17;
	v18 =	vmul.f32 v36, v35  }
0x180: {  	v41 =	vld [tilespmem:s17+$0x6850]  }
0x181: {  	v42 =	vld [tilespmem:s17+$0x860];
	v17 =	vadd.f32 v18, v17;
	v18 =	vmul.f32 v38, v37  }
0x182: {  	v43 =	vld [tilespmem:s17+$0x6860]  }
0x183: {  	v44 =	vld [tilespmem:s17+$0x6870];
	v17 =	vadd.f32 v18, v17;
	v18 =	vmul.f32 v39, v19  }
0x184: {  	v19 =	vld [tilespmem:s17+$0x870]  }
0x185: {  	v17 =	vadd.f32 v18, v17;
	v18 =	vmul.f32 v41, v40;
	_ =	sdelay $0x1  }
0x186: {  	v17 =	vadd.f32 v18, v17;
	v18 =	vmul.f32 v43, v42;
	_ =	sdelay $0x1  }
0x187: {  	v17 =	vadd.f32 v18, v17;
	v18 =	vmul.f32 v44, v19;
	_ =	sdelay $0x1  }
0x188: {  	v17 =	vadd.f32 v18, v17;
	_ =	sdelay $0x1  }
0x189: {  	s17 =	sor.u32 s14, s28;
	[tilespmem:$0xCABB] =	vst v17  }
0x18a: {  	v17 =	vld [tilespmem:s17+$0x800]  }
0x18b: {  	v18 =	vld [tilespmem:s17+$0x6800]  }
0x18c: {  	v19 =	vld [tilespmem:s17+$0x810]  }
0x18d: {  	v45 =	vld [tilespmem:s17+$0x6810]  }
0x18e: {  	v46 =	vld [tilespmem:s17+$0x820]  }
0x18f: {  	v47 =	vld [tilespmem:s17+$0x6820]  }
0x190: {  	v48 =	vld [tilespmem:s17+$0x830]  }
0x191: {  	v49 =	vld [tilespmem:s17+$0x6830]  }
0x192: {  	v50 =	vld [tilespmem:s17+$0x6840];
	v17 =	vmul.f32 v18, v17;
	v18 =	vmul.f32 v45, v19  }
0x193: {  	v19 =	vld [tilespmem:s17+$0x840]  }
0x194: {  	v51 =	vld [tilespmem:s17+$0x850];
	v17 =	vadd.f32 v18, v17;
	v18 =	vmul.f32 v47, v46  }
0x195: {  	v52 =	vld [tilespmem:s17+$0x6850]  }
0x196: {  	v53 =	vld [tilespmem:s17+$0x860];
	v17 =	vadd.f32 v18, v17;
	v18 =	vmul.f32 v49, v48  }
0x197: {  	v54 =	vld [tilespmem:s17+$0x6860]  }
0x198: {  	v55 =	vld [tilespmem:s17+$0x6870];
	v17 =	vadd.f32 v18, v17;
	v18 =	vmul.f32 v50, v19  }
0x199: {  	v19 =	vld [tilespmem:s17+$0x870]  }
0x19a: {  	v17 =	vadd.f32 v18, v17;
	v18 =	vmul.f32 v52, v51;
	_ =	sdelay $0x1  }
0x19b: {  	v17 =	vadd.f32 v18, v17;
	v18 =	vmul.f32 v54, v53;
	_ =	sdelay $0x1  }
0x19c: {  	v17 =	vadd.f32 v18, v17;
	v18 =	vmul.f32 v55, v19;
	_ =	sdelay $0x1  }
0x19d: {  	v17 =	vadd.f32 v18, v17;
	_ =	sdelay $0x1  }
0x19e: {  	s17 =	sor.u32 s25, s28;
	[tilespmem:$0xCACC] =	vst v17  }
0x19f: {  	v17 =	vld [tilespmem:s17+$0x800]  }
0x1a0: {  	v18 =	vld [tilespmem:s17+$0x6800]  }
0x1a1: {  	v19 =	vld [tilespmem:s17+$0x810]  }
0x1a2: {  	v56 =	vld [tilespmem:s17+$0x6810]  }
0x1a3: {  	v57 =	vld [tilespmem:s17+$0x820]  }
0x1a4: {  	v58 =	vld [tilespmem:s17+$0x6820]  }
0x1a5: {  	v59 =	vld [tilespmem:s17+$0x830]  }
0x1a6: {  	v60 =	vld [tilespmem:s17+$0x6830]  }
0x1a7: {  	v61 =	vld [tilespmem:s17+$0x6840];
	v17 =	vmul.f32 v18, v17;
	v18 =	vmul.f32 v56, v19  }
0x1a8: {  	v19 =	vld [tilespmem:s17+$0x840]  }
0x1a9: {  	v62 =	vld [tilespmem:s17+$0x850];
	v17 =	vadd.f32 v18, v17;
	v18 =	vmul.f32 v58, v57  }
0x1aa: {  	v63 =	vld [tilespmem:s17+$0x6850]  }
0x1ab: {  	v28 =	vld [tilespmem:s17+$0x860];
	v17 =	vadd.f32 v18, v17;
	v18 =	vmul.f32 v60, v59  }
0x1ac: {  	v29 =	vld [tilespmem:s17+$0x6860]  }
0x1ad: {  	v30 =	vld [tilespmem:s17+$0x6870];
	v17 =	vadd.f32 v18, v17;
	v18 =	vmul.f32 v61, v19  }
0x1ae: {  	v19 =	vld [tilespmem:s17+$0x870]  }
0x1af: {  	v17 =	vadd.f32 v18, v17;
	v18 =	vmul.f32 v63, v62;
	_ =	sdelay $0x1  }
0x1b0: {  	v17 =	vadd.f32 v18, v17;
	v18 =	vmul.f32 v29, v28;
	_ =	sdelay $0x1  }
0x1b1: {  	v17 =	vadd.f32 v18, v17;
	v18 =	vmul.f32 v30, v19;
	_ =	sdelay $0x1  }
0x1b2: {  	v17 =	vadd.f32 v18, v17;
	_ =	sdelay $0x1  }
0x1b3: {  	s17 =	sor.u32 s15, s28;
	[tilespmem:$0xCADD] =	vst v17  }
0x1b4: {  	v17 =	vld [tilespmem:s17+$0x800]  }
0x1b5: {  	v18 =	vld [tilespmem:s17+$0x6800]  }
0x1b6: {  	v19 =	vld [tilespmem:s17+$0x810]  }
0x1b7: {  	v31 =	vld [tilespmem:s17+$0x6810]  }
0x1b8: {  	v32 =	vld [tilespmem:s17+$0x820]  }
0x1b9: {  	v33 =	vld [tilespmem:s17+$0x6820]  }
0x1ba: {  	v34 =	vld [tilespmem:s17+$0x830]  }
0x1bb: {  	v35 =	vld [tilespmem:s17+$0x6830]  }
0x1bc: {  	v36 =	vld [tilespmem:s17+$0x6840];
	v17 =	vmul.f32 v18, v17;
	v18 =	vmul.f32 v31, v19  }
0x1bd: {  	v19 =	vld [tilespmem:s17+$0x840]  }
0x1be: {  	v37 =	vld [tilespmem:s17+$0x850];
	v17 =	vadd.f32 v18, v17;
	v18 =	vmul.f32 v33, v32  }
0x1bf: {  	v38 =	vld [tilespmem:s17+$0x6850]  }
0x1c0: {  	v39 =	vld [tilespmem:s17+$0x860];
	v17 =	vadd.f32 v18, v17;
	v18 =	vmul.f32 v35, v34  }
0x1c1: {  	v40 =	vld [tilespmem:s17+$0x6860]  }
0x1c2: {  	v41 =	vld [tilespmem:s17+$0x6870];
	v17 =	vadd.f32 v18, v17;
	v18 =	vmul.f32 v36, v19  }
0x1c3: {  	v19 =	vld [tilespmem:s17+$0x870]  }
0x1c4: {  	v17 =	vadd.f32 v18, v17;
	v18 =	vmul.f32 v38, v37;
	_ =	sdelay $0x1  }
0x1c5: {  	v17 =	vadd.f32 v18, v17;
	v18 =	vmul.f32 v40, v39;
	_ =	sdelay $0x1  }
0x1c6: {  	v17 =	vadd.f32 v18, v17;
	v18 =	vmul.f32 v41, v19;
	_ =	sdelay $0x1  }
0x1c7: {  	v17 =	vadd.f32 v18, v17;
	_ =	sdelay $0x1  }
0x1c8: {  	s28 =	sor.u32 s26, s28;
	[tilespmem:$0xCAEE] =	vst v17  }
0x1c9: {  	v17 =	vld [tilespmem:s28+$0x800]  }
0x1ca: {  	v18 =	vld [tilespmem:s28+$0x6800]  }
0x1cb: {  	v19 =	vld [tilespmem:s28+$0x810]  }
0x1cc: {  	v42 =	vld [tilespmem:s28+$0x6810]  }
0x1cd: {  	v43 =	vld [tilespmem:s28+$0x820]  }
0x1ce: {  	v44 =	vld [tilespmem:s28+$0x6820]  }
0x1cf: {  	v45 =	vld [tilespmem:s28+$0x830]  }
0x1d0: {  	v46 =	vld [tilespmem:s28+$0x6830]  }
0x1d1: {  	v47 =	vld [tilespmem:s28+$0x6840];
	v17 =	vmul.f32 v18, v17;
	v18 =	vmul.f32 v42, v19  }
0x1d2: {  	v19 =	vld [tilespmem:s28+$0x840]  }
0x1d3: {  	v48 =	vld [tilespmem:s28+$0x850];
	v17 =	vadd.f32 v18, v17;
	v18 =	vmul.f32 v44, v43  }
0x1d4: {  	v49 =	vld [tilespmem:s28+$0x6850]  }
0x1d5: {  	v50 =	vld [tilespmem:s28+$0x860];
	v17 =	vadd.f32 v18, v17;
	v18 =	vmul.f32 v46, v45  }
0x1d6: {  	v51 =	vld [tilespmem:s28+$0x6860]  }
0x1d7: {  	v52 =	vld [tilespmem:s28+$0x6870];
	v17 =	vadd.f32 v18, v17;
	v18 =	vmul.f32 v47, v19  }
0x1d8: {  	v19 =	vld [tilespmem:s28+$0x870]  }
0x1d9: {  	v17 =	vadd.f32 v18, v17;
	v18 =	vmul.f32 v49, v48;
	_ =	sdelay $0x1  }
0x1da: {  	v17 =	vadd.f32 v18, v17;
	v18 =	vmul.f32 v51, v50;
	_ =	sdelay $0x1  }
0x1db: {  	v17 =	vadd.f32 v18, v17;
	v18 =	vmul.f32 v52, v19;
	_ =	sdelay $0x1  }
0x1dc: {  	v17 =	vadd.f32 v18, v17;
	_ =	sdelay $0x1  }
0x1dd: {  	[tilespmem:$0xCAFF] =	vst v17  }
0x1de: {  	v17 =	vld.idx.msk [tilespmem:v0+s0+$0x0], $0xffff  }
0x1df: {  	v18 =	vld.idx.msk [tilespmem:v1+s0+$0x0], $0xffff  }
0x1e0: {  	v19 =	vld.idx.msk [tilespmem:v2+s0+$0x0], $0xffff  }
0x1e1: {  	v53 =	vld.idx.msk [tilespmem:v3+s0+$0x0], $0xffff  }
0x1e2: {  	v54 =	vld.idx.msk [tilespmem:v4+s0+$0x0], $0xffff  }
0x1e3: {  	v55 =	vld.idx.msk [tilespmem:v5+s0+$0x0], $0xffff  }
0x1e4: {  	v56 =	vld.idx.msk [tilespmem:v6+s0+$0x0], $0xffff  }
0x1e5: {  	v57 =	vld.idx.msk [tilespmem:v7+s0+$0x0], $0xffff  }
0x1e6: {  	v25 =	vld.idx.msk [tilespmem:v8+s0+$0x0], $0xffff  }
0x1e7: {  	v26 =	vld.idx.msk [tilespmem:v9+s0+$0x0], $0xffff  }
0x1e8: {  	v27 =	vld.idx.msk [tilespmem:v10+s0+$0x0], $0xffff  }
0x1e9: {  	v28 =	vld.idx.msk [tilespmem:v11+s0+$0x0], $0xffff  }
0x1ea: {  	v29 =	vld.idx.msk [tilespmem:v12+s0+$0x0], $0xffff  }
0x1eb: {  	v30 =	vld.idx.msk [tilespmem:v13+s0+$0x0], $0xffff  }
0x1ec: {  	v31 =	vld.idx.msk [tilespmem:v14+s0+$0x0], $0xffff  }
0x1ed: {  	v32 =	vld.idx.msk [tilespmem:v15+s0+$0x0], $0xffff;
	_ =	sdelay $0x1  }
0x1ee: {  	v17 =	vadd.f32 v18, v17;
	v18 =	vadd.f32 v53, v19  }
0x1ef: {  	v19 =	vadd.f32 v55, v54;
	v58 =	vadd.f32 v57, v56  }
0x1f0: {  	v59 =	vadd.f32 v26, v25;
	v60 =	vadd.f32 v28, v27  }
0x1f1: {  	v61 =	vadd.f32 v30, v29;
	v62 =	vadd.f32 v32, v31  }
0x1f2: {  	v17 =	vadd.f32 v18, v17;
	v18 =	vadd.f32 v58, v19  }
0x1f3: {  	v19 =	vadd.f32 v60, v59;
	v63 =	vadd.f32 v62, v61  }
0x1f4: {  	p2 =	sne.s32 s16, $0x3  }
.Ltmp0:
0x1f5: {  	v17 =	vadd.f32 v18, v17;
	v18 =	vadd.f32 v63, v19;
	(pc) =	sbr.rel @p2 .LBB2_3-.Ltmp0, $4  }
0x1f6: {  	_ = 	snop  }
0x1f7: {  	s28 =	sshll.u32 s16, $0x4;
	v17 =	vadd.f32 v18, v17  }
0x1f8: {  	s17 =	sand.u32 $0x3FFFFFF0, s28  }
0x1f9: {  	s16 =	sadd.s32 $0x1, s16;
	[tilespmem:v16+s17+$0x0 ss:$0x1] =	vst.idx.msk $0xffff, v17  }
0x1fa: {  	p2 =	sgt.u32 s6, $0x4  }
0x1fb: {  	s7 =	sand.u32 @!p2 $0xFF, s7  }
0x1fc: {  	p1 =	por !p1, !p1;
	p3 =	sne.s32 @!p2 s7, $0x0  }
0x1fd: {  	p0 =	por !p0, !p0;
	s7 =	sadd.s32 $0x3, s6;
	p3 =	por p3, p2  }
0x1fe: {  	s8 =	sshll.u32 @!p3 s7, $0x7;
	s9 =	simm.s32 @!p3 $0x40;
	s10 =	simm.s32 @!p3 $0x800  }
0x1ff: {  	[tilespmem:s10], [sflag:$0x3] =	stream.indirect.gather @!p3 [hbm4b:s1+s9], $0x80, s8, s9, $0xb8;
	[tilespmem:$0xCB80] =	vst v63  }
0x200: {  	p1 =	por p2, p1;
	s8 =	sadd.s32 @!p3 $0x400, s8;
	s10 =	simm.s32 @!p3 $0x6800  }
0x201: {  	[tilespmem:s10], [sflag:$0x4] =	stream.indirect.gather @!p3 [hbm4b:s2+s9], $0x80, s8, s9, $0xb8;
	[tilespmem:$0xCB80] =	vst v63  }
0x202: {  	s8 =	sshll.u32 @!p1 s7, $0x7;
	s9 =	simm.s32 @!p1 $0x40;
	s10 =	simm.s32 @!p1 $0x2800  }
0x203: {  	[tilespmem:s10], [sflag:$0x5] =	stream.indirect.gather @!p1 [hbm4b:s1+s9], $0x80, s8, s9, $0xb8;
	[tilespmem:$0xCB80] =	vst v63  }
0x204: {  	p0 =	por p2, p0;
	s8 =	sadd.s32 @!p1 $0x400, s8;
	s10 =	simm.s32 @!p1 $0x8800  }
0x205: {  	[tilespmem:s10], [sflag:$0x6] =	stream.indirect.gather @!p1 [hbm4b:s2+s9], $0x80, s8, s9, $0xb8;
	[tilespmem:$0xCB80] =	vst v63  }
0x206: {  	s7 =	sshll.u32 @!p0 s7, $0x7;
	s8 =	simm.s32 @!p0 $0x40;
	s9 =	simm.s32 @!p0 $0x4800  }
0x207: {  	[tilespmem:s9], [sflag:$0x7] =	stream.indirect.gather @!p0 [hbm4b:s1+s8], $0x80, s7, s8, $0xb8;
	[tilespmem:$0xCB80] =	vst v63  }
0x208: {  	s6 =	sadd.s32 $0x1, s6;
	s7 =	sadd.s32 @!p0 $0x400, s7;
	s9 =	simm.s32 @!p0 $0xA800  }
0x209: {  	[tilespmem:s9], [sflag:$0x8] =	stream.indirect.gather @!p0 [hbm4b:s2+s8], $0x80, s7, s8, $0xb8;
	[tilespmem:$0xCB80] =	vst v63  }
0x20a: {  	p0 =	sne.s32 s6, $0x8  }
.Ltmp1:
0x20b: {  	_ = 	snop;
	(pc) =	sbr.rel @p0 .LBB2_2-.Ltmp1, $1  }
0x20c: {  	_ =	sdelay $0x3  }
0x20d: {  	s5 =	sadd.s32 $0x1, s5  }
0x20e: {  	p0 =	sne.s32 s5, s22  }
.Ltmp2:
0x20f: {  	s6 =	simm.s32 $0xC800;
	(pc) =	sbr.rel @p0 .LBB2_1-.Ltmp2, $4  }
0x210: {  	[hbm4b:s21+s4] =	stream.linear.scatter [tilespmem:s6], [sflag:$0x9], $0x200, $0x38;
	[tilespmem:$0xCB80] =	vst v63  }
0x211: {  	_ =	swait.ge [sflag:s3], $0x200  }
0x212: {  	[sflag:s3] =	ssyncset.done $0x0  }
0x213: {  	[sflag:s3] =	ssyncadd.s32 $0xFFFFFE00  }
0x214: {  	_ =	sfence.sel $0x180000  }
0x215: {  	[bflag:$0x0] =	sbarrier.arrive $0xFFFF  }
0x216: {  	_ =	strace $0x90000047  }
0x217: {  	s0 =	stileid.u32;
	[bflag:$0x2] =	sbarrier.arrive $0xFFFF  }
0x218: {  	p0 =	sne.s32 s0, $0x0;
	s0 =	rddreg [dreg:$0x5]  }
0x219: {  	s0 =	sadd.s32 @!p0 $0x100000, s0  }
0x21a: {  	[sflag:s0] =	ssyncadd.tile.s32 @!p0 $0x1;
	_ =	shalt  }
.Lfunc_end2:
_tile_overlayer_lowered:
.L_overlay_start_2:
0x21b: {  	(tag) =	ssettag $0x2  }
0x21c: {  	s0 =	rddreg [dreg:$0x0];
	s2 =	stileid.u32  }
0x21d: {  	s1 =	rddreg [dreg:$0x1];
	p0 =	sne.s32 s2, $0x0  }
0x21e: {  	s3 =	rddreg [dreg:$0x2];
	[bflag:$0x3] =	sbarrier.arrive $0xFFFF;
	s2 =	simm.s32 @!p0 $0x1C09  }
0x21f: {  	[timem:s3], [sflag:s2] =	dma.local @!p0 [hbm:s0], s1  }
0x220: {  	s0 =	simm.s32 @!p0 $0x9  }
0x221: {  	_ =	swait.ge @!p0 [sflag:s0], s1  }
0x222: {  	s1 =	ssub.s32 @!p0 $0x0, s1;
	[sflag:s0] =	ssyncset.done @!p0 $0x0  }
0x223: {  	[sflag:s0] =	ssyncadd.s32 @!p0 s1  }
0x224: {  	[bflag:$0x3] =	sbarrier.arrive $0xFFFF  }
0x225: {  	_ =	shalt  }

</sc_bundles>
